<compile_context>
chip_gen: v7x
topology: tpu7x:2x2x1
jax: 0.10.2.dev20260603
libtpu: 0.0.44.dev20260713+nightly
codegen_flags: <defaults>
</compile_context>

<pallas_src>
import functools

import jax
import jax.numpy as jnp
from jax import lax
from jax.experimental import pallas as pl
from jax.experimental.pallas import tpu as pltpu
from jax.experimental.pallas import tpu_sc as plsc

_N = 10000
_NP = 10240
_D = 128
_B = 512
_E = 320000
_NW = 32
_CH = 128
_S = (_E + _NW * _CH - 1) // (_NW * _CH)
_EPAD = _NW * _S * _CH
_RPW = _NP // 16
_ZR = 64
_HI = lax.Precision.HIGHEST



def _sc_agg_body(x_hbm, src_hbm, dst_hbm, out_hbm,
                 src_v, dst_v, rows_v, zero_v, agg_sh, sem):
    c = lax.axis_index("c")
    s = lax.axis_index("s")
    wid = s * 2 + c

    zeros16 = jnp.zeros((16,), jnp.float32)

    @pl.loop(0, _ZR)
    def _zero_fill(i):
        for j in range(_D // 16):
            zero_v[i, pl.ds(j * 16, 16)] = zeros16

    @pl.loop(0, _RPW // _ZR)
    def _zero_acc(k):
        pltpu.sync_copy(zero_v, agg_sh.at[pl.ds(s * _RPW + k * _ZR, _ZR)])

    plsc.subcore_barrier()

    pltpu.sync_copy(src_hbm.at[wid], src_v)
    pltpu.sync_copy(dst_hbm.at[wid], dst_v)

    @pl.loop(0, _S)
    def _edge_step(j):
        pltpu.async_copy(x_hbm.at[src_v.at[j]], rows_v, sem).wait()
        pltpu.sync_copy(rows_v, agg_sh.at[dst_v.at[j]], add=True)

    plsc.subcore_barrier()

    pltpu.sync_copy(agg_sh.at[pl.ds(s * _RPW, _RPW)],
                    out_hbm.at[c, pl.ds(s * _RPW, _RPW)])


@functools.cache
def _sc_agg_fn():
    mesh = plsc.VectorSubcoreMesh(core_axis_name="c", subcore_axis_name="s")
    return pl.kernel(
        _sc_agg_body,
        out_type=jax.ShapeDtypeStruct((2, _NP, _D), jnp.float32),
        mesh=mesh,
        scratch_types=[
            pltpu.VMEM((_S, _CH), jnp.int32),
            pltpu.VMEM((_S, _CH), jnp.int32),
            pltpu.VMEM((_CH, _D), jnp.float32),
            pltpu.VMEM((_ZR, _D), jnp.float32),
            pltpu.VMEM_SHARED((_NP, _D), jnp.float32),
            pltpu.SemaphoreType.DMA,
        ],
    )



def _mlp_body(x_ref, agg_ref, w1_ref, b1_ref, w2_ref, b2_ref,
              u_ref, sum_ref):
    i = pl.program_id(0)
    h = x_ref[...] + agg_ref[0] + agg_ref[1]
    t = jnp.maximum(lax.dot(h, w1_ref[...]) + b1_ref[...], 0.0)
    u = lax.dot(t, w2_ref[...]) + b2_ref[...]
    u_ref[...] = u

    @pl.when(i == 0)
    def _init():
        sum_ref[...] = jnp.zeros_like(sum_ref)

    rows = i * 512 + lax.broadcasted_iota(jnp.int32, (512, 1), 0)
    um = jnp.where(rows < _N, u, 0.0)
    sum_ref[...] += jnp.sum(um, axis=0, keepdims=True)



def _var_body(u_ref, sum_ref, vo_ref):
    i = pl.program_id(0)

    @pl.when(i == 0)
    def _init():
        vo_ref[...] = jnp.zeros_like(vo_ref)

    m = sum_ref[...] / _N
    rows = i * 512 + lax.broadcasted_iota(jnp.int32, (512, 1), 0)
    dd = jnp.where(rows < _N, u_ref[...] - m, 0.0)
    vo_ref[...] += jnp.sum(dd * dd, axis=0, keepdims=True)


def _var_call(u, sm):
    grid = _NP // 512
    return pl.pallas_call(
        _var_body,
        grid=(grid,),
        in_specs=[
            pl.BlockSpec((512, _D), lambda i: (i, 0)),
            pl.BlockSpec((1, _D), lambda i: (0, 0)),
        ],
        out_specs=pl.BlockSpec((1, _D), lambda i: (0, 0)),
        out_shape=jax.ShapeDtypeStruct((1, _D), jnp.float32),
    )(u, sm)


def _mlp_call(xp, agg, w1, b1, w2, b2):
    grid = _NP // 512
    return pl.pallas_call(
        _mlp_body,
        grid=(grid,),
        in_specs=[
            pl.BlockSpec((512, _D), lambda i: (i, 0)),
            pl.BlockSpec((2, 512, _D), lambda i: (0, i, 0)),
            pl.BlockSpec((_D, _D), lambda i: (0, 0)),
            pl.BlockSpec((1, _D), lambda i: (0, 0)),
            pl.BlockSpec((_D, _D), lambda i: (0, 0)),
            pl.BlockSpec((1, _D), lambda i: (0, 0)),
        ],
        out_specs=[
            pl.BlockSpec((512, _D), lambda i: (i, 0)),
            pl.BlockSpec((1, _D), lambda i: (0, 0)),
        ],
        out_shape=[
            jax.ShapeDtypeStruct((_NP, _D), jnp.float32),
            jax.ShapeDtypeStruct((1, _D), jnp.float32),
        ],
    )(xp, agg, w1, b1, w2, b2)



def _bn_body(u_ref, sum_ref, ssq_ref, g_ref, b_ref, o_ref):
    m = sum_ref[...] / _N
    v = ssq_ref[...] / _N
    o_ref[...] = jnp.maximum(
        (u_ref[...] - m) / jnp.sqrt(v + 1e-5) * g_ref[...] + b_ref[...], 0.0)


def _bn_call(u, sm, sq, g, b):
    grid = _NP // 512
    return pl.pallas_call(
        _bn_body,
        grid=(grid,),
        in_specs=[
            pl.BlockSpec((512, _D), lambda i: (i, 0)),
            pl.BlockSpec((1, _D), lambda i: (0, 0)),
            pl.BlockSpec((1, _D), lambda i: (0, 0)),
            pl.BlockSpec((1, _D), lambda i: (0, 0)),
            pl.BlockSpec((1, _D), lambda i: (0, 0)),
        ],
        out_specs=pl.BlockSpec((512, _D), lambda i: (i, 0)),
        out_shape=jax.ShapeDtypeStruct((_NP, _D), jnp.float32),
    )(u, sm, sq, g, b)



def _pool_body(x_ref, b3_ref, p_ref):
    i = pl.program_id(0)

    @pl.when(i == 0)
    def _init():
        p_ref[...] = jnp.zeros_like(p_ref)

    bids = b3_ref[0]
    ohT = (lax.broadcasted_iota(jnp.int32, (_B, 512), 0) == bids)
    p_ref[...] += lax.dot(ohT.astype(jnp.float32), x_ref[...], precision=_HI)


def _pool_call(xp, b3):
    grid = _NP // 512
    return pl.pallas_call(
        _pool_body,
        grid=(grid,),
        in_specs=[
            pl.BlockSpec((512, _D), lambda i: (i, 0)),
            pl.BlockSpec((1, 1, 512), lambda i: (i, 0, 0)),
        ],
        out_specs=pl.BlockSpec((_B, _D), lambda i: (0, 0)),
        out_shape=jax.ShapeDtypeStruct((_B, _D), jnp.float32),
    )(xp, b3)



def _head_body(p1_ref, p2_ref, relb_ref, kge_ref, w1_ref, b1_ref,
               w2_ref, b2_ref, o_ref):
    oh = (relb_ref[...] == lax.broadcasted_iota(jnp.int32, (_B, _D), 1))
    r = lax.dot(oh.astype(jnp.float32), kge_ref[...], precision=_HI)
    z = (lax.dot(p1_ref[...], w1_ref[0:_D])
         + lax.dot(p2_ref[...], w1_ref[_D:2 * _D])
         + lax.dot(r, w1_ref[2 * _D:3 * _D])
         + b1_ref[...])
    t = jnp.maximum(z, 0.0)
    o_ref[...] = lax.dot(t, w2_ref[...]) + b2_ref[...]


def _head_call(p1, p2, relb, kge_pad, fcw1, fcb1, fcw2p, fcb2p):
    return pl.pallas_call(
        _head_body,
        out_shape=jax.ShapeDtypeStruct((_B, _D), jnp.float32),
    )(p1, p2, relb, kge_pad, fcw1, fcb1, fcw2p, fcb2p)



def _prep_edges(ei):
    src = ei[0].astype(jnp.int32)
    dst = ei[1].astype(jnp.int32)
    pad = _EPAD - _E
    src = jnp.pad(src, (0, pad)).reshape(_NW, _S, _CH)
    dst = jnp.pad(dst, (0, pad), constant_values=_N).reshape(_NW, _S, _CH)
    return src, dst


def _prep_batch(b):
    bp = jnp.pad(b.astype(jnp.int32), (0, _NP - _N), constant_values=_B)
    return bp.reshape(_NP // 512, 1, 512)


def kernel(x1, edge_index1, batch1, x2, edge_index2, batch2, rel,
           W1_0, b1_0, W2_0, b2_0, gamma_0, beta_0,
           W1_1, b1_1, W2_1, b2_1, gamma_1, beta_1,
           W1_2, b1_2, W2_2, b2_2, gamma_2, beta_2,
           kge_table, fcW1, fcb1, fcW2, fcb2):
    layers = [
        (W1_0, b1_0.reshape(1, -1), W2_0, b2_0.reshape(1, -1),
         gamma_0.reshape(1, -1), beta_0.reshape(1, -1)),
        (W1_1, b1_1.reshape(1, -1), W2_1, b2_1.reshape(1, -1),
         gamma_1.reshape(1, -1), beta_1.reshape(1, -1)),
        (W1_2, b1_2.reshape(1, -1), W2_2, b2_2.reshape(1, -1),
         gamma_2.reshape(1, -1), beta_2.reshape(1, -1)),
    ]
    sc_agg = _sc_agg_fn()

    def gnn(x, ei):
        xp = jnp.pad(x, ((0, _NP - _N), (0, 0)))
        src3, dst3 = _prep_edges(ei)
        for (w1, b1, w2, b2, g, bt) in layers:
            agg = sc_agg(xp, src3, dst3)
            u, sm = _mlp_call(xp, agg, w1, b1, w2, b2)
            sq = _var_call(u, sm)
            xp = _bn_call(u, sm, sq, g, bt)
        return xp

    h1 = gnn(x1, edge_index1)
    h2 = gnn(x2, edge_index2)
    p1 = _pool_call(h1, _prep_batch(batch1))
    p2 = _pool_call(h2, _prep_batch(batch2))

    relb = jnp.broadcast_to(rel.astype(jnp.int32), (_B, _D))
    kge_pad = jnp.pad(kge_table, ((0, _D - kge_table.shape[0]), (0, 0)))
    fcw2p = jnp.pad(fcW2, ((0, 0), (0, _D - 1)))
    fcb2p = jnp.pad(fcb2, (0, _D - 1)).reshape(1, _D)
    o = _head_call(p1, p2, relb, kge_pad, fcW1, fcb1.reshape(1, -1),
                   fcw2p, fcb2p)
    return o[:, 0]

# --- scband reference (transcript-rebuilt; emitter-appended) ---
"""Pipeline reference for scband-gin-ddi-64622077935659 (READ-ONLY COPY).

The authoritative reference and input builder live on the scoring server;
editing this copy changes nothing except your own understanding.
"""

import jax, jax.numpy as jnp
import numpy as np

N = 10000
E = 320000
D = 128
H = 128
KGE = 128
B = 512
REL = 86


def setup_inputs(seed: int = 0) -> dict:
    key = jax.random.key(seed)
    ks = jax.random.split(key, 40)
    inp = {}
    inp['x1'] = jax.random.normal(ks[0], (N, D), dtype=jnp.float32)
    inp['edge_index1'] = jax.random.randint(ks[1], (2, E), 0, N)
    inp['batch1'] = jnp.sort(jax.random.randint(ks[2], (N,), 0, B))
    inp['x2'] = jax.random.normal(ks[3], (N, D), dtype=jnp.float32)
    inp['edge_index2'] = jax.random.randint(ks[4], (2, E), 0, N)
    inp['batch2'] = jnp.sort(jax.random.randint(ks[5], (N,), 0, B))
    inp['rel'] = jax.random.randint(ks[6], (B, 1), 0, REL)
    kidx = 7
    for i in range(3):
        fan = D if i == 0 else H
        inp['W1_%d' % i] = jax.random.normal(ks[kidx], (fan, H), dtype=jnp.float32) / np.sqrt(fan); kidx += 1
        inp['b1_%d' % i] = jnp.zeros((H,), dtype=jnp.float32)
        inp['W2_%d' % i] = jax.random.normal(ks[kidx], (H, H), dtype=jnp.float32) / np.sqrt(H); kidx += 1
        inp['b2_%d' % i] = jnp.zeros((H,), dtype=jnp.float32)
        inp['gamma_%d' % i] = jnp.ones((H,), dtype=jnp.float32)
        inp['beta_%d' % i] = jnp.zeros((H,), dtype=jnp.float32)
    inp['kge_table'] = jax.random.normal(ks[kidx], (REL, KGE), dtype=jnp.float32); kidx += 1
    inp['fcW1'] = jax.random.normal(ks[kidx], (2 * H + KGE, H), dtype=jnp.float32) / np.sqrt(2 * H + KGE); kidx += 1
    inp['fcb1'] = jnp.zeros((H,), dtype=jnp.float32)
    inp['fcW2'] = jax.random.normal(ks[kidx], (H, 1), dtype=jnp.float32) / np.sqrt(H); kidx += 1
    inp['fcb2'] = jnp.zeros((1,), dtype=jnp.float32)
    return inp


def _bn(h, g, b):
    m = jnp.mean(h, axis=0)
    v = jnp.var(h, axis=0)
    return (h - m) / jnp.sqrt(v + 1e-5) * g + b


def _gnn(x, ei, layers):
    src = ei[0]
    dst = ei[1]
    for (W1, b1, W2, b2, g, bt) in layers:
        # GINConv with eps=0: mlp((1+eps)*x + sum_{j in N(i)} x_j)
        agg = jnp.zeros_like(x).at[dst].add(x[src])
        h = x + agg
        h = jnp.maximum(h @ W1 + b1, 0.0) @ W2 + b2
        h = _bn(h, g, bt)
        x = jnp.maximum(h, 0.0)
        # dropout is identity in eval mode
    return x


def reference(x1, edge_index1, batch1, x2, edge_index2, batch2, rel, W1_0, b1_0, W2_0, b2_0, gamma_0, beta_0, W1_1, b1_1, W2_1, b2_1, gamma_1, beta_1, W1_2, b1_2, W2_2, b2_2, gamma_2, beta_2, kge_table, fcW1, fcb1, fcW2, fcb2):
    layers = [(W1_0, b1_0, W2_0, b2_0, gamma_0, beta_0), (W1_1, b1_1, W2_1, b2_1, gamma_1, beta_1), (W1_2, b1_2, W2_2, b2_2, gamma_2, beta_2)]
    h1 = _gnn(x1, edge_index1, layers)
    h2 = _gnn(x2, edge_index2, layers)
    p1 = jax.ops.segment_sum(h1, batch1, num_segments=B)
    p2 = jax.ops.segment_sum(h2, batch2, num_segments=B)
    r = jnp.take(kge_table, rel.reshape(-1), axis=0)
    z = jnp.concatenate([p1, p2, r], axis=-1)
    out = jnp.maximum(z @ fcW1 + fcb1, 0.0) @ fcW2 + fcb2
    return out.reshape(-1)

if __name__ == "__main__":
    import jax
    _d = setup_inputs()
    print(jax.jit(kernel)(*tuple(_d.values())))

</pallas_src>

<mosaic_0001>
#map = affine_map<(d0, d1) -> (0, 0)>
#map1 = affine_map<(d0, d1) -> (0, 0, 0)>
module attributes {stable_mosaic.version = 14 : i64} {
  func.func @_sc_agg_body(%arg0: i32, %arg1: i32, %arg2: memref<10240x128xf32, #tpu.memory_space<hbm>>, %arg3: memref<32x79x128xi32, #tpu.memory_space<hbm>>, %arg4: memref<32x79x128xi32, #tpu.memory_space<hbm>>, %arg5: memref<2x10240x128xf32, #tpu.memory_space<hbm>>, %arg6: memref<79x128xi32, #tpu.memory_space<vmem>>, %arg7: memref<79x128xi32, #tpu.memory_space<vmem>>, %arg8: memref<128x128xf32, #tpu.memory_space<vmem>>, %arg9: memref<64x128xf32, #tpu.memory_space<vmem>>, %arg10: memref<10240x128xf32, #tpu.memory_space<vmem_shared>>, %arg11: memref<!tpu.dma_semaphore, #tpu.memory_space<semaphore_mem>>) attributes {dimension_semantics = [#tpu.dimension_semantics<core_parallel>, #tpu.dimension_semantics<subcore_parallel>], iteration_bounds = array<i64: 2, 16>, scalar_prefetch = 0 : i64, scratch_operands = 6 : i64, tpu.core_type = #tpu.core_type<sc_vector_subcore>, window_params = [{transform_indices = #map}, {transform_indices = #map1}, {transform_indices = #map1}, {transform_indices = #map1}]} {
    %mul3A = arith.constant 2 : i32
    %mul3A_0 = arith.muli %arg1, %mul3A : i32
    %add3A = arith.addi %mul3A_0, %arg0 : i32
    %broadcast_in_dim3A = arith.constant 0.000000e+00 : f32
    %broadcast_in_dim3A_1 = vector.broadcast %broadcast_in_dim3A : f32 to vector<16xf32>
    %scan3A = arith.constant 0 : i32
    %scan3A_2 = arith.constant 64 : i32
    %scan3A_3 = arith.addi %scan3A, %scan3A_2 : i32
    %scan3A_4 = arith.constant 1 : i32
    scf.for %scan3A_21 = %scan3A to %scan3A_3 step %scan3A_4  : i32 {
      %mul3A_22 = arith.constant 1 : i32
      %mul3A_23 = arith.muli %scan3A_21, %mul3A_22 : i32
      %add3A_24 = arith.constant 0 : i32
      %add3A_25 = arith.addi %add3A_24, %mul3A_23 : i32
      %swap3A = arith.index_cast %add3A_25 : i32 to index
      %swap3A_26 = arith.constant 0 : index
      %swap3A_27 = tpu.vector_load %arg9[%swap3A, %swap3A_26] {strides = array<i32>} : memref<64x128xf32, #tpu.memory_space<vmem>>, vector<1x16xf32>,
      %swap3A_28 = vector.shape_cast %swap3A_27 : vector<1x16xf32> to vector<16xf32>
      %swap3A_29 = vector.shape_cast %broadcast_in_dim3A_1 : vector<16xf32> to vector<1x16xf32>
      tpu.vector_store %arg9[%swap3A, %swap3A_26], %swap3A_29 {strides = array<i32>} : memref<64x128xf32, #tpu.memory_space<vmem>>, vector<1x16xf32>,
      %swap3A_30 = arith.index_cast %add3A_25 : i32 to index
      %swap3A_31 = arith.constant 16 : index
      %swap3A_32 = tpu.vector_load %arg9[%swap3A_30, %swap3A_31] {strides = array<i32>} : memref<64x128xf32, #tpu.memory_space<vmem>>, vector<1x16xf32>,
      %swap3A_33 = vector.shape_cast %swap3A_32 : vector<1x16xf32> to vector<16xf32>
      %swap3A_34 = vector.shape_cast %broadcast_in_dim3A_1 : vector<16xf32> to vector<1x16xf32>
      tpu.vector_store %arg9[%swap3A_30, %swap3A_31], %swap3A_34 {strides = array<i32>} : memref<64x128xf32, #tpu.memory_space<vmem>>, vector<1x16xf32>,
      %swap3A_35 = arith.index_cast %add3A_25 : i32 to index
      %swap3A_36 = arith.constant 32 : index
      %swap3A_37 = tpu.vector_load %arg9[%swap3A_35, %swap3A_36] {strides = array<i32>} : memref<64x128xf32, #tpu.memory_space<vmem>>, vector<1x16xf32>,
      %swap3A_38 = vector.shape_cast %swap3A_37 : vector<1x16xf32> to vector<16xf32>
      %swap3A_39 = vector.shape_cast %broadcast_in_dim3A_1 : vector<16xf32> to vector<1x16xf32>
      tpu.vector_store %arg9[%swap3A_35, %swap3A_36], %swap3A_39 {strides = array<i32>} : memref<64x128xf32, #tpu.memory_space<vmem>>, vector<1x16xf32>,
      %swap3A_40 = arith.index_cast %add3A_25 : i32 to index
      %swap3A_41 = arith.constant 48 : index
      %swap3A_42 = tpu.vector_load %arg9[%swap3A_40, %swap3A_41] {strides = array<i32>} : memref<64x128xf32, #tpu.memory_space<vmem>>, vector<1x16xf32>,
      %swap3A_43 = vector.shape_cast %swap3A_42 : vector<1x16xf32> to vector<16xf32>
      %swap3A_44 = vector.shape_cast %broadcast_in_dim3A_1 : vector<16xf32> to vector<1x16xf32>
      tpu.vector_store %arg9[%swap3A_40, %swap3A_41], %swap3A_44 {strides = array<i32>} : memref<64x128xf32, #tpu.memory_space<vmem>>, vector<1x16xf32>,
      %swap3A_45 = arith.index_cast %add3A_25 : i32 to index
      %swap3A_46 = arith.constant 64 : index
      %swap3A_47 = tpu.vector_load %arg9[%swap3A_45, %swap3A_46] {strides = array<i32>} : memref<64x128xf32, #tpu.memory_space<vmem>>, vector<1x16xf32>,
      %swap3A_48 = vector.shape_cast %swap3A_47 : vector<1x16xf32> to vector<16xf32>
      %swap3A_49 = vector.shape_cast %broadcast_in_dim3A_1 : vector<16xf32> to vector<1x16xf32>
      tpu.vector_store %arg9[%swap3A_45, %swap3A_46], %swap3A_49 {strides = array<i32>} : memref<64x128xf32, #tpu.memory_space<vmem>>, vector<1x16xf32>,
      %swap3A_50 = arith.index_cast %add3A_25 : i32 to index
      %swap3A_51 = arith.constant 80 : index
      %swap3A_52 = tpu.vector_load %arg9[%swap3A_50, %swap3A_51] {strides = array<i32>} : memref<64x128xf32, #tpu.memory_space<vmem>>, vector<1x16xf32>,
      %swap3A_53 = vector.shape_cast %swap3A_52 : vector<1x16xf32> to vector<16xf32>
      %swap3A_54 = vector.shape_cast %broadcast_in_dim3A_1 : vector<16xf32> to vector<1x16xf32>
      tpu.vector_store %arg9[%swap3A_50, %swap3A_51], %swap3A_54 {strides = array<i32>} : memref<64x128xf32, #tpu.memory_space<vmem>>, vector<1x16xf32>,
      %swap3A_55 = arith.index_cast %add3A_25 : i32 to index
      %swap3A_56 = arith.constant 96 : index
      %swap3A_57 = tpu.vector_load %arg9[%swap3A_55, %swap3A_56] {strides = array<i32>} : memref<64x128xf32, #tpu.memory_space<vmem>>, vector<1x16xf32>,
      %swap3A_58 = vector.shape_cast %swap3A_57 : vector<1x16xf32> to vector<16xf32>
      %swap3A_59 = vector.shape_cast %broadcast_in_dim3A_1 : vector<16xf32> to vector<1x16xf32>
      tpu.vector_store %arg9[%swap3A_55, %swap3A_56], %swap3A_59 {strides = array<i32>} : memref<64x128xf32, #tpu.memory_space<vmem>>, vector<1x16xf32>,
      %swap3A_60 = arith.index_cast %add3A_25 : i32 to index
      %swap3A_61 = arith.constant 112 : index
      %swap3A_62 = tpu.vector_load %arg9[%swap3A_60, %swap3A_61] {strides = array<i32>} : memref<64x128xf32, #tpu.memory_space<vmem>>, vector<1x16xf32>,
      %swap3A_63 = vector.shape_cast %swap3A_62 : vector<1x16xf32> to vector<16xf32>
      %swap3A_64 = vector.shape_cast %broadcast_in_dim3A_1 : vector<16xf32> to vector<1x16xf32>
      tpu.vector_store %arg9[%swap3A_60, %swap3A_61], %swap3A_64 {strides = array<i32>} : memref<64x128xf32, #tpu.memory_space<vmem>>, vector<1x16xf32>,
    }
    %scan3A_5 = arith.constant 64 : i32
    %scan3A_6 = arith.constant 0 : i32
    %scan3A_7 = arith.constant 10 : i32
    %scan3A_8 = arith.addi %scan3A_6, %scan3A_7 : i32
    %scan3A_9 = arith.constant 1 : i32
    scf.for %scan3A_21 = %scan3A_6 to %scan3A_8 step %scan3A_9  : i32 {
      %mul3A_22 = arith.constant 1 : i32
      %mul3A_23 = arith.muli %scan3A_21, %mul3A_22 : i32
      %add3A_24 = arith.constant 0 : i32
      %add3A_25 = arith.addi %add3A_24, %mul3A_23 : i32
      %mul3A_26 = arith.constant 640 : i32
      %mul3A_27 = arith.muli %arg1, %mul3A_26 : i32
      %mul3A_28 = arith.constant 64 : i32
      %mul3A_29 = arith.muli %add3A_25, %mul3A_28 : i32
      %add3A_30 = arith.addi %mul3A_27, %mul3A_29 : i32
      "tpu.region"() ({
        %run_scoped3A = tpu.sem_alloc : memref<!tpu.dma_semaphore, #tpu.memory_space<semaphore_mem>>
        %dma_start3A = arith.constant 0 : i32
        %dma_start3A_31 = tpu.memref_slice %arg10[%add3A_30, %dma_start3A] : memref<10240x128xf32, #tpu.memory_space<vmem_shared>> -> memref<64x128xf32, #tpu.memory_space<vmem_shared>>
        %dma_start3A_32 = arith.constant 0 : i32
        %dma_start3A_33 = tpu.memref_slice %arg10[%add3A_30, %dma_start3A_32] : memref<10240x128xf32, #tpu.memory_space<vmem_shared>> -> memref<64x128xf32, #tpu.memory_space<vmem_shared>>
        tpu.enqueue_dma source(%arg9 : memref<64x128xf32, #tpu.memory_space<vmem>>) target(%dma_start3A_33 : memref<64x128xf32, #tpu.memory_space<vmem_shared>>) target_semaphore(%run_scoped3A : memref<!tpu.dma_semaphore, #tpu.memory_space<semaphore_mem>>)
        %dma_wait3A = arith.constant 0 : i32
        %dma_wait3A_34 = tpu.memref_slice %arg10[%add3A_30, %dma_wait3A] : memref<10240x128xf32, #tpu.memory_space<vmem_shared>> -> memref<64x128xf32, #tpu.memory_space<vmem_shared>>
        %dma_wait3A_35 = arith.constant 0 : i32
        %dma_wait3A_36 = tpu.memref_slice %arg10[%add3A_30, %dma_wait3A_35] : memref<10240x128xf32, #tpu.memory_space<vmem_shared>> -> memref<64x128xf32, #tpu.memory_space<vmem_shared>>
        tpu.wait_dma2 semaphore(%run_scoped3A : memref<!tpu.dma_semaphore, #tpu.memory_space<semaphore_mem>>) src(%arg9 : memref<64x128xf32, #tpu.memory_space<vmem>>) dst(%dma_wait3A_36 : memref<64x128xf32, #tpu.memory_space<vmem_shared>>)
        tpu.yield
      }) : () -> ()
    }
    %scan3A_10 = arith.constant 10 : i32
    %barrier3A = arith.constant 0 : index
    tpu.barrier barrier_id(%barrier3A)
    "tpu.region"() ({
      %run_scoped3A = tpu.sem_alloc : memref<!tpu.dma_semaphore, #tpu.memory_space<semaphore_mem>>
      %dma_start3A = arith.constant 0 : i32
      %dma_start3A_21 = arith.constant 0 : i32
      %dma_start3A_22 = tpu.memref_slice %arg3[%add3A, %dma_start3A, %dma_start3A_21] : memref<32x79x128xi32, #tpu.memory_space<hbm>> -> memref<1x79x128xi32, #tpu.memory_space<hbm>>
      %dma_start3A_23 = tpu.memref_squeeze %dma_start3A_22 : memref<1x79x128xi32, #tpu.memory_space<hbm>> -> memref<79x128xi32, #tpu.memory_space<hbm>>
      %dma_start3A_24 = arith.constant 0 : i32
      %dma_start3A_25 = arith.constant 0 : i32
      %dma_start3A_26 = tpu.memref_slice %arg3[%add3A, %dma_start3A_24, %dma_start3A_25] : memref<32x79x128xi32, #tpu.memory_space<hbm>> -> memref<1x79x128xi32, #tpu.memory_space<hbm>>
      %dma_start3A_27 = tpu.memref_squeeze %dma_start3A_26 : memref<1x79x128xi32, #tpu.memory_space<hbm>> -> memref<79x128xi32, #tpu.memory_space<hbm>>
      tpu.enqueue_dma source(%dma_start3A_27 : memref<79x128xi32, #tpu.memory_space<hbm>>) target(%arg6 : memref<79x128xi32, #tpu.memory_space<vmem>>) target_semaphore(%run_scoped3A : memref<!tpu.dma_semaphore, #tpu.memory_space<semaphore_mem>>)
      %dma_wait3A = arith.constant 0 : i32
      %dma_wait3A_28 = arith.constant 0 : i32
      %dma_wait3A_29 = tpu.memref_slice %arg3[%add3A, %dma_wait3A, %dma_wait3A_28] : memref<32x79x128xi32, #tpu.memory_space<hbm>> -> memref<1x79x128xi32, #tpu.memory_space<hbm>>
      %dma_wait3A_30 = tpu.memref_squeeze %dma_wait3A_29 : memref<1x79x128xi32, #tpu.memory_space<hbm>> -> memref<79x128xi32, #tpu.memory_space<hbm>>
      %dma_wait3A_31 = arith.constant 0 : i32
      %dma_wait3A_32 = arith.constant 0 : i32
      %dma_wait3A_33 = tpu.memref_slice %arg3[%add3A, %dma_wait3A_31, %dma_wait3A_32] : memref<32x79x128xi32, #tpu.memory_space<hbm>> -> memref<1x79x128xi32, #tpu.memory_space<hbm>>
      %dma_wait3A_34 = tpu.memref_squeeze %dma_wait3A_33 : memref<1x79x128xi32, #tpu.memory_space<hbm>> -> memref<79x128xi32, #tpu.memory_space<hbm>>
      tpu.wait_dma2 semaphore(%run_scoped3A : memref<!tpu.dma_semaphore, #tpu.memory_space<semaphore_mem>>) src(%dma_wait3A_34 : memref<79x128xi32, #tpu.memory_space<hbm>>) dst(%arg6 : memref<79x128xi32, #tpu.memory_space<vmem>>)
      tpu.yield
    }) : () -> ()
    "tpu.region"() ({
      %run_scoped3A = tpu.sem_alloc : memref<!tpu.dma_semaphore, #tpu.memory_space<semaphore_mem>>
      %dma_start3A = arith.constant 0 : i32
      %dma_start3A_21 = arith.constant 0 : i32
      %dma_start3A_22 = tpu.memref_slice %arg4[%add3A, %dma_start3A, %dma_start3A_21] : memref<32x79x128xi32, #tpu.memory_space<hbm>> -> memref<1x79x128xi32, #tpu.memory_space<hbm>>
      %dma_start3A_23 = tpu.memref_squeeze %dma_start3A_22 : memref<1x79x128xi32, #tpu.memory_space<hbm>> -> memref<79x128xi32, #tpu.memory_space<hbm>>
      %dma_start3A_24 = arith.constant 0 : i32
      %dma_start3A_25 = arith.constant 0 : i32
      %dma_start3A_26 = tpu.memref_slice %arg4[%add3A, %dma_start3A_24, %dma_start3A_25] : memref<32x79x128xi32, #tpu.memory_space<hbm>> -> memref<1x79x128xi32, #tpu.memory_space<hbm>>
      %dma_start3A_27 = tpu.memref_squeeze %dma_start3A_26 : memref<1x79x128xi32, #tpu.memory_space<hbm>> -> memref<79x128xi32, #tpu.memory_space<hbm>>
      tpu.enqueue_dma source(%dma_start3A_27 : memref<79x128xi32, #tpu.memory_space<hbm>>) target(%arg7 : memref<79x128xi32, #tpu.memory_space<vmem>>) target_semaphore(%run_scoped3A : memref<!tpu.dma_semaphore, #tpu.memory_space<semaphore_mem>>)
      %dma_wait3A = arith.constant 0 : i32
      %dma_wait3A_28 = arith.constant 0 : i32
      %dma_wait3A_29 = tpu.memref_slice %arg4[%add3A, %dma_wait3A, %dma_wait3A_28] : memref<32x79x128xi32, #tpu.memory_space<hbm>> -> memref<1x79x128xi32, #tpu.memory_space<hbm>>
      %dma_wait3A_30 = tpu.memref_squeeze %dma_wait3A_29 : memref<1x79x128xi32, #tpu.memory_space<hbm>> -> memref<79x128xi32, #tpu.memory_space<hbm>>
      %dma_wait3A_31 = arith.constant 0 : i32
      %dma_wait3A_32 = arith.constant 0 : i32
      %dma_wait3A_33 = tpu.memref_slice %arg4[%add3A, %dma_wait3A_31, %dma_wait3A_32] : memref<32x79x128xi32, #tpu.memory_space<hbm>> -> memref<1x79x128xi32, #tpu.memory_space<hbm>>
      %dma_wait3A_34 = tpu.memref_squeeze %dma_wait3A_33 : memref<1x79x128xi32, #tpu.memory_space<hbm>> -> memref<79x128xi32, #tpu.memory_space<hbm>>
      tpu.wait_dma2 semaphore(%run_scoped3A : memref<!tpu.dma_semaphore, #tpu.memory_space<semaphore_mem>>) src(%dma_wait3A_34 : memref<79x128xi32, #tpu.memory_space<hbm>>) dst(%arg7 : memref<79x128xi32, #tpu.memory_space<vmem>>)
      tpu.yield
    }) : () -> ()
    %scan3A_11 = arith.constant 0 : i32
    %scan3A_12 = arith.constant 79 : i32
    %scan3A_13 = arith.addi %scan3A_11, %scan3A_12 : i32
    %scan3A_14 = arith.constant 1 : i32
    scf.for %scan3A_21 = %scan3A_11 to %scan3A_13 step %scan3A_14  : i32 {
      %mul3A_22 = arith.constant 1 : i32
      %mul3A_23 = arith.muli %scan3A_21, %mul3A_22 : i32
      %add3A_24 = arith.constant 0 : i32
      %add3A_25 = arith.addi %add3A_24, %mul3A_23 : i32
      %dma_start3A = arith.constant 0 : i32
      %dma_start3A_26 = tpu.memref_slice %arg6[%add3A_25, %dma_start3A] : memref<79x128xi32, #tpu.memory_space<vmem>> -> memref<1x128xi32, #tpu.memory_space<vmem>>
      %dma_start3A_27 = tpu.memref_squeeze %dma_start3A_26 : memref<1x128xi32, #tpu.memory_space<vmem>> -> memref<128xi32, #tpu.memory_space<vmem>>
      %dma_start3A_28 = arith.constant 0 : i32
      %dma_start3A_29 = arith.constant 0 : i32
      %dma_start3A_30 = tpu.memref_slice %arg2[%dma_start3A_28, %dma_start3A_29] : memref<10240x128xf32, #tpu.memory_space<hbm>> -> memref<10240x128xf32, #tpu.memory_space<hbm>>
      tpu.enqueue_indirect_dma source(%dma_start3A_30 : memref<10240x128xf32, #tpu.memory_space<hbm>>) target(%arg8 : memref<128x128xf32, #tpu.memory_space<vmem>>) offsets(%dma_start3A_27 : memref<128xi32, #tpu.memory_space<vmem>>) semaphore(%arg11 : memref<!tpu.dma_semaphore, #tpu.memory_space<semaphore_mem>>)
      %dma_wait3A = arith.constant 0 : i32
      %dma_wait3A_31 = tpu.memref_slice %arg6[%add3A_25, %dma_wait3A] : memref<79x128xi32, #tpu.memory_space<vmem>> -> memref<1x128xi32, #tpu.memory_space<vmem>>
      %dma_wait3A_32 = tpu.memref_squeeze %dma_wait3A_31 : memref<1x128xi32, #tpu.memory_space<vmem>> -> memref<128xi32, #tpu.memory_space<vmem>>
      %dma_wait3A_33 = arith.constant 0 : i32
      %dma_wait3A_34 = arith.constant 0 : i32
      %dma_wait3A_35 = tpu.memref_slice %arg2[%dma_wait3A_33, %dma_wait3A_34] : memref<10240x128xf32, #tpu.memory_space<hbm>> -> memref<10240x128xf32, #tpu.memory_space<hbm>>
      tpu.wait_indirect_dma semaphore(%arg11 : memref<!tpu.dma_semaphore, #tpu.memory_space<semaphore_mem>>) src(%dma_wait3A_35 : memref<10240x128xf32, #tpu.memory_space<hbm>>) dst(%arg8 : memref<128x128xf32, #tpu.memory_space<vmem>>)
      "tpu.region"() ({
        %run_scoped3A = tpu.sem_alloc : memref<!tpu.dma_semaphore, #tpu.memory_space<semaphore_mem>>
        %dma_start3A_36 = arith.constant 0 : i32
        %dma_start3A_37 = tpu.memref_slice %arg7[%add3A_25, %dma_start3A_36] : memref<79x128xi32, #tpu.memory_space<vmem>> -> memref<1x128xi32, #tpu.memory_space<vmem>>
        %dma_start3A_38 = tpu.memref_squeeze %dma_start3A_37 : memref<1x128xi32, #tpu.memory_space<vmem>> -> memref<128xi32, #tpu.memory_space<vmem>>
        %dma_start3A_39 = arith.constant 0 : i32
        %dma_start3A_40 = arith.constant 0 : i32
        %dma_start3A_41 = tpu.memref_slice %arg10[%dma_start3A_39, %dma_start3A_40] : memref<10240x128xf32, #tpu.memory_space<vmem_shared>> -> memref<10240x128xf32, #tpu.memory_space<vmem_shared>>
        tpu.enqueue_indirect_dma source(%arg8 : memref<128x128xf32, #tpu.memory_space<vmem>>) target(%dma_start3A_41 : memref<10240x128xf32, #tpu.memory_space<vmem_shared>>) offsets(%dma_start3A_38 : memref<128xi32, #tpu.memory_space<vmem>>) semaphore(%run_scoped3A : memref<!tpu.dma_semaphore, #tpu.memory_space<semaphore_mem>>) {add = true}
        %dma_wait3A_42 = arith.constant 0 : i32
        %dma_wait3A_43 = tpu.memref_slice %arg7[%add3A_25, %dma_wait3A_42] : memref<79x128xi32, #tpu.memory_space<vmem>> -> memref<1x128xi32, #tpu.memory_space<vmem>>
        %dma_wait3A_44 = tpu.memref_squeeze %dma_wait3A_43 : memref<1x128xi32, #tpu.memory_space<vmem>> -> memref<128xi32, #tpu.memory_space<vmem>>
        %dma_wait3A_45 = arith.constant 0 : i32
        %dma_wait3A_46 = arith.constant 0 : i32
        %dma_wait3A_47 = tpu.memref_slice %arg10[%dma_wait3A_45, %dma_wait3A_46] : memref<10240x128xf32, #tpu.memory_space<vmem_shared>> -> memref<10240x128xf32, #tpu.memory_space<vmem_shared>>
        tpu.wait_indirect_dma semaphore(%run_scoped3A : memref<!tpu.dma_semaphore, #tpu.memory_space<semaphore_mem>>) src(%arg8 : memref<128x128xf32, #tpu.memory_space<vmem>>) dst(%dma_wait3A_47 : memref<10240x128xf32, #tpu.memory_space<vmem_shared>>)
        tpu.yield
      }) : () -> ()
    }
    %scan3A_15 = arith.constant 79 : i32
    %barrier3A_16 = arith.constant 0 : index
    tpu.barrier barrier_id(%barrier3A_16)
    %mul3A_17 = arith.constant 640 : i32
    %mul3A_18 = arith.muli %arg1, %mul3A_17 : i32
    %mul3A_19 = arith.constant 640 : i32
    %mul3A_20 = arith.muli %arg1, %mul3A_19 : i32
    "tpu.region"() ({
      %run_scoped3A = tpu.sem_alloc : memref<!tpu.dma_semaphore, #tpu.memory_space<semaphore_mem>>
      %dma_start3A = arith.constant 0 : i32
      %dma_start3A_21 = tpu.memref_slice %arg5[%arg0, %mul3A_20, %dma_start3A] : memref<2x10240x128xf32, #tpu.memory_space<hbm>> -> memref<1x640x128xf32, #tpu.memory_space<hbm>>
      %dma_start3A_22 = tpu.memref_squeeze %dma_start3A_21 : memref<1x640x128xf32, #tpu.memory_space<hbm>> -> memref<640x128xf32, #tpu.memory_space<hbm>>
      %dma_start3A_23 = arith.constant 0 : i32
      %dma_start3A_24 = tpu.memref_slice %arg10[%mul3A_18, %dma_start3A_23] : memref<10240x128xf32, #tpu.memory_space<vmem_shared>> -> memref<640x128xf32, #tpu.memory_space<vmem_shared>>
      tpu.enqueue_dma source(%dma_start3A_24 : memref<640x128xf32, #tpu.memory_space<vmem_shared>>) target(%dma_start3A_22 : memref<640x128xf32, #tpu.memory_space<hbm>>) target_semaphore(%run_scoped3A : memref<!tpu.dma_semaphore, #tpu.memory_space<semaphore_mem>>)
      %dma_wait3A = arith.constant 0 : i32
      %dma_wait3A_25 = tpu.memref_slice %arg5[%arg0, %mul3A_20, %dma_wait3A] : memref<2x10240x128xf32, #tpu.memory_space<hbm>> -> memref<1x640x128xf32, #tpu.memory_space<hbm>>
      %dma_wait3A_26 = tpu.memref_squeeze %dma_wait3A_25 : memref<1x640x128xf32, #tpu.memory_space<hbm>> -> memref<640x128xf32, #tpu.memory_space<hbm>>
      %dma_wait3A_27 = arith.constant 0 : i32
      %dma_wait3A_28 = tpu.memref_slice %arg10[%mul3A_18, %dma_wait3A_27] : memref<10240x128xf32, #tpu.memory_space<vmem_shared>> -> memref<640x128xf32, #tpu.memory_space<vmem_shared>>
      tpu.wait_dma2 semaphore(%run_scoped3A : memref<!tpu.dma_semaphore, #tpu.memory_space<semaphore_mem>>) src(%dma_wait3A_28 : memref<640x128xf32, #tpu.memory_space<vmem_shared>>) dst(%dma_wait3A_26 : memref<640x128xf32, #tpu.memory_space<hbm>>)
      tpu.yield
    }) : () -> ()
    return
  }
}

#map = affine_map<(d0, d1) -> (0, 0)>
#map1 = affine_map<(d0, d1) -> (0, 0, 0)>
module attributes {stable_mosaic.version = 14 : i64} {
  func.func @_sc_agg_body(%arg0: i32, %arg1: i32, %arg2: memref<10240x128xf32, #tpu.memory_space<hbm>>, %arg3: memref<32x79x128xi32, #tpu.memory_space<hbm>>, %arg4: memref<32x79x128xi32, #tpu.memory_space<hbm>>, %arg5: memref<2x10240x128xf32, #tpu.memory_space<hbm>>, %arg6: memref<79x128xi32, #tpu.memory_space<vmem>>, %arg7: memref<79x128xi32, #tpu.memory_space<vmem>>, %arg8: memref<128x128xf32, #tpu.memory_space<vmem>>, %arg9: memref<64x128xf32, #tpu.memory_space<vmem>>, %arg10: memref<10240x128xf32, #tpu.memory_space<vmem_shared>>, %arg11: memref<!tpu.dma_semaphore, #tpu.memory_space<semaphore_mem>>) attributes {dimension_semantics = [#tpu.dimension_semantics<core_parallel>, #tpu.dimension_semantics<subcore_parallel>], iteration_bounds = array<i64: 2, 16>, scalar_prefetch = 0 : i64, scratch_operands = 6 : i64, tpu.core_type = #tpu.core_type<sc_vector_subcore>, window_params = [{transform_indices = #map}, {transform_indices = #map1}, {transform_indices = #map1}, {transform_indices = #map1}]} {
    %mul3A = arith.constant 2 : i32
    %mul3A_0 = arith.muli %arg1, %mul3A : i32
    %add3A = arith.addi %mul3A_0, %arg0 : i32
    %broadcast_in_dim3A = arith.constant 0.000000e+00 : f32
    %broadcast_in_dim3A_1 = vector.broadcast %broadcast_in_dim3A : f32 to vector<16xf32>
    %scan3A = arith.constant 0 : i32
    %scan3A_2 = arith.constant 64 : i32
    %scan3A_3 = arith.addi %scan3A, %scan3A_2 : i32
    %scan3A_4 = arith.constant 1 : i32
    scf.for %scan3A_21 = %scan3A to %scan3A_3 step %scan3A_4  : i32 {
      %mul3A_22 = arith.constant 1 : i32
      %mul3A_23 = arith.muli %scan3A_21, %mul3A_22 : i32
      %add3A_24 = arith.constant 0 : i32
      %add3A_25 = arith.addi %add3A_24, %mul3A_23 : i32
      %swap3A = arith.index_cast %add3A_25 : i32 to index
      %swap3A_26 = arith.constant 0 : index
      %swap3A_27 = tpu.vector_load %arg9[%swap3A, %swap3A_26] {strides = array<i32>} : memref<64x128xf32, #tpu.memory_space<vmem>>, vector<1x16xf32>,
      %swap3A_28 = vector.shape_cast %swap3A_27 : vector<1x16xf32> to vector<16xf32>
      %swap3A_29 = vector.shape_cast %broadcast_in_dim3A_1 : vector<16xf32> to vector<1x16xf32>
      tpu.vector_store %arg9[%swap3A, %swap3A_26], %swap3A_29 {strides = array<i32>} : memref<64x128xf32, #tpu.memory_space<vmem>>, vector<1x16xf32>,
      %swap3A_30 = arith.index_cast %add3A_25 : i32 to index
      %swap3A_31 = arith.constant 16 : index
      %swap3A_32 = tpu.vector_load %arg9[%swap3A_30, %swap3A_31] {strides = array<i32>} : memref<64x128xf32, #tpu.memory_space<vmem>>, vector<1x16xf32>,
      %swap3A_33 = vector.shape_cast %swap3A_32 : vector<1x16xf32> to vector<16xf32>
      %swap3A_34 = vector.shape_cast %broadcast_in_dim3A_1 : vector<16xf32> to vector<1x16xf32>
      tpu.vector_store %arg9[%swap3A_30, %swap3A_31], %swap3A_34 {strides = array<i32>} : memref<64x128xf32, #tpu.memory_space<vmem>>, vector<1x16xf32>,
      %swap3A_35 = arith.index_cast %add3A_25 : i32 to index
      %swap3A_36 = arith.constant 32 : index
      %swap3A_37 = tpu.vector_load %arg9[%swap3A_35, %swap3A_36] {strides = array<i32>} : memref<64x128xf32, #tpu.memory_space<vmem>>, vector<1x16xf32>,
      %swap3A_38 = vector.shape_cast %swap3A_37 : vector<1x16xf32> to vector<16xf32>
      %swap3A_39 = vector.shape_cast %broadcast_in_dim3A_1 : vector<16xf32> to vector<1x16xf32>
      tpu.vector_store %arg9[%swap3A_35, %swap3A_36], %swap3A_39 {strides = array<i32>} : memref<64x128xf32, #tpu.memory_space<vmem>>, vector<1x16xf32>,
      %swap3A_40 = arith.index_cast %add3A_25 : i32 to index
      %swap3A_41 = arith.constant 48 : index
      %swap3A_42 = tpu.vector_load %arg9[%swap3A_40, %swap3A_41] {strides = array<i32>} : memref<64x128xf32, #tpu.memory_space<vmem>>, vector<1x16xf32>,
      %swap3A_43 = vector.shape_cast %swap3A_42 : vector<1x16xf32> to vector<16xf32>
      %swap3A_44 = vector.shape_cast %broadcast_in_dim3A_1 : vector<16xf32> to vector<1x16xf32>
      tpu.vector_store %arg9[%swap3A_40, %swap3A_41], %swap3A_44 {strides = array<i32>} : memref<64x128xf32, #tpu.memory_space<vmem>>, vector<1x16xf32>,
      %swap3A_45 = arith.index_cast %add3A_25 : i32 to index
      %swap3A_46 = arith.constant 64 : index
      %swap3A_47 = tpu.vector_load %arg9[%swap3A_45, %swap3A_46] {strides = array<i32>} : memref<64x128xf32, #tpu.memory_space<vmem>>, vector<1x16xf32>,
      %swap3A_48 = vector.shape_cast %swap3A_47 : vector<1x16xf32> to vector<16xf32>
      %swap3A_49 = vector.shape_cast %broadcast_in_dim3A_1 : vector<16xf32> to vector<1x16xf32>
      tpu.vector_store %arg9[%swap3A_45, %swap3A_46], %swap3A_49 {strides = array<i32>} : memref<64x128xf32, #tpu.memory_space<vmem>>, vector<1x16xf32>,
      %swap3A_50 = arith.index_cast %add3A_25 : i32 to index
      %swap3A_51 = arith.constant 80 : index
      %swap3A_52 = tpu.vector_load %arg9[%swap3A_50, %swap3A_51] {strides = array<i32>} : memref<64x128xf32, #tpu.memory_space<vmem>>, vector<1x16xf32>,
      %swap3A_53 = vector.shape_cast %swap3A_52 : vector<1x16xf32> to vector<16xf32>
      %swap3A_54 = vector.shape_cast %broadcast_in_dim3A_1 : vector<16xf32> to vector<1x16xf32>
      tpu.vector_store %arg9[%swap3A_50, %swap3A_51], %swap3A_54 {strides = array<i32>} : memref<64x128xf32, #tpu.memory_space<vmem>>, vector<1x16xf32>,
      %swap3A_55 = arith.index_cast %add3A_25 : i32 to index
      %swap3A_56 = arith.constant 96 : index
      %swap3A_57 = tpu.vector_load %arg9[%swap3A_55, %swap3A_56] {strides = array<i32>} : memref<64x128xf32, #tpu.memory_space<vmem>>, vector<1x16xf32>,
      %swap3A_58 = vector.shape_cast %swap3A_57 : vector<1x16xf32> to vector<16xf32>
      %swap3A_59 = vector.shape_cast %broadcast_in_dim3A_1 : vector<16xf32> to vector<1x16xf32>
      tpu.vector_store %arg9[%swap3A_55, %swap3A_56], %swap3A_59 {strides = array<i32>} : memref<64x128xf32, #tpu.memory_space<vmem>>, vector<1x16xf32>,
      %swap3A_60 = arith.index_cast %add3A_25 : i32 to index
      %swap3A_61 = arith.constant 112 : index
      %swap3A_62 = tpu.vector_load %arg9[%swap3A_60, %swap3A_61] {strides = array<i32>} : memref<64x128xf32, #tpu.memory_space<vmem>>, vector<1x16xf32>,
      %swap3A_63 = vector.shape_cast %swap3A_62 : vector<1x16xf32> to vector<16xf32>
      %swap3A_64 = vector.shape_cast %broadcast_in_dim3A_1 : vector<16xf32> to vector<1x16xf32>
      tpu.vector_store %arg9[%swap3A_60, %swap3A_61], %swap3A_64 {strides = array<i32>} : memref<64x128xf32, #tpu.memory_space<vmem>>, vector<1x16xf32>,
    }
    %scan3A_5 = arith.constant 64 : i32
    %scan3A_6 = arith.constant 0 : i32
    %scan3A_7 = arith.constant 10 : i32
    %scan3A_8 = arith.addi %scan3A_6, %scan3A_7 : i32
    %scan3A_9 = arith.constant 1 : i32
    scf.for %scan3A_21 = %scan3A_6 to %scan3A_8 step %scan3A_9  : i32 {
      %mul3A_22 = arith.constant 1 : i32
      %mul3A_23 = arith.muli %scan3A_21, %mul3A_22 : i32
      %add3A_24 = arith.constant 0 : i32
      %add3A_25 = arith.addi %add3A_24, %mul3A_23 : i32
      %mul3A_26 = arith.constant 640 : i32
      %mul3A_27 = arith.muli %arg1, %mul3A_26 : i32
      %mul3A_28 = arith.constant 64 : i32
      %mul3A_29 = arith.muli %add3A_25, %mul3A_28 : i32
      %add3A_30 = arith.addi %mul3A_27, %mul3A_29 : i32
      "tpu.region"() ({
        %run_scoped3A = tpu.sem_alloc : memref<!tpu.dma_semaphore, #tpu.memory_space<semaphore_mem>>
        %dma_start3A = arith.constant 0 : i32
        %dma_start3A_31 = tpu.memref_slice %arg10[%add3A_30, %dma_start3A] : memref<10240x128xf32, #tpu.memory_space<vmem_shared>> -> memref<64x128xf32, #tpu.memory_space<vmem_shared>>
        %dma_start3A_32 = arith.constant 0 : i32
        %dma_start3A_33 = tpu.memref_slice %arg10[%add3A_30, %dma_start3A_32] : memref<10240x128xf32, #tpu.memory_space<vmem_shared>> -> memref<64x128xf32, #tpu.memory_space<vmem_shared>>
        tpu.enqueue_dma source(%arg9 : memref<64x128xf32, #tpu.memory_space<vmem>>) target(%dma_start3A_33 : memref<64x128xf32, #tpu.memory_space<vmem_shared>>) target_semaphore(%run_scoped3A : memref<!tpu.dma_semaphore, #tpu.memory_space<semaphore_mem>>)
        %dma_wait3A = arith.constant 0 : i32
        %dma_wait3A_34 = tpu.memref_slice %arg10[%add3A_30, %dma_wait3A] : memref<10240x128xf32, #tpu.memory_space<vmem_shared>> -> memref<64x128xf32, #tpu.memory_space<vmem_shared>>
        %dma_wait3A_35 = arith.constant 0 : i32
        %dma_wait3A_36 = tpu.memref_slice %arg10[%add3A_30, %dma_wait3A_35] : memref<10240x128xf32, #tpu.memory_space<vmem_shared>> -> memref<64x128xf32, #tpu.memory_space<vmem_shared>>
        tpu.wait_dma2 semaphore(%run_scoped3A : memref<!tpu.dma_semaphore, #tpu.memory_space<semaphore_mem>>) src(%arg9 : memref<64x128xf32, #tpu.memory_space<vmem>>) dst(%dma_wait3A_36 : memref<64x128xf32, #tpu.memory_space<vmem_shared>>)
        tpu.yield
      }) : () -> ()
    }
    %scan3A_10 = arith.constant 10 : i32
    %barrier3A = arith.constant 0 : index
    tpu.barrier barrier_id(%barrier3A)
    "tpu.region"() ({
      %run_scoped3A = tpu.sem_alloc : memref<!tpu.dma_semaphore, #tpu.memory_space<semaphore_mem>>
      %dma_start3A = arith.constant 0 : i32
      %dma_start3A_21 = arith.constant 0 : i32
      %dma_start3A_22 = tpu.memref_slice %arg3[%add3A, %dma_start3A, %dma_start3A_21] : memref<32x79x128xi32, #tpu.memory_space<hbm>> -> memref<1x79x128xi32, #tpu.memory_space<hbm>>
      %dma_start3A_23 = tpu.memref_squeeze %dma_start3A_22 : memref<1x79x128xi32, #tpu.memory_space<hbm>> -> memref<79x128xi32, #tpu.memory_space<hbm>>
      %dma_start3A_24 = arith.constant 0 : i32
      %dma_start3A_25 = arith.constant 0 : i32
      %dma_start3A_26 = tpu.memref_slice %arg3[%add3A, %dma_start3A_24, %dma_start3A_25] : memref<32x79x128xi32, #tpu.memory_space<hbm>> -> memref<1x79x128xi32, #tpu.memory_space<hbm>>
      %dma_start3A_27 = tpu.memref_squeeze %dma_start3A_26 : memref<1x79x128xi32, #tpu.memory_space<hbm>> -> memref<79x128xi32, #tpu.memory_space<hbm>>
      tpu.enqueue_dma source(%dma_start3A_27 : memref<79x128xi32, #tpu.memory_space<hbm>>) target(%arg6 : memref<79x128xi32, #tpu.memory_space<vmem>>) target_semaphore(%run_scoped3A : memref<!tpu.dma_semaphore, #tpu.memory_space<semaphore_mem>>)
      %dma_wait3A = arith.constant 0 : i32
      %dma_wait3A_28 = arith.constant 0 : i32
      %dma_wait3A_29 = tpu.memref_slice %arg3[%add3A, %dma_wait3A, %dma_wait3A_28] : memref<32x79x128xi32, #tpu.memory_space<hbm>> -> memref<1x79x128xi32, #tpu.memory_space<hbm>>
      %dma_wait3A_30 = tpu.memref_squeeze %dma_wait3A_29 : memref<1x79x128xi32, #tpu.memory_space<hbm>> -> memref<79x128xi32, #tpu.memory_space<hbm>>
      %dma_wait3A_31 = arith.constant 0 : i32
      %dma_wait3A_32 = arith.constant 0 : i32
      %dma_wait3A_33 = tpu.memref_slice %arg3[%add3A, %dma_wait3A_31, %dma_wait3A_32] : memref<32x79x128xi32, #tpu.memory_space<hbm>> -> memref<1x79x128xi32, #tpu.memory_space<hbm>>
      %dma_wait3A_34 = tpu.memref_squeeze %dma_wait3A_33 : memref<1x79x128xi32, #tpu.memory_space<hbm>> -> memref<79x128xi32, #tpu.memory_space<hbm>>
      tpu.wait_dma2 semaphore(%run_scoped3A : memref<!tpu.dma_semaphore, #tpu.memory_space<semaphore_mem>>) src(%dma_wait3A_34 : memref<79x128xi32, #tpu.memory_space<hbm>>) dst(%arg6 : memref<79x128xi32, #tpu.memory_space<vmem>>)
      tpu.yield
    }) : () -> ()
    "tpu.region"() ({
      %run_scoped3A = tpu.sem_alloc : memref<!tpu.dma_semaphore, #tpu.memory_space<semaphore_mem>>
      %dma_start3A = arith.constant 0 : i32
      %dma_start3A_21 = arith.constant 0 : i32
      %dma_start3A_22 = tpu.memref_slice %arg4[%add3A, %dma_start3A, %dma_start3A_21] : memref<32x79x128xi32, #tpu.memory_space<hbm>> -> memref<1x79x128xi32, #tpu.memory_space<hbm>>
      %dma_start3A_23 = tpu.memref_squeeze %dma_start3A_22 : memref<1x79x128xi32, #tpu.memory_space<hbm>> -> memref<79x128xi32, #tpu.memory_space<hbm>>
      %dma_start3A_24 = arith.constant 0 : i32
      %dma_start3A_25 = arith.constant 0 : i32
      %dma_start3A_26 = tpu.memref_slice %arg4[%add3A, %dma_start3A_24, %dma_start3A_25] : memref<32x79x128xi32, #tpu.memory_space<hbm>> -> memref<1x79x128xi32, #tpu.memory_space<hbm>>
      %dma_start3A_27 = tpu.memref_squeeze %dma_start3A_26 : memref<1x79x128xi32, #tpu.memory_space<hbm>> -> memref<79x128xi32, #tpu.memory_space<hbm>>
      tpu.enqueue_dma source(%dma_start3A_27 : memref<79x128xi32, #tpu.memory_space<hbm>>) target(%arg7 : memref<79x128xi32, #tpu.memory_space<vmem>>) target_semaphore(%run_scoped3A : memref<!tpu.dma_semaphore, #tpu.memory_space<semaphore_mem>>)
      %dma_wait3A = arith.constant 0 : i32
      %dma_wait3A_28 = arith.constant 0 : i32
      %dma_wait3A_29 = tpu.memref_slice %arg4[%add3A, %dma_wait3A, %dma_wait3A_28] : memref<32x79x128xi32, #tpu.memory_space<hbm>> -> memref<1x79x128xi32, #tpu.memory_space<hbm>>
      %dma_wait3A_30 = tpu.memref_squeeze %dma_wait3A_29 : memref<1x79x128xi32, #tpu.memory_space<hbm>> -> memref<79x128xi32, #tpu.memory_space<hbm>>
      %dma_wait3A_31 = arith.constant 0 : i32
      %dma_wait3A_32 = arith.constant 0 : i32
      %dma_wait3A_33 = tpu.memref_slice %arg4[%add3A, %dma_wait3A_31, %dma_wait3A_32] : memref<32x79x128xi32, #tpu.memory_space<hbm>> -> memref<1x79x128xi32, #tpu.memory_space<hbm>>
      %dma_wait3A_34 = tpu.memref_squeeze %dma_wait3A_33 : memref<1x79x128xi32, #tpu.memory_space<hbm>> -> memref<79x128xi32, #tpu.memory_space<hbm>>
      tpu.wait_dma2 semaphore(%run_scoped3A : memref<!tpu.dma_semaphore, #tpu.memory_space<semaphore_mem>>) src(%dma_wait3A_34 : memref<79x128xi32, #tpu.memory_space<hbm>>) dst(%arg7 : memref<79x128xi32, #tpu.memory_space<vmem>>)
      tpu.yield
    }) : () -> ()
    %scan3A_11 = arith.constant 0 : i32
    %scan3A_12 = arith.constant 79 : i32
    %scan3A_13 = arith.addi %scan3A_11, %scan3A_12 : i32
    %scan3A_14 = arith.constant 1 : i32
    scf.for %scan3A_21 = %scan3A_11 to %scan3A_13 step %scan3A_14  : i32 {
      %mul3A_22 = arith.constant 1 : i32
      %mul3A_23 = arith.muli %scan3A_21, %mul3A_22 : i32
      %add3A_24 = arith.constant 0 : i32
      %add3A_25 = arith.addi %add3A_24, %mul3A_23 : i32
      %dma_start3A = arith.constant 0 : i32
      %dma_start3A_26 = tpu.memref_slice %arg6[%add3A_25, %dma_start3A] : memref<79x128xi32, #tpu.memory_space<vmem>> -> memref<1x128xi32, #tpu.memory_space<vmem>>
      %dma_start3A_27 = tpu.memref_squeeze %dma_start3A_26 : memref<1x128xi32, #tpu.memory_space<vmem>> -> memref<128xi32, #tpu.memory_space<vmem>>
      %dma_start3A_28 = arith.constant 0 : i32
      %dma_start3A_29 = arith.constant 0 : i32
      %dma_start3A_30 = tpu.memref_slice %arg2[%dma_start3A_28, %dma_start3A_29] : memref<10240x128xf32, #tpu.memory_space<hbm>> -> memref<10240x128xf32, #tpu.memory_space<hbm>>
      tpu.enqueue_indirect_dma source(%dma_start3A_30 : memref<10240x128xf32, #tpu.memory_space<hbm>>) target(%arg8 : memref<128x128xf32, #tpu.memory_space<vmem>>) offsets(%dma_start3A_27 : memref<128xi32, #tpu.memory_space<vmem>>) semaphore(%arg11 : memref<!tpu.dma_semaphore, #tpu.memory_space<semaphore_mem>>)
      %dma_wait3A = arith.constant 0 : i32
      %dma_wait3A_31 = tpu.memref_slice %arg6[%add3A_25, %dma_wait3A] : memref<79x128xi32, #tpu.memory_space<vmem>> -> memref<1x128xi32, #tpu.memory_space<vmem>>
      %dma_wait3A_32 = tpu.memref_squeeze %dma_wait3A_31 : memref<1x128xi32, #tpu.memory_space<vmem>> -> memref<128xi32, #tpu.memory_space<vmem>>
      %dma_wait3A_33 = arith.constant 0 : i32
      %dma_wait3A_34 = arith.constant 0 : i32
      %dma_wait3A_35 = tpu.memref_slice %arg2[%dma_wait3A_33, %dma_wait3A_34] : memref<10240x128xf32, #tpu.memory_space<hbm>> -> memref<10240x128xf32, #tpu.memory_space<hbm>>
      tpu.wait_indirect_dma semaphore(%arg11 : memref<!tpu.dma_semaphore, #tpu.memory_space<semaphore_mem>>) src(%dma_wait3A_35 : memref<10240x128xf32, #tpu.memory_space<hbm>>) dst(%arg8 : memref<128x128xf32, #tpu.memory_space<vmem>>)
      "tpu.region"() ({
        %run_scoped3A = tpu.sem_alloc : memref<!tpu.dma_semaphore, #tpu.memory_space<semaphore_mem>>
        %dma_start3A_36 = arith.constant 0 : i32
        %dma_start3A_37 = tpu.memref_slice %arg7[%add3A_25, %dma_start3A_36] : memref<79x128xi32, #tpu.memory_space<vmem>> -> memref<1x128xi32, #tpu.memory_space<vmem>>
        %dma_start3A_38 = tpu.memref_squeeze %dma_start3A_37 : memref<1x128xi32, #tpu.memory_space<vmem>> -> memref<128xi32, #tpu.memory_space<vmem>>
        %dma_start3A_39 = arith.constant 0 : i32
        %dma_start3A_40 = arith.constant 0 : i32
        %dma_start3A_41 = tpu.memref_slice %arg10[%dma_start3A_39, %dma_start3A_40] : memref<10240x128xf32, #tpu.memory_space<vmem_shared>> -> memref<10240x128xf32, #tpu.memory_space<vmem_shared>>
        tpu.enqueue_indirect_dma source(%arg8 : memref<128x128xf32, #tpu.memory_space<vmem>>) target(%dma_start3A_41 : memref<10240x128xf32, #tpu.memory_space<vmem_shared>>) offsets(%dma_start3A_38 : memref<128xi32, #tpu.memory_space<vmem>>) semaphore(%run_scoped3A : memref<!tpu.dma_semaphore, #tpu.memory_space<semaphore_mem>>) {add = true}
        %dma_wait3A_42 = arith.constant 0 : i32
        %dma_wait3A_43 = tpu.memref_slice %arg7[%add3A_25, %dma_wait3A_42] : memref<79x128xi32, #tpu.memory_space<vmem>> -> memref<1x128xi32, #tpu.memory_space<vmem>>
        %dma_wait3A_44 = tpu.memref_squeeze %dma_wait3A_43 : memref<1x128xi32, #tpu.memory_space<vmem>> -> memref<128xi32, #tpu.memory_space<vmem>>
        %dma_wait3A_45 = arith.constant 0 : i32
        %dma_wait3A_46 = arith.constant 0 : i32
        %dma_wait3A_47 = tpu.memref_slice %arg10[%dma_wait3A_45, %dma_wait3A_46] : memref<10240x128xf32, #tpu.memory_space<vmem_shared>> -> memref<10240x128xf32, #tpu.memory_space<vmem_shared>>
        tpu.wait_indirect_dma semaphore(%run_scoped3A : memref<!tpu.dma_semaphore, #tpu.memory_space<semaphore_mem>>) src(%arg8 : memref<128x128xf32, #tpu.memory_space<vmem>>) dst(%dma_wait3A_47 : memref<10240x128xf32, #tpu.memory_space<vmem_shared>>)
        tpu.yield
      }) : () -> ()
    }
    %scan3A_15 = arith.constant 79 : i32
    %barrier3A_16 = arith.constant 0 : index
    tpu.barrier barrier_id(%barrier3A_16)
    %mul3A_17 = arith.constant 640 : i32
    %mul3A_18 = arith.muli %arg1, %mul3A_17 : i32
    %mul3A_19 = arith.constant 640 : i32
    %mul3A_20 = arith.muli %arg1, %mul3A_19 : i32
    "tpu.region"() ({
      %run_scoped3A = tpu.sem_alloc : memref<!tpu.dma_semaphore, #tpu.memory_space<semaphore_mem>>
      %dma_start3A = arith.constant 0 : i32
      %dma_start3A_21 = tpu.memref_slice %arg5[%arg0, %mul3A_20, %dma_start3A] : memref<2x10240x128xf32, #tpu.memory_space<hbm>> -> memref<1x640x128xf32, #tpu.memory_space<hbm>>
      %dma_start3A_22 = tpu.memref_squeeze %dma_start3A_21 : memref<1x640x128xf32, #tpu.memory_space<hbm>> -> memref<640x128xf32, #tpu.memory_space<hbm>>
      %dma_start3A_23 = arith.constant 0 : i32
      %dma_start3A_24 = tpu.memref_slice %arg10[%mul3A_18, %dma_start3A_23] : memref<10240x128xf32, #tpu.memory_space<vmem_shared>> -> memref<640x128xf32, #tpu.memory_space<vmem_shared>>
      tpu.enqueue_dma source(%dma_start3A_24 : memref<640x128xf32, #tpu.memory_space<vmem_shared>>) target(%dma_start3A_22 : memref<640x128xf32, #tpu.memory_space<hbm>>) target_semaphore(%run_scoped3A : memref<!tpu.dma_semaphore, #tpu.memory_space<semaphore_mem>>)
      %dma_wait3A = arith.constant 0 : i32
      %dma_wait3A_25 = tpu.memref_slice %arg5[%arg0, %mul3A_20, %dma_wait3A] : memref<2x10240x128xf32, #tpu.memory_space<hbm>> -> memref<1x640x128xf32, #tpu.memory_space<hbm>>
      %dma_wait3A_26 = tpu.memref_squeeze %dma_wait3A_25 : memref<1x640x128xf32, #tpu.memory_space<hbm>> -> memref<640x128xf32, #tpu.memory_space<hbm>>
      %dma_wait3A_27 = arith.constant 0 : i32
      %dma_wait3A_28 = tpu.memref_slice %arg10[%mul3A_18, %dma_wait3A_27] : memref<10240x128xf32, #tpu.memory_space<vmem_shared>> -> memref<640x128xf32, #tpu.memory_space<vmem_shared>>
      tpu.wait_dma2 semaphore(%run_scoped3A : memref<!tpu.dma_semaphore, #tpu.memory_space<semaphore_mem>>) src(%dma_wait3A_28 : memref<640x128xf32, #tpu.memory_space<vmem_shared>>) dst(%dma_wait3A_26 : memref<640x128xf32, #tpu.memory_space<hbm>>)
      tpu.yield
    }) : () -> ()
    return
  }
}

#map = affine_map<(d0, d1) -> (0, 0)>
#map1 = affine_map<(d0, d1) -> (0, 0, 0)>
module attributes {stable_mosaic.version = 14 : i64} {
  func.func @_sc_agg_body(%arg0: i32, %arg1: i32, %arg2: memref<10240x128xf32, #tpu.memory_space<hbm>>, %arg3: memref<32x79x128xi32, #tpu.memory_space<hbm>>, %arg4: memref<32x79x128xi32, #tpu.memory_space<hbm>>, %arg5: memref<2x10240x128xf32, #tpu.memory_space<hbm>>, %arg6: memref<79x128xi32, #tpu.memory_space<vmem>>, %arg7: memref<79x128xi32, #tpu.memory_space<vmem>>, %arg8: memref<128x128xf32, #tpu.memory_space<vmem>>, %arg9: memref<64x128xf32, #tpu.memory_space<vmem>>, %arg10: memref<10240x128xf32, #tpu.memory_space<vmem_shared>>, %arg11: memref<!tpu.dma_semaphore, #tpu.memory_space<semaphore_mem>>) attributes {dimension_semantics = [#tpu.dimension_semantics<core_parallel>, #tpu.dimension_semantics<subcore_parallel>], iteration_bounds = array<i64: 2, 16>, scalar_prefetch = 0 : i64, scratch_operands = 6 : i64, tpu.core_type = #tpu.core_type<sc_vector_subcore>, window_params = [{transform_indices = #map}, {transform_indices = #map1}, {transform_indices = #map1}, {transform_indices = #map1}]} {
    %mul3A = arith.constant 2 : i32
    %mul3A_0 = arith.muli %arg1, %mul3A : i32
    %add3A = arith.addi %mul3A_0, %arg0 : i32
    %broadcast_in_dim3A = arith.constant 0.000000e+00 : f32
    %broadcast_in_dim3A_1 = vector.broadcast %broadcast_in_dim3A : f32 to vector<16xf32>
    %scan3A = arith.constant 0 : i32
    %scan3A_2 = arith.constant 64 : i32
    %scan3A_3 = arith.addi %scan3A, %scan3A_2 : i32
    %scan3A_4 = arith.constant 1 : i32
    scf.for %scan3A_21 = %scan3A to %scan3A_3 step %scan3A_4  : i32 {
      %mul3A_22 = arith.constant 1 : i32
      %mul3A_23 = arith.muli %scan3A_21, %mul3A_22 : i32
      %add3A_24 = arith.constant 0 : i32
      %add3A_25 = arith.addi %add3A_24, %mul3A_23 : i32
      %swap3A = arith.index_cast %add3A_25 : i32 to index
      %swap3A_26 = arith.constant 0 : index
      %swap3A_27 = tpu.vector_load %arg9[%swap3A, %swap3A_26] {strides = array<i32>} : memref<64x128xf32, #tpu.memory_space<vmem>>, vector<1x16xf32>,
      %swap3A_28 = vector.shape_cast %swap3A_27 : vector<1x16xf32> to vector<16xf32>
      %swap3A_29 = vector.shape_cast %broadcast_in_dim3A_1 : vector<16xf32> to vector<1x16xf32>
      tpu.vector_store %arg9[%swap3A, %swap3A_26], %swap3A_29 {strides = array<i32>} : memref<64x128xf32, #tpu.memory_space<vmem>>, vector<1x16xf32>,
      %swap3A_30 = arith.index_cast %add3A_25 : i32 to index
      %swap3A_31 = arith.constant 16 : index
      %swap3A_32 = tpu.vector_load %arg9[%swap3A_30, %swap3A_31] {strides = array<i32>} : memref<64x128xf32, #tpu.memory_space<vmem>>, vector<1x16xf32>,
      %swap3A_33 = vector.shape_cast %swap3A_32 : vector<1x16xf32> to vector<16xf32>
      %swap3A_34 = vector.shape_cast %broadcast_in_dim3A_1 : vector<16xf32> to vector<1x16xf32>
      tpu.vector_store %arg9[%swap3A_30, %swap3A_31], %swap3A_34 {strides = array<i32>} : memref<64x128xf32, #tpu.memory_space<vmem>>, vector<1x16xf32>,
      %swap3A_35 = arith.index_cast %add3A_25 : i32 to index
      %swap3A_36 = arith.constant 32 : index
      %swap3A_37 = tpu.vector_load %arg9[%swap3A_35, %swap3A_36] {strides = array<i32>} : memref<64x128xf32, #tpu.memory_space<vmem>>, vector<1x16xf32>,
      %swap3A_38 = vector.shape_cast %swap3A_37 : vector<1x16xf32> to vector<16xf32>
      %swap3A_39 = vector.shape_cast %broadcast_in_dim3A_1 : vector<16xf32> to vector<1x16xf32>
      tpu.vector_store %arg9[%swap3A_35, %swap3A_36], %swap3A_39 {strides = array<i32>} : memref<64x128xf32, #tpu.memory_space<vmem>>, vector<1x16xf32>,
      %swap3A_40 = arith.index_cast %add3A_25 : i32 to index
      %swap3A_41 = arith.constant 48 : index
      %swap3A_42 = tpu.vector_load %arg9[%swap3A_40, %swap3A_41] {strides = array<i32>} : memref<64x128xf32, #tpu.memory_space<vmem>>, vector<1x16xf32>,
      %swap3A_43 = vector.shape_cast %swap3A_42 : vector<1x16xf32> to vector<16xf32>
      %swap3A_44 = vector.shape_cast %broadcast_in_dim3A_1 : vector<16xf32> to vector<1x16xf32>
      tpu.vector_store %arg9[%swap3A_40, %swap3A_41], %swap3A_44 {strides = array<i32>} : memref<64x128xf32, #tpu.memory_space<vmem>>, vector<1x16xf32>,
      %swap3A_45 = arith.index_cast %add3A_25 : i32 to index
      %swap3A_46 = arith.constant 64 : index
      %swap3A_47 = tpu.vector_load %arg9[%swap3A_45, %swap3A_46] {strides = array<i32>} : memref<64x128xf32, #tpu.memory_space<vmem>>, vector<1x16xf32>,
      %swap3A_48 = vector.shape_cast %swap3A_47 : vector<1x16xf32> to vector<16xf32>
      %swap3A_49 = vector.shape_cast %broadcast_in_dim3A_1 : vector<16xf32> to vector<1x16xf32>
      tpu.vector_store %arg9[%swap3A_45, %swap3A_46], %swap3A_49 {strides = array<i32>} : memref<64x128xf32, #tpu.memory_space<vmem>>, vector<1x16xf32>,
      %swap3A_50 = arith.index_cast %add3A_25 : i32 to index
      %swap3A_51 = arith.constant 80 : index
      %swap3A_52 = tpu.vector_load %arg9[%swap3A_50, %swap3A_51] {strides = array<i32>} : memref<64x128xf32, #tpu.memory_space<vmem>>, vector<1x16xf32>,
      %swap3A_53 = vector.shape_cast %swap3A_52 : vector<1x16xf32> to vector<16xf32>
      %swap3A_54 = vector.shape_cast %broadcast_in_dim3A_1 : vector<16xf32> to vector<1x16xf32>
      tpu.vector_store %arg9[%swap3A_50, %swap3A_51], %swap3A_54 {strides = array<i32>} : memref<64x128xf32, #tpu.memory_space<vmem>>, vector<1x16xf32>,
      %swap3A_55 = arith.index_cast %add3A_25 : i32 to index
      %swap3A_56 = arith.constant 96 : index
      %swap3A_57 = tpu.vector_load %arg9[%swap3A_55, %swap3A_56] {strides = array<i32>} : memref<64x128xf32, #tpu.memory_space<vmem>>, vector<1x16xf32>,
      %swap3A_58 = vector.shape_cast %swap3A_57 : vector<1x16xf32> to vector<16xf32>
      %swap3A_59 = vector.shape_cast %broadcast_in_dim3A_1 : vector<16xf32> to vector<1x16xf32>
      tpu.vector_store %arg9[%swap3A_55, %swap3A_56], %swap3A_59 {strides = array<i32>} : memref<64x128xf32, #tpu.memory_space<vmem>>, vector<1x16xf32>,
      %swap3A_60 = arith.index_cast %add3A_25 : i32 to index
      %swap3A_61 = arith.constant 112 : index
      %swap3A_62 = tpu.vector_load %arg9[%swap3A_60, %swap3A_61] {strides = array<i32>} : memref<64x128xf32, #tpu.memory_space<vmem>>, vector<1x16xf32>,
      %swap3A_63 = vector.shape_cast %swap3A_62 : vector<1x16xf32> to vector<16xf32>
      %swap3A_64 = vector.shape_cast %broadcast_in_dim3A_1 : vector<16xf32> to vector<1x16xf32>
      tpu.vector_store %arg9[%swap3A_60, %swap3A_61], %swap3A_64 {strides = array<i32>} : memref<64x128xf32, #tpu.memory_space<vmem>>, vector<1x16xf32>,
    }
    %scan3A_5 = arith.constant 64 : i32
    %scan3A_6 = arith.constant 0 : i32
    %scan3A_7 = arith.constant 10 : i32
    %scan3A_8 = arith.addi %scan3A_6, %scan3A_7 : i32
    %scan3A_9 = arith.constant 1 : i32
    scf.for %scan3A_21 = %scan3A_6 to %scan3A_8 step %scan3A_9  : i32 {
      %mul3A_22 = arith.constant 1 : i32
      %mul3A_23 = arith.muli %scan3A_21, %mul3A_22 : i32
      %add3A_24 = arith.constant 0 : i32
      %add3A_25 = arith.addi %add3A_24, %mul3A_23 : i32
      %mul3A_26 = arith.constant 640 : i32
      %mul3A_27 = arith.muli %arg1, %mul3A_26 : i32
      %mul3A_28 = arith.constant 64 : i32
      %mul3A_29 = arith.muli %add3A_25, %mul3A_28 : i32
      %add3A_30 = arith.addi %mul3A_27, %mul3A_29 : i32
      "tpu.region"() ({
        %run_scoped3A = tpu.sem_alloc : memref<!tpu.dma_semaphore, #tpu.memory_space<semaphore_mem>>
        %dma_start3A = arith.constant 0 : i32
        %dma_start3A_31 = tpu.memref_slice %arg10[%add3A_30, %dma_start3A] : memref<10240x128xf32, #tpu.memory_space<vmem_shared>> -> memref<64x128xf32, #tpu.memory_space<vmem_shared>>
        %dma_start3A_32 = arith.constant 0 : i32
        %dma_start3A_33 = tpu.memref_slice %arg10[%add3A_30, %dma_start3A_32] : memref<10240x128xf32, #tpu.memory_space<vmem_shared>> -> memref<64x128xf32, #tpu.memory_space<vmem_shared>>
        tpu.enqueue_dma source(%arg9 : memref<64x128xf32, #tpu.memory_space<vmem>>) target(%dma_start3A_33 : memref<64x128xf32, #tpu.memory_space<vmem_shared>>) target_semaphore(%run_scoped3A : memref<!tpu.dma_semaphore, #tpu.memory_space<semaphore_mem>>)
        %dma_wait3A = arith.constant 0 : i32
        %dma_wait3A_34 = tpu.memref_slice %arg10[%add3A_30, %dma_wait3A] : memref<10240x128xf32, #tpu.memory_space<vmem_shared>> -> memref<64x128xf32, #tpu.memory_space<vmem_shared>>
        %dma_wait3A_35 = arith.constant 0 : i32
        %dma_wait3A_36 = tpu.memref_slice %arg10[%add3A_30, %dma_wait3A_35] : memref<10240x128xf32, #tpu.memory_space<vmem_shared>> -> memref<64x128xf32, #tpu.memory_space<vmem_shared>>
        tpu.wait_dma2 semaphore(%run_scoped3A : memref<!tpu.dma_semaphore, #tpu.memory_space<semaphore_mem>>) src(%arg9 : memref<64x128xf32, #tpu.memory_space<vmem>>) dst(%dma_wait3A_36 : memref<64x128xf32, #tpu.memory_space<vmem_shared>>)
        tpu.yield
      }) : () -> ()
    }
    %scan3A_10 = arith.constant 10 : i32
    %barrier3A = arith.constant 0 : index
    tpu.barrier barrier_id(%barrier3A)
    "tpu.region"() ({
      %run_scoped3A = tpu.sem_alloc : memref<!tpu.dma_semaphore, #tpu.memory_space<semaphore_mem>>
      %dma_start3A = arith.constant 0 : i32
      %dma_start3A_21 = arith.constant 0 : i32
      %dma_start3A_22 = tpu.memref_slice %arg3[%add3A, %dma_start3A, %dma_start3A_21] : memref<32x79x128xi32, #tpu.memory_space<hbm>> -> memref<1x79x128xi32, #tpu.memory_space<hbm>>
      %dma_start3A_23 = tpu.memref_squeeze %dma_start3A_22 : memref<1x79x128xi32, #tpu.memory_space<hbm>> -> memref<79x128xi32, #tpu.memory_space<hbm>>
      %dma_start3A_24 = arith.constant 0 : i32
      %dma_start3A_25 = arith.constant 0 : i32
      %dma_start3A_26 = tpu.memref_slice %arg3[%add3A, %dma_start3A_24, %dma_start3A_25] : memref<32x79x128xi32, #tpu.memory_space<hbm>> -> memref<1x79x128xi32, #tpu.memory_space<hbm>>
      %dma_start3A_27 = tpu.memref_squeeze %dma_start3A_26 : memref<1x79x128xi32, #tpu.memory_space<hbm>> -> memref<79x128xi32, #tpu.memory_space<hbm>>
      tpu.enqueue_dma source(%dma_start3A_27 : memref<79x128xi32, #tpu.memory_space<hbm>>) target(%arg6 : memref<79x128xi32, #tpu.memory_space<vmem>>) target_semaphore(%run_scoped3A : memref<!tpu.dma_semaphore, #tpu.memory_space<semaphore_mem>>)
      %dma_wait3A = arith.constant 0 : i32
      %dma_wait3A_28 = arith.constant 0 : i32
      %dma_wait3A_29 = tpu.memref_slice %arg3[%add3A, %dma_wait3A, %dma_wait3A_28] : memref<32x79x128xi32, #tpu.memory_space<hbm>> -> memref<1x79x128xi32, #tpu.memory_space<hbm>>
      %dma_wait3A_30 = tpu.memref_squeeze %dma_wait3A_29 : memref<1x79x128xi32, #tpu.memory_space<hbm>> -> memref<79x128xi32, #tpu.memory_space<hbm>>
      %dma_wait3A_31 = arith.constant 0 : i32
      %dma_wait3A_32 = arith.constant 0 : i32
      %dma_wait3A_33 = tpu.memref_slice %arg3[%add3A, %dma_wait3A_31, %dma_wait3A_32] : memref<32x79x128xi32, #tpu.memory_space<hbm>> -> memref<1x79x128xi32, #tpu.memory_space<hbm>>
      %dma_wait3A_34 = tpu.memref_squeeze %dma_wait3A_33 : memref<1x79x128xi32, #tpu.memory_space<hbm>> -> memref<79x128xi32, #tpu.memory_space<hbm>>
      tpu.wait_dma2 semaphore(%run_scoped3A : memref<!tpu.dma_semaphore, #tpu.memory_space<semaphore_mem>>) src(%dma_wait3A_34 : memref<79x128xi32, #tpu.memory_space<hbm>>) dst(%arg6 : memref<79x128xi32, #tpu.memory_space<vmem>>)
      tpu.yield
    }) : () -> ()
    "tpu.region"() ({
      %run_scoped3A = tpu.sem_alloc : memref<!tpu.dma_semaphore, #tpu.memory_space<semaphore_mem>>
      %dma_start3A = arith.constant 0 : i32
      %dma_start3A_21 = arith.constant 0 : i32
      %dma_start3A_22 = tpu.memref_slice %arg4[%add3A, %dma_start3A, %dma_start3A_21] : memref<32x79x128xi32, #tpu.memory_space<hbm>> -> memref<1x79x128xi32, #tpu.memory_space<hbm>>
      %dma_start3A_23 = tpu.memref_squeeze %dma_start3A_22 : memref<1x79x128xi32, #tpu.memory_space<hbm>> -> memref<79x128xi32, #tpu.memory_space<hbm>>
      %dma_start3A_24 = arith.constant 0 : i32
      %dma_start3A_25 = arith.constant 0 : i32
      %dma_start3A_26 = tpu.memref_slice %arg4[%add3A, %dma_start3A_24, %dma_start3A_25] : memref<32x79x128xi32, #tpu.memory_space<hbm>> -> memref<1x79x128xi32, #tpu.memory_space<hbm>>
      %dma_start3A_27 = tpu.memref_squeeze %dma_start3A_26 : memref<1x79x128xi32, #tpu.memory_space<hbm>> -> memref<79x128xi32, #tpu.memory_space<hbm>>
      tpu.enqueue_dma source(%dma_start3A_27 : memref<79x128xi32, #tpu.memory_space<hbm>>) target(%arg7 : memref<79x128xi32, #tpu.memory_space<vmem>>) target_semaphore(%run_scoped3A : memref<!tpu.dma_semaphore, #tpu.memory_space<semaphore_mem>>)
      %dma_wait3A = arith.constant 0 : i32
      %dma_wait3A_28 = arith.constant 0 : i32
      %dma_wait3A_29 = tpu.memref_slice %arg4[%add3A, %dma_wait3A, %dma_wait3A_28] : memref<32x79x128xi32, #tpu.memory_space<hbm>> -> memref<1x79x128xi32, #tpu.memory_space<hbm>>
      %dma_wait3A_30 = tpu.memref_squeeze %dma_wait3A_29 : memref<1x79x128xi32, #tpu.memory_space<hbm>> -> memref<79x128xi32, #tpu.memory_space<hbm>>
      %dma_wait3A_31 = arith.constant 0 : i32
      %dma_wait3A_32 = arith.constant 0 : i32
      %dma_wait3A_33 = tpu.memref_slice %arg4[%add3A, %dma_wait3A_31, %dma_wait3A_32] : memref<32x79x128xi32, #tpu.memory_space<hbm>> -> memref<1x79x128xi32, #tpu.memory_space<hbm>>
      %dma_wait3A_34 = tpu.memref_squeeze %dma_wait3A_33 : memref<1x79x128xi32, #tpu.memory_space<hbm>> -> memref<79x128xi32, #tpu.memory_space<hbm>>
      tpu.wait_dma2 semaphore(%run_scoped3A : memref<!tpu.dma_semaphore, #tpu.memory_space<semaphore_mem>>) src(%dma_wait3A_34 : memref<79x128xi32, #tpu.memory_space<hbm>>) dst(%arg7 : memref<79x128xi32, #tpu.memory_space<vmem>>)
      tpu.yield
    }) : () -> ()
    %scan3A_11 = arith.constant 0 : i32
    %scan3A_12 = arith.constant 79 : i32
    %scan3A_13 = arith.addi %scan3A_11, %scan3A_12 : i32
    %scan3A_14 = arith.constant 1 : i32
    scf.for %scan3A_21 = %scan3A_11 to %scan3A_13 step %scan3A_14  : i32 {
      %mul3A_22 = arith.constant 1 : i32
      %mul3A_23 = arith.muli %scan3A_21, %mul3A_22 : i32
      %add3A_24 = arith.constant 0 : i32
      %add3A_25 = arith.addi %add3A_24, %mul3A_23 : i32
      %dma_start3A = arith.constant 0 : i32
      %dma_start3A_26 = tpu.memref_slice %arg6[%add3A_25, %dma_start3A] : memref<79x128xi32, #tpu.memory_space<vmem>> -> memref<1x128xi32, #tpu.memory_space<vmem>>
      %dma_start3A_27 = tpu.memref_squeeze %dma_start3A_26 : memref<1x128xi32, #tpu.memory_space<vmem>> -> memref<128xi32, #tpu.memory_space<vmem>>
      %dma_start3A_28 = arith.constant 0 : i32
      %dma_start3A_29 = arith.constant 0 : i32
      %dma_start3A_30 = tpu.memref_slice %arg2[%dma_start3A_28, %dma_start3A_29] : memref<10240x128xf32, #tpu.memory_space<hbm>> -> memref<10240x128xf32, #tpu.memory_space<hbm>>
      tpu.enqueue_indirect_dma source(%dma_start3A_30 : memref<10240x128xf32, #tpu.memory_space<hbm>>) target(%arg8 : memref<128x128xf32, #tpu.memory_space<vmem>>) offsets(%dma_start3A_27 : memref<128xi32, #tpu.memory_space<vmem>>) semaphore(%arg11 : memref<!tpu.dma_semaphore, #tpu.memory_space<semaphore_mem>>)
      %dma_wait3A = arith.constant 0 : i32
      %dma_wait3A_31 = tpu.memref_slice %arg6[%add3A_25, %dma_wait3A] : memref<79x128xi32, #tpu.memory_space<vmem>> -> memref<1x128xi32, #tpu.memory_space<vmem>>
      %dma_wait3A_32 = tpu.memref_squeeze %dma_wait3A_31 : memref<1x128xi32, #tpu.memory_space<vmem>> -> memref<128xi32, #tpu.memory_space<vmem>>
      %dma_wait3A_33 = arith.constant 0 : i32
      %dma_wait3A_34 = arith.constant 0 : i32
      %dma_wait3A_35 = tpu.memref_slice %arg2[%dma_wait3A_33, %dma_wait3A_34] : memref<10240x128xf32, #tpu.memory_space<hbm>> -> memref<10240x128xf32, #tpu.memory_space<hbm>>
      tpu.wait_indirect_dma semaphore(%arg11 : memref<!tpu.dma_semaphore, #tpu.memory_space<semaphore_mem>>) src(%dma_wait3A_35 : memref<10240x128xf32, #tpu.memory_space<hbm>>) dst(%arg8 : memref<128x128xf32, #tpu.memory_space<vmem>>)
      "tpu.region"() ({
        %run_scoped3A = tpu.sem_alloc : memref<!tpu.dma_semaphore, #tpu.memory_space<semaphore_mem>>
        %dma_start3A_36 = arith.constant 0 : i32
        %dma_start3A_37 = tpu.memref_slice %arg7[%add3A_25, %dma_start3A_36] : memref<79x128xi32, #tpu.memory_space<vmem>> -> memref<1x128xi32, #tpu.memory_space<vmem>>
        %dma_start3A_38 = tpu.memref_squeeze %dma_start3A_37 : memref<1x128xi32, #tpu.memory_space<vmem>> -> memref<128xi32, #tpu.memory_space<vmem>>
        %dma_start3A_39 = arith.constant 0 : i32
        %dma_start3A_40 = arith.constant 0 : i32
        %dma_start3A_41 = tpu.memref_slice %arg10[%dma_start3A_39, %dma_start3A_40] : memref<10240x128xf32, #tpu.memory_space<vmem_shared>> -> memref<10240x128xf32, #tpu.memory_space<vmem_shared>>
        tpu.enqueue_indirect_dma source(%arg8 : memref<128x128xf32, #tpu.memory_space<vmem>>) target(%dma_start3A_41 : memref<10240x128xf32, #tpu.memory_space<vmem_shared>>) offsets(%dma_start3A_38 : memref<128xi32, #tpu.memory_space<vmem>>) semaphore(%run_scoped3A : memref<!tpu.dma_semaphore, #tpu.memory_space<semaphore_mem>>) {add = true}
        %dma_wait3A_42 = arith.constant 0 : i32
        %dma_wait3A_43 = tpu.memref_slice %arg7[%add3A_25, %dma_wait3A_42] : memref<79x128xi32, #tpu.memory_space<vmem>> -> memref<1x128xi32, #tpu.memory_space<vmem>>
        %dma_wait3A_44 = tpu.memref_squeeze %dma_wait3A_43 : memref<1x128xi32, #tpu.memory_space<vmem>> -> memref<128xi32, #tpu.memory_space<vmem>>
        %dma_wait3A_45 = arith.constant 0 : i32
        %dma_wait3A_46 = arith.constant 0 : i32
        %dma_wait3A_47 = tpu.memref_slice %arg10[%dma_wait3A_45, %dma_wait3A_46] : memref<10240x128xf32, #tpu.memory_space<vmem_shared>> -> memref<10240x128xf32, #tpu.memory_space<vmem_shared>>
        tpu.wait_indirect_dma semaphore(%run_scoped3A : memref<!tpu.dma_semaphore, #tpu.memory_space<semaphore_mem>>) src(%arg8 : memref<128x128xf32, #tpu.memory_space<vmem>>) dst(%dma_wait3A_47 : memref<10240x128xf32, #tpu.memory_space<vmem_shared>>)
        tpu.yield
      }) : () -> ()
    }
    %scan3A_15 = arith.constant 79 : i32
    %barrier3A_16 = arith.constant 0 : index
    tpu.barrier barrier_id(%barrier3A_16)
    %mul3A_17 = arith.constant 640 : i32
    %mul3A_18 = arith.muli %arg1, %mul3A_17 : i32
    %mul3A_19 = arith.constant 640 : i32
    %mul3A_20 = arith.muli %arg1, %mul3A_19 : i32
    "tpu.region"() ({
      %run_scoped3A = tpu.sem_alloc : memref<!tpu.dma_semaphore, #tpu.memory_space<semaphore_mem>>
      %dma_start3A = arith.constant 0 : i32
      %dma_start3A_21 = tpu.memref_slice %arg5[%arg0, %mul3A_20, %dma_start3A] : memref<2x10240x128xf32, #tpu.memory_space<hbm>> -> memref<1x640x128xf32, #tpu.memory_space<hbm>>
      %dma_start3A_22 = tpu.memref_squeeze %dma_start3A_21 : memref<1x640x128xf32, #tpu.memory_space<hbm>> -> memref<640x128xf32, #tpu.memory_space<hbm>>
      %dma_start3A_23 = arith.constant 0 : i32
      %dma_start3A_24 = tpu.memref_slice %arg10[%mul3A_18, %dma_start3A_23] : memref<10240x128xf32, #tpu.memory_space<vmem_shared>> -> memref<640x128xf32, #tpu.memory_space<vmem_shared>>
      tpu.enqueue_dma source(%dma_start3A_24 : memref<640x128xf32, #tpu.memory_space<vmem_shared>>) target(%dma_start3A_22 : memref<640x128xf32, #tpu.memory_space<hbm>>) target_semaphore(%run_scoped3A : memref<!tpu.dma_semaphore, #tpu.memory_space<semaphore_mem>>)
      %dma_wait3A = arith.constant 0 : i32
      %dma_wait3A_25 = tpu.memref_slice %arg5[%arg0, %mul3A_20, %dma_wait3A] : memref<2x10240x128xf32, #tpu.memory_space<hbm>> -> memref<1x640x128xf32, #tpu.memory_space<hbm>>
      %dma_wait3A_26 = tpu.memref_squeeze %dma_wait3A_25 : memref<1x640x128xf32, #tpu.memory_space<hbm>> -> memref<640x128xf32, #tpu.memory_space<hbm>>
      %dma_wait3A_27 = arith.constant 0 : i32
      %dma_wait3A_28 = tpu.memref_slice %arg10[%mul3A_18, %dma_wait3A_27] : memref<10240x128xf32, #tpu.memory_space<vmem_shared>> -> memref<640x128xf32, #tpu.memory_space<vmem_shared>>
      tpu.wait_dma2 semaphore(%run_scoped3A : memref<!tpu.dma_semaphore, #tpu.memory_space<semaphore_mem>>) src(%dma_wait3A_28 : memref<640x128xf32, #tpu.memory_space<vmem_shared>>) dst(%dma_wait3A_26 : memref<640x128xf32, #tpu.memory_space<hbm>>)
      tpu.yield
    }) : () -> ()
    return
  }
}

#map = affine_map<(d0, d1) -> (0, 0)>
#map1 = affine_map<(d0, d1) -> (0, 0, 0)>
module attributes {stable_mosaic.version = 14 : i64} {
  func.func @_sc_agg_body(%arg0: i32, %arg1: i32, %arg2: memref<10240x128xf32, #tpu.memory_space<hbm>>, %arg3: memref<32x79x128xi32, #tpu.memory_space<hbm>>, %arg4: memref<32x79x128xi32, #tpu.memory_space<hbm>>, %arg5: memref<2x10240x128xf32, #tpu.memory_space<hbm>>, %arg6: memref<79x128xi32, #tpu.memory_space<vmem>>, %arg7: memref<79x128xi32, #tpu.memory_space<vmem>>, %arg8: memref<128x128xf32, #tpu.memory_space<vmem>>, %arg9: memref<64x128xf32, #tpu.memory_space<vmem>>, %arg10: memref<10240x128xf32, #tpu.memory_space<vmem_shared>>, %arg11: memref<!tpu.dma_semaphore, #tpu.memory_space<semaphore_mem>>) attributes {dimension_semantics = [#tpu.dimension_semantics<core_parallel>, #tpu.dimension_semantics<subcore_parallel>], iteration_bounds = array<i64: 2, 16>, scalar_prefetch = 0 : i64, scratch_operands = 6 : i64, tpu.core_type = #tpu.core_type<sc_vector_subcore>, window_params = [{transform_indices = #map}, {transform_indices = #map1}, {transform_indices = #map1}, {transform_indices = #map1}]} {
    %mul3A = arith.constant 2 : i32
    %mul3A_0 = arith.muli %arg1, %mul3A : i32
    %add3A = arith.addi %mul3A_0, %arg0 : i32
    %broadcast_in_dim3A = arith.constant 0.000000e+00 : f32
    %broadcast_in_dim3A_1 = vector.broadcast %broadcast_in_dim3A : f32 to vector<16xf32>
    %scan3A = arith.constant 0 : i32
    %scan3A_2 = arith.constant 64 : i32
    %scan3A_3 = arith.addi %scan3A, %scan3A_2 : i32
    %scan3A_4 = arith.constant 1 : i32
    scf.for %scan3A_21 = %scan3A to %scan3A_3 step %scan3A_4  : i32 {
      %mul3A_22 = arith.constant 1 : i32
      %mul3A_23 = arith.muli %scan3A_21, %mul3A_22 : i32
      %add3A_24 = arith.constant 0 : i32
      %add3A_25 = arith.addi %add3A_24, %mul3A_23 : i32
      %swap3A = arith.index_cast %add3A_25 : i32 to index
      %swap3A_26 = arith.constant 0 : index
      %swap3A_27 = tpu.vector_load %arg9[%swap3A, %swap3A_26] {strides = array<i32>} : memref<64x128xf32, #tpu.memory_space<vmem>>, vector<1x16xf32>,
      %swap3A_28 = vector.shape_cast %swap3A_27 : vector<1x16xf32> to vector<16xf32>
      %swap3A_29 = vector.shape_cast %broadcast_in_dim3A_1 : vector<16xf32> to vector<1x16xf32>
      tpu.vector_store %arg9[%swap3A, %swap3A_26], %swap3A_29 {strides = array<i32>} : memref<64x128xf32, #tpu.memory_space<vmem>>, vector<1x16xf32>,
      %swap3A_30 = arith.index_cast %add3A_25 : i32 to index
      %swap3A_31 = arith.constant 16 : index
      %swap3A_32 = tpu.vector_load %arg9[%swap3A_30, %swap3A_31] {strides = array<i32>} : memref<64x128xf32, #tpu.memory_space<vmem>>, vector<1x16xf32>,
      %swap3A_33 = vector.shape_cast %swap3A_32 : vector<1x16xf32> to vector<16xf32>
      %swap3A_34 = vector.shape_cast %broadcast_in_dim3A_1 : vector<16xf32> to vector<1x16xf32>
      tpu.vector_store %arg9[%swap3A_30, %swap3A_31], %swap3A_34 {strides = array<i32>} : memref<64x128xf32, #tpu.memory_space<vmem>>, vector<1x16xf32>,
      %swap3A_35 = arith.index_cast %add3A_25 : i32 to index
      %swap3A_36 = arith.constant 32 : index
      %swap3A_37 = tpu.vector_load %arg9[%swap3A_35, %swap3A_36] {strides = array<i32>} : memref<64x128xf32, #tpu.memory_space<vmem>>, vector<1x16xf32>,
      %swap3A_38 = vector.shape_cast %swap3A_37 : vector<1x16xf32> to vector<16xf32>
      %swap3A_39 = vector.shape_cast %broadcast_in_dim3A_1 : vector<16xf32> to vector<1x16xf32>
      tpu.vector_store %arg9[%swap3A_35, %swap3A_36], %swap3A_39 {strides = array<i32>} : memref<64x128xf32, #tpu.memory_space<vmem>>, vector<1x16xf32>,
      %swap3A_40 = arith.index_cast %add3A_25 : i32 to index
      %swap3A_41 = arith.constant 48 : index
      %swap3A_42 = tpu.vector_load %arg9[%swap3A_40, %swap3A_41] {strides = array<i32>} : memref<64x128xf32, #tpu.memory_space<vmem>>, vector<1x16xf32>,
      %swap3A_43 = vector.shape_cast %swap3A_42 : vector<1x16xf32> to vector<16xf32>
      %swap3A_44 = vector.shape_cast %broadcast_in_dim3A_1 : vector<16xf32> to vector<1x16xf32>
      tpu.vector_store %arg9[%swap3A_40, %swap3A_41], %swap3A_44 {strides = array<i32>} : memref<64x128xf32, #tpu.memory_space<vmem>>, vector<1x16xf32>,
      %swap3A_45 = arith.index_cast %add3A_25 : i32 to index
      %swap3A_46 = arith.constant 64 : index
      %swap3A_47 = tpu.vector_load %arg9[%swap3A_45, %swap3A_46] {strides = array<i32>} : memref<64x128xf32, #tpu.memory_space<vmem>>, vector<1x16xf32>,
      %swap3A_48 = vector.shape_cast %swap3A_47 : vector<1x16xf32> to vector<16xf32>
      %swap3A_49 = vector.shape_cast %broadcast_in_dim3A_1 : vector<16xf32> to vector<1x16xf32>
      tpu.vector_store %arg9[%swap3A_45, %swap3A_46], %swap3A_49 {strides = array<i32>} : memref<64x128xf32, #tpu.memory_space<vmem>>, vector<1x16xf32>,
      %swap3A_50 = arith.index_cast %add3A_25 : i32 to index
      %swap3A_51 = arith.constant 80 : index
      %swap3A_52 = tpu.vector_load %arg9[%swap3A_50, %swap3A_51] {strides = array<i32>} : memref<64x128xf32, #tpu.memory_space<vmem>>, vector<1x16xf32>,
      %swap3A_53 = vector.shape_cast %swap3A_52 : vector<1x16xf32> to vector<16xf32>
      %swap3A_54 = vector.shape_cast %broadcast_in_dim3A_1 : vector<16xf32> to vector<1x16xf32>
      tpu.vector_store %arg9[%swap3A_50, %swap3A_51], %swap3A_54 {strides = array<i32>} : memref<64x128xf32, #tpu.memory_space<vmem>>, vector<1x16xf32>,
      %swap3A_55 = arith.index_cast %add3A_25 : i32 to index
      %swap3A_56 = arith.constant 96 : index
      %swap3A_57 = tpu.vector_load %arg9[%swap3A_55, %swap3A_56] {strides = array<i32>} : memref<64x128xf32, #tpu.memory_space<vmem>>, vector<1x16xf32>,
      %swap3A_58 = vector.shape_cast %swap3A_57 : vector<1x16xf32> to vector<16xf32>
      %swap3A_59 = vector.shape_cast %broadcast_in_dim3A_1 : vector<16xf32> to vector<1x16xf32>
      tpu.vector_store %arg9[%swap3A_55, %swap3A_56], %swap3A_59 {strides = array<i32>} : memref<64x128xf32, #tpu.memory_space<vmem>>, vector<1x16xf32>,
      %swap3A_60 = arith.index_cast %add3A_25 : i32 to index
      %swap3A_61 = arith.constant 112 : index
      %swap3A_62 = tpu.vector_load %arg9[%swap3A_60, %swap3A_61] {strides = array<i32>} : memref<64x128xf32, #tpu.memory_space<vmem>>, vector<1x16xf32>,
      %swap3A_63 = vector.shape_cast %swap3A_62 : vector<1x16xf32> to vector<16xf32>
      %swap3A_64 = vector.shape_cast %broadcast_in_dim3A_1 : vector<16xf32> to vector<1x16xf32>
      tpu.vector_store %arg9[%swap3A_60, %swap3A_61], %swap3A_64 {strides = array<i32>} : memref<64x128xf32, #tpu.memory_space<vmem>>, vector<1x16xf32>,
    }
    %scan3A_5 = arith.constant 64 : i32
    %scan3A_6 = arith.constant 0 : i32
    %scan3A_7 = arith.constant 10 : i32
    %scan3A_8 = arith.addi %scan3A_6, %scan3A_7 : i32
    %scan3A_9 = arith.constant 1 : i32
    scf.for %scan3A_21 = %scan3A_6 to %scan3A_8 step %scan3A_9  : i32 {
      %mul3A_22 = arith.constant 1 : i32
      %mul3A_23 = arith.muli %scan3A_21, %mul3A_22 : i32
      %add3A_24 = arith.constant 0 : i32
      %add3A_25 = arith.addi %add3A_24, %mul3A_23 : i32
      %mul3A_26 = arith.constant 640 : i32
      %mul3A_27 = arith.muli %arg1, %mul3A_26 : i32
      %mul3A_28 = arith.constant 64 : i32
      %mul3A_29 = arith.muli %add3A_25, %mul3A_28 : i32
      %add3A_30 = arith.addi %mul3A_27, %mul3A_29 : i32
      "tpu.region"() ({
        %run_scoped3A = tpu.sem_alloc : memref<!tpu.dma_semaphore, #tpu.memory_space<semaphore_mem>>
        %dma_start3A = arith.constant 0 : i32
        %dma_start3A_31 = tpu.memref_slice %arg10[%add3A_30, %dma_start3A] : memref<10240x128xf32, #tpu.memory_space<vmem_shared>> -> memref<64x128xf32, #tpu.memory_space<vmem_shared>>
        %dma_start3A_32 = arith.constant 0 : i32
        %dma_start3A_33 = tpu.memref_slice %arg10[%add3A_30, %dma_start3A_32] : memref<10240x128xf32, #tpu.memory_space<vmem_shared>> -> memref<64x128xf32, #tpu.memory_space<vmem_shared>>
        tpu.enqueue_dma source(%arg9 : memref<64x128xf32, #tpu.memory_space<vmem>>) target(%dma_start3A_33 : memref<64x128xf32, #tpu.memory_space<vmem_shared>>) target_semaphore(%run_scoped3A : memref<!tpu.dma_semaphore, #tpu.memory_space<semaphore_mem>>)
        %dma_wait3A = arith.constant 0 : i32
        %dma_wait3A_34 = tpu.memref_slice %arg10[%add3A_30, %dma_wait3A] : memref<10240x128xf32, #tpu.memory_space<vmem_shared>> -> memref<64x128xf32, #tpu.memory_space<vmem_shared>>
        %dma_wait3A_35 = arith.constant 0 : i32
        %dma_wait3A_36 = tpu.memref_slice %arg10[%add3A_30, %dma_wait3A_35] : memref<10240x128xf32, #tpu.memory_space<vmem_shared>> -> memref<64x128xf32, #tpu.memory_space<vmem_shared>>
        tpu.wait_dma2 semaphore(%run_scoped3A : memref<!tpu.dma_semaphore, #tpu.memory_space<semaphore_mem>>) src(%arg9 : memref<64x128xf32, #tpu.memory_space<vmem>>) dst(%dma_wait3A_36 : memref<64x128xf32, #tpu.memory_space<vmem_shared>>)
        tpu.yield
      }) : () -> ()
    }
    %scan3A_10 = arith.constant 10 : i32
    %barrier3A = arith.constant 0 : index
    tpu.barrier barrier_id(%barrier3A)
    "tpu.region"() ({
      %run_scoped3A = tpu.sem_alloc : memref<!tpu.dma_semaphore, #tpu.memory_space<semaphore_mem>>
      %dma_start3A = arith.constant 0 : i32
      %dma_start3A_21 = arith.constant 0 : i32
      %dma_start3A_22 = tpu.memref_slice %arg3[%add3A, %dma_start3A, %dma_start3A_21] : memref<32x79x128xi32, #tpu.memory_space<hbm>> -> memref<1x79x128xi32, #tpu.memory_space<hbm>>
      %dma_start3A_23 = tpu.memref_squeeze %dma_start3A_22 : memref<1x79x128xi32, #tpu.memory_space<hbm>> -> memref<79x128xi32, #tpu.memory_space<hbm>>
      %dma_start3A_24 = arith.constant 0 : i32
      %dma_start3A_25 = arith.constant 0 : i32
      %dma_start3A_26 = tpu.memref_slice %arg3[%add3A, %dma_start3A_24, %dma_start3A_25] : memref<32x79x128xi32, #tpu.memory_space<hbm>> -> memref<1x79x128xi32, #tpu.memory_space<hbm>>
      %dma_start3A_27 = tpu.memref_squeeze %dma_start3A_26 : memref<1x79x128xi32, #tpu.memory_space<hbm>> -> memref<79x128xi32, #tpu.memory_space<hbm>>
      tpu.enqueue_dma source(%dma_start3A_27 : memref<79x128xi32, #tpu.memory_space<hbm>>) target(%arg6 : memref<79x128xi32, #tpu.memory_space<vmem>>) target_semaphore(%run_scoped3A : memref<!tpu.dma_semaphore, #tpu.memory_space<semaphore_mem>>)
      %dma_wait3A = arith.constant 0 : i32
      %dma_wait3A_28 = arith.constant 0 : i32
      %dma_wait3A_29 = tpu.memref_slice %arg3[%add3A, %dma_wait3A, %dma_wait3A_28] : memref<32x79x128xi32, #tpu.memory_space<hbm>> -> memref<1x79x128xi32, #tpu.memory_space<hbm>>
      %dma_wait3A_30 = tpu.memref_squeeze %dma_wait3A_29 : memref<1x79x128xi32, #tpu.memory_space<hbm>> -> memref<79x128xi32, #tpu.memory_space<hbm>>
      %dma_wait3A_31 = arith.constant 0 : i32
      %dma_wait3A_32 = arith.constant 0 : i32
      %dma_wait3A_33 = tpu.memref_slice %arg3[%add3A, %dma_wait3A_31, %dma_wait3A_32] : memref<32x79x128xi32, #tpu.memory_space<hbm>> -> memref<1x79x128xi32, #tpu.memory_space<hbm>>
      %dma_wait3A_34 = tpu.memref_squeeze %dma_wait3A_33 : memref<1x79x128xi32, #tpu.memory_space<hbm>> -> memref<79x128xi32, #tpu.memory_space<hbm>>
      tpu.wait_dma2 semaphore(%run_scoped3A : memref<!tpu.dma_semaphore, #tpu.memory_space<semaphore_mem>>) src(%dma_wait3A_34 : memref<79x128xi32, #tpu.memory_space<hbm>>) dst(%arg6 : memref<79x128xi32, #tpu.memory_space<vmem>>)
      tpu.yield
    }) : () -> ()
    "tpu.region"() ({
      %run_scoped3A = tpu.sem_alloc : memref<!tpu.dma_semaphore, #tpu.memory_space<semaphore_mem>>
      %dma_start3A = arith.constant 0 : i32
      %dma_start3A_21 = arith.constant 0 : i32
      %dma_start3A_22 = tpu.memref_slice %arg4[%add3A, %dma_start3A, %dma_start3A_21] : memref<32x79x128xi32, #tpu.memory_space<hbm>> -> memref<1x79x128xi32, #tpu.memory_space<hbm>>
      %dma_start3A_23 = tpu.memref_squeeze %dma_start3A_22 : memref<1x79x128xi32, #tpu.memory_space<hbm>> -> memref<79x128xi32, #tpu.memory_space<hbm>>
      %dma_start3A_24 = arith.constant 0 : i32
      %dma_start3A_25 = arith.constant 0 : i32
      %dma_start3A_26 = tpu.memref_slice %arg4[%add3A, %dma_start3A_24, %dma_start3A_25] : memref<32x79x128xi32, #tpu.memory_space<hbm>> -> memref<1x79x128xi32, #tpu.memory_space<hbm>>
      %dma_start3A_27 = tpu.memref_squeeze %dma_start3A_26 : memref<1x79x128xi32, #tpu.memory_space<hbm>> -> memref<79x128xi32, #tpu.memory_space<hbm>>
      tpu.enqueue_dma source(%dma_start3A_27 : memref<79x128xi32, #tpu.memory_space<hbm>>) target(%arg7 : memref<79x128xi32, #tpu.memory_space<vmem>>) target_semaphore(%run_scoped3A : memref<!tpu.dma_semaphore, #tpu.memory_space<semaphore_mem>>)
      %dma_wait3A = arith.constant 0 : i32
      %dma_wait3A_28 = arith.constant 0 : i32
      %dma_wait3A_29 = tpu.memref_slice %arg4[%add3A, %dma_wait3A, %dma_wait3A_28] : memref<32x79x128xi32, #tpu.memory_space<hbm>> -> memref<1x79x128xi32, #tpu.memory_space<hbm>>
      %dma_wait3A_30 = tpu.memref_squeeze %dma_wait3A_29 : memref<1x79x128xi32, #tpu.memory_space<hbm>> -> memref<79x128xi32, #tpu.memory_space<hbm>>
      %dma_wait3A_31 = arith.constant 0 : i32
      %dma_wait3A_32 = arith.constant 0 : i32
      %dma_wait3A_33 = tpu.memref_slice %arg4[%add3A, %dma_wait3A_31, %dma_wait3A_32] : memref<32x79x128xi32, #tpu.memory_space<hbm>> -> memref<1x79x128xi32, #tpu.memory_space<hbm>>
      %dma_wait3A_34 = tpu.memref_squeeze %dma_wait3A_33 : memref<1x79x128xi32, #tpu.memory_space<hbm>> -> memref<79x128xi32, #tpu.memory_space<hbm>>
      tpu.wait_dma2 semaphore(%run_scoped3A : memref<!tpu.dma_semaphore, #tpu.memory_space<semaphore_mem>>) src(%dma_wait3A_34 : memref<79x128xi32, #tpu.memory_space<hbm>>) dst(%arg7 : memref<79x128xi32, #tpu.memory_space<vmem>>)
      tpu.yield
    }) : () -> ()
    %scan3A_11 = arith.constant 0 : i32
    %scan3A_12 = arith.constant 79 : i32
    %scan3A_13 = arith.addi %scan3A_11, %scan3A_12 : i32
    %scan3A_14 = arith.constant 1 : i32
    scf.for %scan3A_21 = %scan3A_11 to %scan3A_13 step %scan3A_14  : i32 {
      %mul3A_22 = arith.constant 1 : i32
      %mul3A_23 = arith.muli %scan3A_21, %mul3A_22 : i32
      %add3A_24 = arith.constant 0 : i32
      %add3A_25 = arith.addi %add3A_24, %mul3A_23 : i32
      %dma_start3A = arith.constant 0 : i32
      %dma_start3A_26 = tpu.memref_slice %arg6[%add3A_25, %dma_start3A] : memref<79x128xi32, #tpu.memory_space<vmem>> -> memref<1x128xi32, #tpu.memory_space<vmem>>
      %dma_start3A_27 = tpu.memref_squeeze %dma_start3A_26 : memref<1x128xi32, #tpu.memory_space<vmem>> -> memref<128xi32, #tpu.memory_space<vmem>>
      %dma_start3A_28 = arith.constant 0 : i32
      %dma_start3A_29 = arith.constant 0 : i32
      %dma_start3A_30 = tpu.memref_slice %arg2[%dma_start3A_28, %dma_start3A_29] : memref<10240x128xf32, #tpu.memory_space<hbm>> -> memref<10240x128xf32, #tpu.memory_space<hbm>>
      tpu.enqueue_indirect_dma source(%dma_start3A_30 : memref<10240x128xf32, #tpu.memory_space<hbm>>) target(%arg8 : memref<128x128xf32, #tpu.memory_space<vmem>>) offsets(%dma_start3A_27 : memref<128xi32, #tpu.memory_space<vmem>>) semaphore(%arg11 : memref<!tpu.dma_semaphore, #tpu.memory_space<semaphore_mem>>)
      %dma_wait3A = arith.constant 0 : i32
      %dma_wait3A_31 = tpu.memref_slice %arg6[%add3A_25, %dma_wait3A] : memref<79x128xi32, #tpu.memory_space<vmem>> -> memref<1x128xi32, #tpu.memory_space<vmem>>
      %dma_wait3A_32 = tpu.memref_squeeze %dma_wait3A_31 : memref<1x128xi32, #tpu.memory_space<vmem>> -> memref<128xi32, #tpu.memory_space<vmem>>
      %dma_wait3A_33 = arith.constant 0 : i32
      %dma_wait3A_34 = arith.constant 0 : i32
      %dma_wait3A_35 = tpu.memref_slice %arg2[%dma_wait3A_33, %dma_wait3A_34] : memref<10240x128xf32, #tpu.memory_space<hbm>> -> memref<10240x128xf32, #tpu.memory_space<hbm>>
      tpu.wait_indirect_dma semaphore(%arg11 : memref<!tpu.dma_semaphore, #tpu.memory_space<semaphore_mem>>) src(%dma_wait3A_35 : memref<10240x128xf32, #tpu.memory_space<hbm>>) dst(%arg8 : memref<128x128xf32, #tpu.memory_space<vmem>>)
      "tpu.region"() ({
        %run_scoped3A = tpu.sem_alloc : memref<!tpu.dma_semaphore, #tpu.memory_space<semaphore_mem>>
        %dma_start3A_36 = arith.constant 0 : i32
        %dma_start3A_37 = tpu.memref_slice %arg7[%add3A_25, %dma_start3A_36] : memref<79x128xi32, #tpu.memory_space<vmem>> -> memref<1x128xi32, #tpu.memory_space<vmem>>
        %dma_start3A_38 = tpu.memref_squeeze %dma_start3A_37 : memref<1x128xi32, #tpu.memory_space<vmem>> -> memref<128xi32, #tpu.memory_space<vmem>>
        %dma_start3A_39 = arith.constant 0 : i32
        %dma_start3A_40 = arith.constant 0 : i32
        %dma_start3A_41 = tpu.memref_slice %arg10[%dma_start3A_39, %dma_start3A_40] : memref<10240x128xf32, #tpu.memory_space<vmem_shared>> -> memref<10240x128xf32, #tpu.memory_space<vmem_shared>>
        tpu.enqueue_indirect_dma source(%arg8 : memref<128x128xf32, #tpu.memory_space<vmem>>) target(%dma_start3A_41 : memref<10240x128xf32, #tpu.memory_space<vmem_shared>>) offsets(%dma_start3A_38 : memref<128xi32, #tpu.memory_space<vmem>>) semaphore(%run_scoped3A : memref<!tpu.dma_semaphore, #tpu.memory_space<semaphore_mem>>) {add = true}
        %dma_wait3A_42 = arith.constant 0 : i32
        %dma_wait3A_43 = tpu.memref_slice %arg7[%add3A_25, %dma_wait3A_42] : memref<79x128xi32, #tpu.memory_space<vmem>> -> memref<1x128xi32, #tpu.memory_space<vmem>>
        %dma_wait3A_44 = tpu.memref_squeeze %dma_wait3A_43 : memref<1x128xi32, #tpu.memory_space<vmem>> -> memref<128xi32, #tpu.memory_space<vmem>>
        %dma_wait3A_45 = arith.constant 0 : i32
        %dma_wait3A_46 = arith.constant 0 : i32
        %dma_wait3A_47 = tpu.memref_slice %arg10[%dma_wait3A_45, %dma_wait3A_46] : memref<10240x128xf32, #tpu.memory_space<vmem_shared>> -> memref<10240x128xf32, #tpu.memory_space<vmem_shared>>
        tpu.wait_indirect_dma semaphore(%run_scoped3A : memref<!tpu.dma_semaphore, #tpu.memory_space<semaphore_mem>>) src(%arg8 : memref<128x128xf32, #tpu.memory_space<vmem>>) dst(%dma_wait3A_47 : memref<10240x128xf32, #tpu.memory_space<vmem_shared>>)
        tpu.yield
      }) : () -> ()
    }
    %scan3A_15 = arith.constant 79 : i32
    %barrier3A_16 = arith.constant 0 : index
    tpu.barrier barrier_id(%barrier3A_16)
    %mul3A_17 = arith.constant 640 : i32
    %mul3A_18 = arith.muli %arg1, %mul3A_17 : i32
    %mul3A_19 = arith.constant 640 : i32
    %mul3A_20 = arith.muli %arg1, %mul3A_19 : i32
    "tpu.region"() ({
      %run_scoped3A = tpu.sem_alloc : memref<!tpu.dma_semaphore, #tpu.memory_space<semaphore_mem>>
      %dma_start3A = arith.constant 0 : i32
      %dma_start3A_21 = tpu.memref_slice %arg5[%arg0, %mul3A_20, %dma_start3A] : memref<2x10240x128xf32, #tpu.memory_space<hbm>> -> memref<1x640x128xf32, #tpu.memory_space<hbm>>
      %dma_start3A_22 = tpu.memref_squeeze %dma_start3A_21 : memref<1x640x128xf32, #tpu.memory_space<hbm>> -> memref<640x128xf32, #tpu.memory_space<hbm>>
      %dma_start3A_23 = arith.constant 0 : i32
      %dma_start3A_24 = tpu.memref_slice %arg10[%mul3A_18, %dma_start3A_23] : memref<10240x128xf32, #tpu.memory_space<vmem_shared>> -> memref<640x128xf32, #tpu.memory_space<vmem_shared>>
      tpu.enqueue_dma source(%dma_start3A_24 : memref<640x128xf32, #tpu.memory_space<vmem_shared>>) target(%dma_start3A_22 : memref<640x128xf32, #tpu.memory_space<hbm>>) target_semaphore(%run_scoped3A : memref<!tpu.dma_semaphore, #tpu.memory_space<semaphore_mem>>)
      %dma_wait3A = arith.constant 0 : i32
      %dma_wait3A_25 = tpu.memref_slice %arg5[%arg0, %mul3A_20, %dma_wait3A] : memref<2x10240x128xf32, #tpu.memory_space<hbm>> -> memref<1x640x128xf32, #tpu.memory_space<hbm>>
      %dma_wait3A_26 = tpu.memref_squeeze %dma_wait3A_25 : memref<1x640x128xf32, #tpu.memory_space<hbm>> -> memref<640x128xf32, #tpu.memory_space<hbm>>
      %dma_wait3A_27 = arith.constant 0 : i32
      %dma_wait3A_28 = tpu.memref_slice %arg10[%mul3A_18, %dma_wait3A_27] : memref<10240x128xf32, #tpu.memory_space<vmem_shared>> -> memref<640x128xf32, #tpu.memory_space<vmem_shared>>
      tpu.wait_dma2 semaphore(%run_scoped3A : memref<!tpu.dma_semaphore, #tpu.memory_space<semaphore_mem>>) src(%dma_wait3A_28 : memref<640x128xf32, #tpu.memory_space<vmem_shared>>) dst(%dma_wait3A_26 : memref<640x128xf32, #tpu.memory_space<hbm>>)
      tpu.yield
    }) : () -> ()
    return
  }
}

#map = affine_map<(d0, d1) -> (0, 0)>
#map1 = affine_map<(d0, d1) -> (0, 0, 0)>
module attributes {stable_mosaic.version = 14 : i64} {
  func.func @_sc_agg_body(%arg0: i32, %arg1: i32, %arg2: memref<10240x128xf32, #tpu.memory_space<hbm>>, %arg3: memref<32x79x128xi32, #tpu.memory_space<hbm>>, %arg4: memref<32x79x128xi32, #tpu.memory_space<hbm>>, %arg5: memref<2x10240x128xf32, #tpu.memory_space<hbm>>, %arg6: memref<79x128xi32, #tpu.memory_space<vmem>>, %arg7: memref<79x128xi32, #tpu.memory_space<vmem>>, %arg8: memref<128x128xf32, #tpu.memory_space<vmem>>, %arg9: memref<64x128xf32, #tpu.memory_space<vmem>>, %arg10: memref<10240x128xf32, #tpu.memory_space<vmem_shared>>, %arg11: memref<!tpu.dma_semaphore, #tpu.memory_space<semaphore_mem>>) attributes {dimension_semantics = [#tpu.dimension_semantics<core_parallel>, #tpu.dimension_semantics<subcore_parallel>], iteration_bounds = array<i64: 2, 16>, scalar_prefetch = 0 : i64, scratch_operands = 6 : i64, tpu.core_type = #tpu.core_type<sc_vector_subcore>, window_params = [{transform_indices = #map}, {transform_indices = #map1}, {transform_indices = #map1}, {transform_indices = #map1}]} {
    %mul3A = arith.constant 2 : i32
    %mul3A_0 = arith.muli %arg1, %mul3A : i32
    %add3A = arith.addi %mul3A_0, %arg0 : i32
    %broadcast_in_dim3A = arith.constant 0.000000e+00 : f32
    %broadcast_in_dim3A_1 = vector.broadcast %broadcast_in_dim3A : f32 to vector<16xf32>
    %scan3A = arith.constant 0 : i32
    %scan3A_2 = arith.constant 64 : i32
    %scan3A_3 = arith.addi %scan3A, %scan3A_2 : i32
    %scan3A_4 = arith.constant 1 : i32
    scf.for %scan3A_21 = %scan3A to %scan3A_3 step %scan3A_4  : i32 {
      %mul3A_22 = arith.constant 1 : i32
      %mul3A_23 = arith.muli %scan3A_21, %mul3A_22 : i32
      %add3A_24 = arith.constant 0 : i32
      %add3A_25 = arith.addi %add3A_24, %mul3A_23 : i32
      %swap3A = arith.index_cast %add3A_25 : i32 to index
      %swap3A_26 = arith.constant 0 : index
      %swap3A_27 = tpu.vector_load %arg9[%swap3A, %swap3A_26] {strides = array<i32>} : memref<64x128xf32, #tpu.memory_space<vmem>>, vector<1x16xf32>,
      %swap3A_28 = vector.shape_cast %swap3A_27 : vector<1x16xf32> to vector<16xf32>
      %swap3A_29 = vector.shape_cast %broadcast_in_dim3A_1 : vector<16xf32> to vector<1x16xf32>
      tpu.vector_store %arg9[%swap3A, %swap3A_26], %swap3A_29 {strides = array<i32>} : memref<64x128xf32, #tpu.memory_space<vmem>>, vector<1x16xf32>,
      %swap3A_30 = arith.index_cast %add3A_25 : i32 to index
      %swap3A_31 = arith.constant 16 : index
      %swap3A_32 = tpu.vector_load %arg9[%swap3A_30, %swap3A_31] {strides = array<i32>} : memref<64x128xf32, #tpu.memory_space<vmem>>, vector<1x16xf32>,
      %swap3A_33 = vector.shape_cast %swap3A_32 : vector<1x16xf32> to vector<16xf32>
      %swap3A_34 = vector.shape_cast %broadcast_in_dim3A_1 : vector<16xf32> to vector<1x16xf32>
      tpu.vector_store %arg9[%swap3A_30, %swap3A_31], %swap3A_34 {strides = array<i32>} : memref<64x128xf32, #tpu.memory_space<vmem>>, vector<1x16xf32>,
      %swap3A_35 = arith.index_cast %add3A_25 : i32 to index
      %swap3A_36 = arith.constant 32 : index
      %swap3A_37 = tpu.vector_load %arg9[%swap3A_35, %swap3A_36] {strides = array<i32>} : memref<64x128xf32, #tpu.memory_space<vmem>>, vector<1x16xf32>,
      %swap3A_38 = vector.shape_cast %swap3A_37 : vector<1x16xf32> to vector<16xf32>
      %swap3A_39 = vector.shape_cast %broadcast_in_dim3A_1 : vector<16xf32> to vector<1x16xf32>
      tpu.vector_store %arg9[%swap3A_35, %swap3A_36], %swap3A_39 {strides = array<i32>} : memref<64x128xf32, #tpu.memory_space<vmem>>, vector<1x16xf32>,
      %swap3A_40 = arith.index_cast %add3A_25 : i32 to index
      %swap3A_41 = arith.constant 48 : index
      %swap3A_42 = tpu.vector_load %arg9[%swap3A_40, %swap3A_41] {strides = array<i32>} : memref<64x128xf32, #tpu.memory_space<vmem>>, vector<1x16xf32>,
      %swap3A_43 = vector.shape_cast %swap3A_42 : vector<1x16xf32> to vector<16xf32>
      %swap3A_44 = vector.shape_cast %broadcast_in_dim3A_1 : vector<16xf32> to vector<1x16xf32>
      tpu.vector_store %arg9[%swap3A_40, %swap3A_41], %swap3A_44 {strides = array<i32>} : memref<64x128xf32, #tpu.memory_space<vmem>>, vector<1x16xf32>,
      %swap3A_45 = arith.index_cast %add3A_25 : i32 to index
      %swap3A_46 = arith.constant 64 : index
      %swap3A_47 = tpu.vector_load %arg9[%swap3A_45, %swap3A_46] {strides = array<i32>} : memref<64x128xf32, #tpu.memory_space<vmem>>, vector<1x16xf32>,
      %swap3A_48 = vector.shape_cast %swap3A_47 : vector<1x16xf32> to vector<16xf32>
      %swap3A_49 = vector.shape_cast %broadcast_in_dim3A_1 : vector<16xf32> to vector<1x16xf32>
      tpu.vector_store %arg9[%swap3A_45, %swap3A_46], %swap3A_49 {strides = array<i32>} : memref<64x128xf32, #tpu.memory_space<vmem>>, vector<1x16xf32>,
      %swap3A_50 = arith.index_cast %add3A_25 : i32 to index
      %swap3A_51 = arith.constant 80 : index
      %swap3A_52 = tpu.vector_load %arg9[%swap3A_50, %swap3A_51] {strides = array<i32>} : memref<64x128xf32, #tpu.memory_space<vmem>>, vector<1x16xf32>,
      %swap3A_53 = vector.shape_cast %swap3A_52 : vector<1x16xf32> to vector<16xf32>
      %swap3A_54 = vector.shape_cast %broadcast_in_dim3A_1 : vector<16xf32> to vector<1x16xf32>
      tpu.vector_store %arg9[%swap3A_50, %swap3A_51], %swap3A_54 {strides = array<i32>} : memref<64x128xf32, #tpu.memory_space<vmem>>, vector<1x16xf32>,
      %swap3A_55 = arith.index_cast %add3A_25 : i32 to index
      %swap3A_56 = arith.constant 96 : index
      %swap3A_57 = tpu.vector_load %arg9[%swap3A_55, %swap3A_56] {strides = array<i32>} : memref<64x128xf32, #tpu.memory_space<vmem>>, vector<1x16xf32>,
      %swap3A_58 = vector.shape_cast %swap3A_57 : vector<1x16xf32> to vector<16xf32>
      %swap3A_59 = vector.shape_cast %broadcast_in_dim3A_1 : vector<16xf32> to vector<1x16xf32>
      tpu.vector_store %arg9[%swap3A_55, %swap3A_56], %swap3A_59 {strides = array<i32>} : memref<64x128xf32, #tpu.memory_space<vmem>>, vector<1x16xf32>,
      %swap3A_60 = arith.index_cast %add3A_25 : i32 to index
      %swap3A_61 = arith.constant 112 : index
      %swap3A_62 = tpu.vector_load %arg9[%swap3A_60, %swap3A_61] {strides = array<i32>} : memref<64x128xf32, #tpu.memory_space<vmem>>, vector<1x16xf32>,
      %swap3A_63 = vector.shape_cast %swap3A_62 : vector<1x16xf32> to vector<16xf32>
      %swap3A_64 = vector.shape_cast %broadcast_in_dim3A_1 : vector<16xf32> to vector<1x16xf32>
      tpu.vector_store %arg9[%swap3A_60, %swap3A_61], %swap3A_64 {strides = array<i32>} : memref<64x128xf32, #tpu.memory_space<vmem>>, vector<1x16xf32>,
    }
    %scan3A_5 = arith.constant 64 : i32
    %scan3A_6 = arith.constant 0 : i32
    %scan3A_7 = arith.constant 10 : i32
    %scan3A_8 = arith.addi %scan3A_6, %scan3A_7 : i32
    %scan3A_9 = arith.constant 1 : i32
    scf.for %scan3A_21 = %scan3A_6 to %scan3A_8 step %scan3A_9  : i32 {
      %mul3A_22 = arith.constant 1 : i32
      %mul3A_23 = arith.muli %scan3A_21, %mul3A_22 : i32
      %add3A_24 = arith.constant 0 : i32
      %add3A_25 = arith.addi %add3A_24, %mul3A_23 : i32
      %mul3A_26 = arith.constant 640 : i32
      %mul3A_27 = arith.muli %arg1, %mul3A_26 : i32
      %mul3A_28 = arith.constant 64 : i32
      %mul3A_29 = arith.muli %add3A_25, %mul3A_28 : i32
      %add3A_30 = arith.addi %mul3A_27, %mul3A_29 : i32
      "tpu.region"() ({
        %run_scoped3A = tpu.sem_alloc : memref<!tpu.dma_semaphore, #tpu.memory_space<semaphore_mem>>
        %dma_start3A = arith.constant 0 : i32
        %dma_start3A_31 = tpu.memref_slice %arg10[%add3A_30, %dma_start3A] : memref<10240x128xf32, #tpu.memory_space<vmem_shared>> -> memref<64x128xf32, #tpu.memory_space<vmem_shared>>
        %dma_start3A_32 = arith.constant 0 : i32
        %dma_start3A_33 = tpu.memref_slice %arg10[%add3A_30, %dma_start3A_32] : memref<10240x128xf32, #tpu.memory_space<vmem_shared>> -> memref<64x128xf32, #tpu.memory_space<vmem_shared>>
        tpu.enqueue_dma source(%arg9 : memref<64x128xf32, #tpu.memory_space<vmem>>) target(%dma_start3A_33 : memref<64x128xf32, #tpu.memory_space<vmem_shared>>) target_semaphore(%run_scoped3A : memref<!tpu.dma_semaphore, #tpu.memory_space<semaphore_mem>>)
        %dma_wait3A = arith.constant 0 : i32
        %dma_wait3A_34 = tpu.memref_slice %arg10[%add3A_30, %dma_wait3A] : memref<10240x128xf32, #tpu.memory_space<vmem_shared>> -> memref<64x128xf32, #tpu.memory_space<vmem_shared>>
        %dma_wait3A_35 = arith.constant 0 : i32
        %dma_wait3A_36 = tpu.memref_slice %arg10[%add3A_30, %dma_wait3A_35] : memref<10240x128xf32, #tpu.memory_space<vmem_shared>> -> memref<64x128xf32, #tpu.memory_space<vmem_shared>>
        tpu.wait_dma2 semaphore(%run_scoped3A : memref<!tpu.dma_semaphore, #tpu.memory_space<semaphore_mem>>) src(%arg9 : memref<64x128xf32, #tpu.memory_space<vmem>>) dst(%dma_wait3A_36 : memref<64x128xf32, #tpu.memory_space<vmem_shared>>)
        tpu.yield
      }) : () -> ()
    }
    %scan3A_10 = arith.constant 10 : i32
    %barrier3A = arith.constant 0 : index
    tpu.barrier barrier_id(%barrier3A)
    "tpu.region"() ({
      %run_scoped3A = tpu.sem_alloc : memref<!tpu.dma_semaphore, #tpu.memory_space<semaphore_mem>>
      %dma_start3A = arith.constant 0 : i32
      %dma_start3A_21 = arith.constant 0 : i32
      %dma_start3A_22 = tpu.memref_slice %arg3[%add3A, %dma_start3A, %dma_start3A_21] : memref<32x79x128xi32, #tpu.memory_space<hbm>> -> memref<1x79x128xi32, #tpu.memory_space<hbm>>
      %dma_start3A_23 = tpu.memref_squeeze %dma_start3A_22 : memref<1x79x128xi32, #tpu.memory_space<hbm>> -> memref<79x128xi32, #tpu.memory_space<hbm>>
      %dma_start3A_24 = arith.constant 0 : i32
      %dma_start3A_25 = arith.constant 0 : i32
      %dma_start3A_26 = tpu.memref_slice %arg3[%add3A, %dma_start3A_24, %dma_start3A_25] : memref<32x79x128xi32, #tpu.memory_space<hbm>> -> memref<1x79x128xi32, #tpu.memory_space<hbm>>
      %dma_start3A_27 = tpu.memref_squeeze %dma_start3A_26 : memref<1x79x128xi32, #tpu.memory_space<hbm>> -> memref<79x128xi32, #tpu.memory_space<hbm>>
      tpu.enqueue_dma source(%dma_start3A_27 : memref<79x128xi32, #tpu.memory_space<hbm>>) target(%arg6 : memref<79x128xi32, #tpu.memory_space<vmem>>) target_semaphore(%run_scoped3A : memref<!tpu.dma_semaphore, #tpu.memory_space<semaphore_mem>>)
      %dma_wait3A = arith.constant 0 : i32
      %dma_wait3A_28 = arith.constant 0 : i32
      %dma_wait3A_29 = tpu.memref_slice %arg3[%add3A, %dma_wait3A, %dma_wait3A_28] : memref<32x79x128xi32, #tpu.memory_space<hbm>> -> memref<1x79x128xi32, #tpu.memory_space<hbm>>
      %dma_wait3A_30 = tpu.memref_squeeze %dma_wait3A_29 : memref<1x79x128xi32, #tpu.memory_space<hbm>> -> memref<79x128xi32, #tpu.memory_space<hbm>>
      %dma_wait3A_31 = arith.constant 0 : i32
      %dma_wait3A_32 = arith.constant 0 : i32
      %dma_wait3A_33 = tpu.memref_slice %arg3[%add3A, %dma_wait3A_31, %dma_wait3A_32] : memref<32x79x128xi32, #tpu.memory_space<hbm>> -> memref<1x79x128xi32, #tpu.memory_space<hbm>>
      %dma_wait3A_34 = tpu.memref_squeeze %dma_wait3A_33 : memref<1x79x128xi32, #tpu.memory_space<hbm>> -> memref<79x128xi32, #tpu.memory_space<hbm>>
      tpu.wait_dma2 semaphore(%run_scoped3A : memref<!tpu.dma_semaphore, #tpu.memory_space<semaphore_mem>>) src(%dma_wait3A_34 : memref<79x128xi32, #tpu.memory_space<hbm>>) dst(%arg6 : memref<79x128xi32, #tpu.memory_space<vmem>>)
      tpu.yield
    }) : () -> ()
    "tpu.region"() ({
      %run_scoped3A = tpu.sem_alloc : memref<!tpu.dma_semaphore, #tpu.memory_space<semaphore_mem>>
      %dma_start3A = arith.constant 0 : i32
      %dma_start3A_21 = arith.constant 0 : i32
      %dma_start3A_22 = tpu.memref_slice %arg4[%add3A, %dma_start3A, %dma_start3A_21] : memref<32x79x128xi32, #tpu.memory_space<hbm>> -> memref<1x79x128xi32, #tpu.memory_space<hbm>>
      %dma_start3A_23 = tpu.memref_squeeze %dma_start3A_22 : memref<1x79x128xi32, #tpu.memory_space<hbm>> -> memref<79x128xi32, #tpu.memory_space<hbm>>
      %dma_start3A_24 = arith.constant 0 : i32
      %dma_start3A_25 = arith.constant 0 : i32
      %dma_start3A_26 = tpu.memref_slice %arg4[%add3A, %dma_start3A_24, %dma_start3A_25] : memref<32x79x128xi32, #tpu.memory_space<hbm>> -> memref<1x79x128xi32, #tpu.memory_space<hbm>>
      %dma_start3A_27 = tpu.memref_squeeze %dma_start3A_26 : memref<1x79x128xi32, #tpu.memory_space<hbm>> -> memref<79x128xi32, #tpu.memory_space<hbm>>
      tpu.enqueue_dma source(%dma_start3A_27 : memref<79x128xi32, #tpu.memory_space<hbm>>) target(%arg7 : memref<79x128xi32, #tpu.memory_space<vmem>>) target_semaphore(%run_scoped3A : memref<!tpu.dma_semaphore, #tpu.memory_space<semaphore_mem>>)
      %dma_wait3A = arith.constant 0 : i32
      %dma_wait3A_28 = arith.constant 0 : i32
      %dma_wait3A_29 = tpu.memref_slice %arg4[%add3A, %dma_wait3A, %dma_wait3A_28] : memref<32x79x128xi32, #tpu.memory_space<hbm>> -> memref<1x79x128xi32, #tpu.memory_space<hbm>>
      %dma_wait3A_30 = tpu.memref_squeeze %dma_wait3A_29 : memref<1x79x128xi32, #tpu.memory_space<hbm>> -> memref<79x128xi32, #tpu.memory_space<hbm>>
      %dma_wait3A_31 = arith.constant 0 : i32
      %dma_wait3A_32 = arith.constant 0 : i32
      %dma_wait3A_33 = tpu.memref_slice %arg4[%add3A, %dma_wait3A_31, %dma_wait3A_32] : memref<32x79x128xi32, #tpu.memory_space<hbm>> -> memref<1x79x128xi32, #tpu.memory_space<hbm>>
      %dma_wait3A_34 = tpu.memref_squeeze %dma_wait3A_33 : memref<1x79x128xi32, #tpu.memory_space<hbm>> -> memref<79x128xi32, #tpu.memory_space<hbm>>
      tpu.wait_dma2 semaphore(%run_scoped3A : memref<!tpu.dma_semaphore, #tpu.memory_space<semaphore_mem>>) src(%dma_wait3A_34 : memref<79x128xi32, #tpu.memory_space<hbm>>) dst(%arg7 : memref<79x128xi32, #tpu.memory_space<vmem>>)
      tpu.yield
    }) : () -> ()
    %scan3A_11 = arith.constant 0 : i32
    %scan3A_12 = arith.constant 79 : i32
    %scan3A_13 = arith.addi %scan3A_11, %scan3A_12 : i32
    %scan3A_14 = arith.constant 1 : i32
    scf.for %scan3A_21 = %scan3A_11 to %scan3A_13 step %scan3A_14  : i32 {
      %mul3A_22 = arith.constant 1 : i32
      %mul3A_23 = arith.muli %scan3A_21, %mul3A_22 : i32
      %add3A_24 = arith.constant 0 : i32
      %add3A_25 = arith.addi %add3A_24, %mul3A_23 : i32
      %dma_start3A = arith.constant 0 : i32
      %dma_start3A_26 = tpu.memref_slice %arg6[%add3A_25, %dma_start3A] : memref<79x128xi32, #tpu.memory_space<vmem>> -> memref<1x128xi32, #tpu.memory_space<vmem>>
      %dma_start3A_27 = tpu.memref_squeeze %dma_start3A_26 : memref<1x128xi32, #tpu.memory_space<vmem>> -> memref<128xi32, #tpu.memory_space<vmem>>
      %dma_start3A_28 = arith.constant 0 : i32
      %dma_start3A_29 = arith.constant 0 : i32
      %dma_start3A_30 = tpu.memref_slice %arg2[%dma_start3A_28, %dma_start3A_29] : memref<10240x128xf32, #tpu.memory_space<hbm>> -> memref<10240x128xf32, #tpu.memory_space<hbm>>
      tpu.enqueue_indirect_dma source(%dma_start3A_30 : memref<10240x128xf32, #tpu.memory_space<hbm>>) target(%arg8 : memref<128x128xf32, #tpu.memory_space<vmem>>) offsets(%dma_start3A_27 : memref<128xi32, #tpu.memory_space<vmem>>) semaphore(%arg11 : memref<!tpu.dma_semaphore, #tpu.memory_space<semaphore_mem>>)
      %dma_wait3A = arith.constant 0 : i32
      %dma_wait3A_31 = tpu.memref_slice %arg6[%add3A_25, %dma_wait3A] : memref<79x128xi32, #tpu.memory_space<vmem>> -> memref<1x128xi32, #tpu.memory_space<vmem>>
      %dma_wait3A_32 = tpu.memref_squeeze %dma_wait3A_31 : memref<1x128xi32, #tpu.memory_space<vmem>> -> memref<128xi32, #tpu.memory_space<vmem>>
      %dma_wait3A_33 = arith.constant 0 : i32
      %dma_wait3A_34 = arith.constant 0 : i32
      %dma_wait3A_35 = tpu.memref_slice %arg2[%dma_wait3A_33, %dma_wait3A_34] : memref<10240x128xf32, #tpu.memory_space<hbm>> -> memref<10240x128xf32, #tpu.memory_space<hbm>>
      tpu.wait_indirect_dma semaphore(%arg11 : memref<!tpu.dma_semaphore, #tpu.memory_space<semaphore_mem>>) src(%dma_wait3A_35 : memref<10240x128xf32, #tpu.memory_space<hbm>>) dst(%arg8 : memref<128x128xf32, #tpu.memory_space<vmem>>)
      "tpu.region"() ({
        %run_scoped3A = tpu.sem_alloc : memref<!tpu.dma_semaphore, #tpu.memory_space<semaphore_mem>>
        %dma_start3A_36 = arith.constant 0 : i32
        %dma_start3A_37 = tpu.memref_slice %arg7[%add3A_25, %dma_start3A_36] : memref<79x128xi32, #tpu.memory_space<vmem>> -> memref<1x128xi32, #tpu.memory_space<vmem>>
        %dma_start3A_38 = tpu.memref_squeeze %dma_start3A_37 : memref<1x128xi32, #tpu.memory_space<vmem>> -> memref<128xi32, #tpu.memory_space<vmem>>
        %dma_start3A_39 = arith.constant 0 : i32
        %dma_start3A_40 = arith.constant 0 : i32
        %dma_start3A_41 = tpu.memref_slice %arg10[%dma_start3A_39, %dma_start3A_40] : memref<10240x128xf32, #tpu.memory_space<vmem_shared>> -> memref<10240x128xf32, #tpu.memory_space<vmem_shared>>
        tpu.enqueue_indirect_dma source(%arg8 : memref<128x128xf32, #tpu.memory_space<vmem>>) target(%dma_start3A_41 : memref<10240x128xf32, #tpu.memory_space<vmem_shared>>) offsets(%dma_start3A_38 : memref<128xi32, #tpu.memory_space<vmem>>) semaphore(%run_scoped3A : memref<!tpu.dma_semaphore, #tpu.memory_space<semaphore_mem>>) {add = true}
        %dma_wait3A_42 = arith.constant 0 : i32
        %dma_wait3A_43 = tpu.memref_slice %arg7[%add3A_25, %dma_wait3A_42] : memref<79x128xi32, #tpu.memory_space<vmem>> -> memref<1x128xi32, #tpu.memory_space<vmem>>
        %dma_wait3A_44 = tpu.memref_squeeze %dma_wait3A_43 : memref<1x128xi32, #tpu.memory_space<vmem>> -> memref<128xi32, #tpu.memory_space<vmem>>
        %dma_wait3A_45 = arith.constant 0 : i32
        %dma_wait3A_46 = arith.constant 0 : i32
        %dma_wait3A_47 = tpu.memref_slice %arg10[%dma_wait3A_45, %dma_wait3A_46] : memref<10240x128xf32, #tpu.memory_space<vmem_shared>> -> memref<10240x128xf32, #tpu.memory_space<vmem_shared>>
        tpu.wait_indirect_dma semaphore(%run_scoped3A : memref<!tpu.dma_semaphore, #tpu.memory_space<semaphore_mem>>) src(%arg8 : memref<128x128xf32, #tpu.memory_space<vmem>>) dst(%dma_wait3A_47 : memref<10240x128xf32, #tpu.memory_space<vmem_shared>>)
        tpu.yield
      }) : () -> ()
    }
    %scan3A_15 = arith.constant 79 : i32
    %barrier3A_16 = arith.constant 0 : index
    tpu.barrier barrier_id(%barrier3A_16)
    %mul3A_17 = arith.constant 640 : i32
    %mul3A_18 = arith.muli %arg1, %mul3A_17 : i32
    %mul3A_19 = arith.constant 640 : i32
    %mul3A_20 = arith.muli %arg1, %mul3A_19 : i32
    "tpu.region"() ({
      %run_scoped3A = tpu.sem_alloc : memref<!tpu.dma_semaphore, #tpu.memory_space<semaphore_mem>>
      %dma_start3A = arith.constant 0 : i32
      %dma_start3A_21 = tpu.memref_slice %arg5[%arg0, %mul3A_20, %dma_start3A] : memref<2x10240x128xf32, #tpu.memory_space<hbm>> -> memref<1x640x128xf32, #tpu.memory_space<hbm>>
      %dma_start3A_22 = tpu.memref_squeeze %dma_start3A_21 : memref<1x640x128xf32, #tpu.memory_space<hbm>> -> memref<640x128xf32, #tpu.memory_space<hbm>>
      %dma_start3A_23 = arith.constant 0 : i32
      %dma_start3A_24 = tpu.memref_slice %arg10[%mul3A_18, %dma_start3A_23] : memref<10240x128xf32, #tpu.memory_space<vmem_shared>> -> memref<640x128xf32, #tpu.memory_space<vmem_shared>>
      tpu.enqueue_dma source(%dma_start3A_24 : memref<640x128xf32, #tpu.memory_space<vmem_shared>>) target(%dma_start3A_22 : memref<640x128xf32, #tpu.memory_space<hbm>>) target_semaphore(%run_scoped3A : memref<!tpu.dma_semaphore, #tpu.memory_space<semaphore_mem>>)
      %dma_wait3A = arith.constant 0 : i32
      %dma_wait3A_25 = tpu.memref_slice %arg5[%arg0, %mul3A_20, %dma_wait3A] : memref<2x10240x128xf32, #tpu.memory_space<hbm>> -> memref<1x640x128xf32, #tpu.memory_space<hbm>>
      %dma_wait3A_26 = tpu.memref_squeeze %dma_wait3A_25 : memref<1x640x128xf32, #tpu.memory_space<hbm>> -> memref<640x128xf32, #tpu.memory_space<hbm>>
      %dma_wait3A_27 = arith.constant 0 : i32
      %dma_wait3A_28 = tpu.memref_slice %arg10[%mul3A_18, %dma_wait3A_27] : memref<10240x128xf32, #tpu.memory_space<vmem_shared>> -> memref<640x128xf32, #tpu.memory_space<vmem_shared>>
      tpu.wait_dma2 semaphore(%run_scoped3A : memref<!tpu.dma_semaphore, #tpu.memory_space<semaphore_mem>>) src(%dma_wait3A_28 : memref<640x128xf32, #tpu.memory_space<vmem_shared>>) dst(%dma_wait3A_26 : memref<640x128xf32, #tpu.memory_space<hbm>>)
      tpu.yield
    }) : () -> ()
    return
  }
}

#map = affine_map<(d0, d1) -> (0, 0)>
#map1 = affine_map<(d0, d1) -> (0, 0, 0)>
module attributes {stable_mosaic.version = 14 : i64} {
  func.func @_sc_agg_body(%arg0: i32, %arg1: i32, %arg2: memref<10240x128xf32, #tpu.memory_space<hbm>>, %arg3: memref<32x79x128xi32, #tpu.memory_space<hbm>>, %arg4: memref<32x79x128xi32, #tpu.memory_space<hbm>>, %arg5: memref<2x10240x128xf32, #tpu.memory_space<hbm>>, %arg6: memref<79x128xi32, #tpu.memory_space<vmem>>, %arg7: memref<79x128xi32, #tpu.memory_space<vmem>>, %arg8: memref<128x128xf32, #tpu.memory_space<vmem>>, %arg9: memref<64x128xf32, #tpu.memory_space<vmem>>, %arg10: memref<10240x128xf32, #tpu.memory_space<vmem_shared>>, %arg11: memref<!tpu.dma_semaphore, #tpu.memory_space<semaphore_mem>>) attributes {dimension_semantics = [#tpu.dimension_semantics<core_parallel>, #tpu.dimension_semantics<subcore_parallel>], iteration_bounds = array<i64: 2, 16>, scalar_prefetch = 0 : i64, scratch_operands = 6 : i64, tpu.core_type = #tpu.core_type<sc_vector_subcore>, window_params = [{transform_indices = #map}, {transform_indices = #map1}, {transform_indices = #map1}, {transform_indices = #map1}]} {
    %mul3A = arith.constant 2 : i32
    %mul3A_0 = arith.muli %arg1, %mul3A : i32
    %add3A = arith.addi %mul3A_0, %arg0 : i32
    %broadcast_in_dim3A = arith.constant 0.000000e+00 : f32
    %broadcast_in_dim3A_1 = vector.broadcast %broadcast_in_dim3A : f32 to vector<16xf32>
    %scan3A = arith.constant 0 : i32
    %scan3A_2 = arith.constant 64 : i32
    %scan3A_3 = arith.addi %scan3A, %scan3A_2 : i32
    %scan3A_4 = arith.constant 1 : i32
    scf.for %scan3A_21 = %scan3A to %scan3A_3 step %scan3A_4  : i32 {
      %mul3A_22 = arith.constant 1 : i32
      %mul3A_23 = arith.muli %scan3A_21, %mul3A_22 : i32
      %add3A_24 = arith.constant 0 : i32
      %add3A_25 = arith.addi %add3A_24, %mul3A_23 : i32
      %swap3A = arith.index_cast %add3A_25 : i32 to index
      %swap3A_26 = arith.constant 0 : index
      %swap3A_27 = tpu.vector_load %arg9[%swap3A, %swap3A_26] {strides = array<i32>} : memref<64x128xf32, #tpu.memory_space<vmem>>, vector<1x16xf32>,
      %swap3A_28 = vector.shape_cast %swap3A_27 : vector<1x16xf32> to vector<16xf32>
      %swap3A_29 = vector.shape_cast %broadcast_in_dim3A_1 : vector<16xf32> to vector<1x16xf32>
      tpu.vector_store %arg9[%swap3A, %swap3A_26], %swap3A_29 {strides = array<i32>} : memref<64x128xf32, #tpu.memory_space<vmem>>, vector<1x16xf32>,
      %swap3A_30 = arith.index_cast %add3A_25 : i32 to index
      %swap3A_31 = arith.constant 16 : index
      %swap3A_32 = tpu.vector_load %arg9[%swap3A_30, %swap3A_31] {strides = array<i32>} : memref<64x128xf32, #tpu.memory_space<vmem>>, vector<1x16xf32>,
      %swap3A_33 = vector.shape_cast %swap3A_32 : vector<1x16xf32> to vector<16xf32>
      %swap3A_34 = vector.shape_cast %broadcast_in_dim3A_1 : vector<16xf32> to vector<1x16xf32>
      tpu.vector_store %arg9[%swap3A_30, %swap3A_31], %swap3A_34 {strides = array<i32>} : memref<64x128xf32, #tpu.memory_space<vmem>>, vector<1x16xf32>,
      %swap3A_35 = arith.index_cast %add3A_25 : i32 to index
      %swap3A_36 = arith.constant 32 : index
      %swap3A_37 = tpu.vector_load %arg9[%swap3A_35, %swap3A_36] {strides = array<i32>} : memref<64x128xf32, #tpu.memory_space<vmem>>, vector<1x16xf32>,
      %swap3A_38 = vector.shape_cast %swap3A_37 : vector<1x16xf32> to vector<16xf32>
      %swap3A_39 = vector.shape_cast %broadcast_in_dim3A_1 : vector<16xf32> to vector<1x16xf32>
      tpu.vector_store %arg9[%swap3A_35, %swap3A_36], %swap3A_39 {strides = array<i32>} : memref<64x128xf32, #tpu.memory_space<vmem>>, vector<1x16xf32>,
      %swap3A_40 = arith.index_cast %add3A_25 : i32 to index
      %swap3A_41 = arith.constant 48 : index
      %swap3A_42 = tpu.vector_load %arg9[%swap3A_40, %swap3A_41] {strides = array<i32>} : memref<64x128xf32, #tpu.memory_space<vmem>>, vector<1x16xf32>,
      %swap3A_43 = vector.shape_cast %swap3A_42 : vector<1x16xf32> to vector<16xf32>
      %swap3A_44 = vector.shape_cast %broadcast_in_dim3A_1 : vector<16xf32> to vector<1x16xf32>
      tpu.vector_store %arg9[%swap3A_40, %swap3A_41], %swap3A_44 {strides = array<i32>} : memref<64x128xf32, #tpu.memory_space<vmem>>, vector<1x16xf32>,
      %swap3A_45 = arith.index_cast %add3A_25 : i32 to index
      %swap3A_46 = arith.constant 64 : index
      %swap3A_47 = tpu.vector_load %arg9[%swap3A_45, %swap3A_46] {strides = array<i32>} : memref<64x128xf32, #tpu.memory_space<vmem>>, vector<1x16xf32>,
      %swap3A_48 = vector.shape_cast %swap3A_47 : vector<1x16xf32> to vector<16xf32>
      %swap3A_49 = vector.shape_cast %broadcast_in_dim3A_1 : vector<16xf32> to vector<1x16xf32>
      tpu.vector_store %arg9[%swap3A_45, %swap3A_46], %swap3A_49 {strides = array<i32>} : memref<64x128xf32, #tpu.memory_space<vmem>>, vector<1x16xf32>,
      %swap3A_50 = arith.index_cast %add3A_25 : i32 to index
      %swap3A_51 = arith.constant 80 : index
      %swap3A_52 = tpu.vector_load %arg9[%swap3A_50, %swap3A_51] {strides = array<i32>} : memref<64x128xf32, #tpu.memory_space<vmem>>, vector<1x16xf32>,
      %swap3A_53 = vector.shape_cast %swap3A_52 : vector<1x16xf32> to vector<16xf32>
      %swap3A_54 = vector.shape_cast %broadcast_in_dim3A_1 : vector<16xf32> to vector<1x16xf32>
      tpu.vector_store %arg9[%swap3A_50, %swap3A_51], %swap3A_54 {strides = array<i32>} : memref<64x128xf32, #tpu.memory_space<vmem>>, vector<1x16xf32>,
      %swap3A_55 = arith.index_cast %add3A_25 : i32 to index
      %swap3A_56 = arith.constant 96 : index
      %swap3A_57 = tpu.vector_load %arg9[%swap3A_55, %swap3A_56] {strides = array<i32>} : memref<64x128xf32, #tpu.memory_space<vmem>>, vector<1x16xf32>,
      %swap3A_58 = vector.shape_cast %swap3A_57 : vector<1x16xf32> to vector<16xf32>
      %swap3A_59 = vector.shape_cast %broadcast_in_dim3A_1 : vector<16xf32> to vector<1x16xf32>
      tpu.vector_store %arg9[%swap3A_55, %swap3A_56], %swap3A_59 {strides = array<i32>} : memref<64x128xf32, #tpu.memory_space<vmem>>, vector<1x16xf32>,
      %swap3A_60 = arith.index_cast %add3A_25 : i32 to index
      %swap3A_61 = arith.constant 112 : index
      %swap3A_62 = tpu.vector_load %arg9[%swap3A_60, %swap3A_61] {strides = array<i32>} : memref<64x128xf32, #tpu.memory_space<vmem>>, vector<1x16xf32>,
      %swap3A_63 = vector.shape_cast %swap3A_62 : vector<1x16xf32> to vector<16xf32>
      %swap3A_64 = vector.shape_cast %broadcast_in_dim3A_1 : vector<16xf32> to vector<1x16xf32>
      tpu.vector_store %arg9[%swap3A_60, %swap3A_61], %swap3A_64 {strides = array<i32>} : memref<64x128xf32, #tpu.memory_space<vmem>>, vector<1x16xf32>,
    }
    %scan3A_5 = arith.constant 64 : i32
    %scan3A_6 = arith.constant 0 : i32
    %scan3A_7 = arith.constant 10 : i32
    %scan3A_8 = arith.addi %scan3A_6, %scan3A_7 : i32
    %scan3A_9 = arith.constant 1 : i32
    scf.for %scan3A_21 = %scan3A_6 to %scan3A_8 step %scan3A_9  : i32 {
      %mul3A_22 = arith.constant 1 : i32
      %mul3A_23 = arith.muli %scan3A_21, %mul3A_22 : i32
      %add3A_24 = arith.constant 0 : i32
      %add3A_25 = arith.addi %add3A_24, %mul3A_23 : i32
      %mul3A_26 = arith.constant 640 : i32
      %mul3A_27 = arith.muli %arg1, %mul3A_26 : i32
      %mul3A_28 = arith.constant 64 : i32
      %mul3A_29 = arith.muli %add3A_25, %mul3A_28 : i32
      %add3A_30 = arith.addi %mul3A_27, %mul3A_29 : i32
      "tpu.region"() ({
        %run_scoped3A = tpu.sem_alloc : memref<!tpu.dma_semaphore, #tpu.memory_space<semaphore_mem>>
        %dma_start3A = arith.constant 0 : i32
        %dma_start3A_31 = tpu.memref_slice %arg10[%add3A_30, %dma_start3A] : memref<10240x128xf32, #tpu.memory_space<vmem_shared>> -> memref<64x128xf32, #tpu.memory_space<vmem_shared>>
        %dma_start3A_32 = arith.constant 0 : i32
        %dma_start3A_33 = tpu.memref_slice %arg10[%add3A_30, %dma_start3A_32] : memref<10240x128xf32, #tpu.memory_space<vmem_shared>> -> memref<64x128xf32, #tpu.memory_space<vmem_shared>>
        tpu.enqueue_dma source(%arg9 : memref<64x128xf32, #tpu.memory_space<vmem>>) target(%dma_start3A_33 : memref<64x128xf32, #tpu.memory_space<vmem_shared>>) target_semaphore(%run_scoped3A : memref<!tpu.dma_semaphore, #tpu.memory_space<semaphore_mem>>)
        %dma_wait3A = arith.constant 0 : i32
        %dma_wait3A_34 = tpu.memref_slice %arg10[%add3A_30, %dma_wait3A] : memref<10240x128xf32, #tpu.memory_space<vmem_shared>> -> memref<64x128xf32, #tpu.memory_space<vmem_shared>>
        %dma_wait3A_35 = arith.constant 0 : i32
        %dma_wait3A_36 = tpu.memref_slice %arg10[%add3A_30, %dma_wait3A_35] : memref<10240x128xf32, #tpu.memory_space<vmem_shared>> -> memref<64x128xf32, #tpu.memory_space<vmem_shared>>
        tpu.wait_dma2 semaphore(%run_scoped3A : memref<!tpu.dma_semaphore, #tpu.memory_space<semaphore_mem>>) src(%arg9 : memref<64x128xf32, #tpu.memory_space<vmem>>) dst(%dma_wait3A_36 : memref<64x128xf32, #tpu.memory_space<vmem_shared>>)
        tpu.yield
      }) : () -> ()
    }
    %scan3A_10 = arith.constant 10 : i32
    %barrier3A = arith.constant 0 : index
    tpu.barrier barrier_id(%barrier3A)
    "tpu.region"() ({
      %run_scoped3A = tpu.sem_alloc : memref<!tpu.dma_semaphore, #tpu.memory_space<semaphore_mem>>
      %dma_start3A = arith.constant 0 : i32
      %dma_start3A_21 = arith.constant 0 : i32
      %dma_start3A_22 = tpu.memref_slice %arg3[%add3A, %dma_start3A, %dma_start3A_21] : memref<32x79x128xi32, #tpu.memory_space<hbm>> -> memref<1x79x128xi32, #tpu.memory_space<hbm>>
      %dma_start3A_23 = tpu.memref_squeeze %dma_start3A_22 : memref<1x79x128xi32, #tpu.memory_space<hbm>> -> memref<79x128xi32, #tpu.memory_space<hbm>>
      %dma_start3A_24 = arith.constant 0 : i32
      %dma_start3A_25 = arith.constant 0 : i32
      %dma_start3A_26 = tpu.memref_slice %arg3[%add3A, %dma_start3A_24, %dma_start3A_25] : memref<32x79x128xi32, #tpu.memory_space<hbm>> -> memref<1x79x128xi32, #tpu.memory_space<hbm>>
      %dma_start3A_27 = tpu.memref_squeeze %dma_start3A_26 : memref<1x79x128xi32, #tpu.memory_space<hbm>> -> memref<79x128xi32, #tpu.memory_space<hbm>>
      tpu.enqueue_dma source(%dma_start3A_27 : memref<79x128xi32, #tpu.memory_space<hbm>>) target(%arg6 : memref<79x128xi32, #tpu.memory_space<vmem>>) target_semaphore(%run_scoped3A : memref<!tpu.dma_semaphore, #tpu.memory_space<semaphore_mem>>)
      %dma_wait3A = arith.constant 0 : i32
      %dma_wait3A_28 = arith.constant 0 : i32
      %dma_wait3A_29 = tpu.memref_slice %arg3[%add3A, %dma_wait3A, %dma_wait3A_28] : memref<32x79x128xi32, #tpu.memory_space<hbm>> -> memref<1x79x128xi32, #tpu.memory_space<hbm>>
      %dma_wait3A_30 = tpu.memref_squeeze %dma_wait3A_29 : memref<1x79x128xi32, #tpu.memory_space<hbm>> -> memref<79x128xi32, #tpu.memory_space<hbm>>
      %dma_wait3A_31 = arith.constant 0 : i32
      %dma_wait3A_32 = arith.constant 0 : i32
      %dma_wait3A_33 = tpu.memref_slice %arg3[%add3A, %dma_wait3A_31, %dma_wait3A_32] : memref<32x79x128xi32, #tpu.memory_space<hbm>> -> memref<1x79x128xi32, #tpu.memory_space<hbm>>
      %dma_wait3A_34 = tpu.memref_squeeze %dma_wait3A_33 : memref<1x79x128xi32, #tpu.memory_space<hbm>> -> memref<79x128xi32, #tpu.memory_space<hbm>>
      tpu.wait_dma2 semaphore(%run_scoped3A : memref<!tpu.dma_semaphore, #tpu.memory_space<semaphore_mem>>) src(%dma_wait3A_34 : memref<79x128xi32, #tpu.memory_space<hbm>>) dst(%arg6 : memref<79x128xi32, #tpu.memory_space<vmem>>)
      tpu.yield
    }) : () -> ()
    "tpu.region"() ({
      %run_scoped3A = tpu.sem_alloc : memref<!tpu.dma_semaphore, #tpu.memory_space<semaphore_mem>>
      %dma_start3A = arith.constant 0 : i32
      %dma_start3A_21 = arith.constant 0 : i32
      %dma_start3A_22 = tpu.memref_slice %arg4[%add3A, %dma_start3A, %dma_start3A_21] : memref<32x79x128xi32, #tpu.memory_space<hbm>> -> memref<1x79x128xi32, #tpu.memory_space<hbm>>
      %dma_start3A_23 = tpu.memref_squeeze %dma_start3A_22 : memref<1x79x128xi32, #tpu.memory_space<hbm>> -> memref<79x128xi32, #tpu.memory_space<hbm>>
      %dma_start3A_24 = arith.constant 0 : i32
      %dma_start3A_25 = arith.constant 0 : i32
      %dma_start3A_26 = tpu.memref_slice %arg4[%add3A, %dma_start3A_24, %dma_start3A_25] : memref<32x79x128xi32, #tpu.memory_space<hbm>> -> memref<1x79x128xi32, #tpu.memory_space<hbm>>
      %dma_start3A_27 = tpu.memref_squeeze %dma_start3A_26 : memref<1x79x128xi32, #tpu.memory_space<hbm>> -> memref<79x128xi32, #tpu.memory_space<hbm>>
      tpu.enqueue_dma source(%dma_start3A_27 : memref<79x128xi32, #tpu.memory_space<hbm>>) target(%arg7 : memref<79x128xi32, #tpu.memory_space<vmem>>) target_semaphore(%run_scoped3A : memref<!tpu.dma_semaphore, #tpu.memory_space<semaphore_mem>>)
      %dma_wait3A = arith.constant 0 : i32
      %dma_wait3A_28 = arith.constant 0 : i32
      %dma_wait3A_29 = tpu.memref_slice %arg4[%add3A, %dma_wait3A, %dma_wait3A_28] : memref<32x79x128xi32, #tpu.memory_space<hbm>> -> memref<1x79x128xi32, #tpu.memory_space<hbm>>
      %dma_wait3A_30 = tpu.memref_squeeze %dma_wait3A_29 : memref<1x79x128xi32, #tpu.memory_space<hbm>> -> memref<79x128xi32, #tpu.memory_space<hbm>>
      %dma_wait3A_31 = arith.constant 0 : i32
      %dma_wait3A_32 = arith.constant 0 : i32
      %dma_wait3A_33 = tpu.memref_slice %arg4[%add3A, %dma_wait3A_31, %dma_wait3A_32] : memref<32x79x128xi32, #tpu.memory_space<hbm>> -> memref<1x79x128xi32, #tpu.memory_space<hbm>>
      %dma_wait3A_34 = tpu.memref_squeeze %dma_wait3A_33 : memref<1x79x128xi32, #tpu.memory_space<hbm>> -> memref<79x128xi32, #tpu.memory_space<hbm>>
      tpu.wait_dma2 semaphore(%run_scoped3A : memref<!tpu.dma_semaphore, #tpu.memory_space<semaphore_mem>>) src(%dma_wait3A_34 : memref<79x128xi32, #tpu.memory_space<hbm>>) dst(%arg7 : memref<79x128xi32, #tpu.memory_space<vmem>>)
      tpu.yield
    }) : () -> ()
    %scan3A_11 = arith.constant 0 : i32
    %scan3A_12 = arith.constant 79 : i32
    %scan3A_13 = arith.addi %scan3A_11, %scan3A_12 : i32
    %scan3A_14 = arith.constant 1 : i32
    scf.for %scan3A_21 = %scan3A_11 to %scan3A_13 step %scan3A_14  : i32 {
      %mul3A_22 = arith.constant 1 : i32
      %mul3A_23 = arith.muli %scan3A_21, %mul3A_22 : i32
      %add3A_24 = arith.constant 0 : i32
      %add3A_25 = arith.addi %add3A_24, %mul3A_23 : i32
      %dma_start3A = arith.constant 0 : i32
      %dma_start3A_26 = tpu.memref_slice %arg6[%add3A_25, %dma_start3A] : memref<79x128xi32, #tpu.memory_space<vmem>> -> memref<1x128xi32, #tpu.memory_space<vmem>>
      %dma_start3A_27 = tpu.memref_squeeze %dma_start3A_26 : memref<1x128xi32, #tpu.memory_space<vmem>> -> memref<128xi32, #tpu.memory_space<vmem>>
      %dma_start3A_28 = arith.constant 0 : i32
      %dma_start3A_29 = arith.constant 0 : i32
      %dma_start3A_30 = tpu.memref_slice %arg2[%dma_start3A_28, %dma_start3A_29] : memref<10240x128xf32, #tpu.memory_space<hbm>> -> memref<10240x128xf32, #tpu.memory_space<hbm>>
      tpu.enqueue_indirect_dma source(%dma_start3A_30 : memref<10240x128xf32, #tpu.memory_space<hbm>>) target(%arg8 : memref<128x128xf32, #tpu.memory_space<vmem>>) offsets(%dma_start3A_27 : memref<128xi32, #tpu.memory_space<vmem>>) semaphore(%arg11 : memref<!tpu.dma_semaphore, #tpu.memory_space<semaphore_mem>>)
      %dma_wait3A = arith.constant 0 : i32
      %dma_wait3A_31 = tpu.memref_slice %arg6[%add3A_25, %dma_wait3A] : memref<79x128xi32, #tpu.memory_space<vmem>> -> memref<1x128xi32, #tpu.memory_space<vmem>>
      %dma_wait3A_32 = tpu.memref_squeeze %dma_wait3A_31 : memref<1x128xi32, #tpu.memory_space<vmem>> -> memref<128xi32, #tpu.memory_space<vmem>>
      %dma_wait3A_33 = arith.constant 0 : i32
      %dma_wait3A_34 = arith.constant 0 : i32
      %dma_wait3A_35 = tpu.memref_slice %arg2[%dma_wait3A_33, %dma_wait3A_34] : memref<10240x128xf32, #tpu.memory_space<hbm>> -> memref<10240x128xf32, #tpu.memory_space<hbm>>
      tpu.wait_indirect_dma semaphore(%arg11 : memref<!tpu.dma_semaphore, #tpu.memory_space<semaphore_mem>>) src(%dma_wait3A_35 : memref<10240x128xf32, #tpu.memory_space<hbm>>) dst(%arg8 : memref<128x128xf32, #tpu.memory_space<vmem>>)
      "tpu.region"() ({
        %run_scoped3A = tpu.sem_alloc : memref<!tpu.dma_semaphore, #tpu.memory_space<semaphore_mem>>
        %dma_start3A_36 = arith.constant 0 : i32
        %dma_start3A_37 = tpu.memref_slice %arg7[%add3A_25, %dma_start3A_36] : memref<79x128xi32, #tpu.memory_space<vmem>> -> memref<1x128xi32, #tpu.memory_space<vmem>>
        %dma_start3A_38 = tpu.memref_squeeze %dma_start3A_37 : memref<1x128xi32, #tpu.memory_space<vmem>> -> memref<128xi32, #tpu.memory_space<vmem>>
        %dma_start3A_39 = arith.constant 0 : i32
        %dma_start3A_40 = arith.constant 0 : i32
        %dma_start3A_41 = tpu.memref_slice %arg10[%dma_start3A_39, %dma_start3A_40] : memref<10240x128xf32, #tpu.memory_space<vmem_shared>> -> memref<10240x128xf32, #tpu.memory_space<vmem_shared>>
        tpu.enqueue_indirect_dma source(%arg8 : memref<128x128xf32, #tpu.memory_space<vmem>>) target(%dma_start3A_41 : memref<10240x128xf32, #tpu.memory_space<vmem_shared>>) offsets(%dma_start3A_38 : memref<128xi32, #tpu.memory_space<vmem>>) semaphore(%run_scoped3A : memref<!tpu.dma_semaphore, #tpu.memory_space<semaphore_mem>>) {add = true}
        %dma_wait3A_42 = arith.constant 0 : i32
        %dma_wait3A_43 = tpu.memref_slice %arg7[%add3A_25, %dma_wait3A_42] : memref<79x128xi32, #tpu.memory_space<vmem>> -> memref<1x128xi32, #tpu.memory_space<vmem>>
        %dma_wait3A_44 = tpu.memref_squeeze %dma_wait3A_43 : memref<1x128xi32, #tpu.memory_space<vmem>> -> memref<128xi32, #tpu.memory_space<vmem>>
        %dma_wait3A_45 = arith.constant 0 : i32
        %dma_wait3A_46 = arith.constant 0 : i32
        %dma_wait3A_47 = tpu.memref_slice %arg10[%dma_wait3A_45, %dma_wait3A_46] : memref<10240x128xf32, #tpu.memory_space<vmem_shared>> -> memref<10240x128xf32, #tpu.memory_space<vmem_shared>>
        tpu.wait_indirect_dma semaphore(%run_scoped3A : memref<!tpu.dma_semaphore, #tpu.memory_space<semaphore_mem>>) src(%arg8 : memref<128x128xf32, #tpu.memory_space<vmem>>) dst(%dma_wait3A_47 : memref<10240x128xf32, #tpu.memory_space<vmem_shared>>)
        tpu.yield
      }) : () -> ()
    }
    %scan3A_15 = arith.constant 79 : i32
    %barrier3A_16 = arith.constant 0 : index
    tpu.barrier barrier_id(%barrier3A_16)
    %mul3A_17 = arith.constant 640 : i32
    %mul3A_18 = arith.muli %arg1, %mul3A_17 : i32
    %mul3A_19 = arith.constant 640 : i32
    %mul3A_20 = arith.muli %arg1, %mul3A_19 : i32
    "tpu.region"() ({
      %run_scoped3A = tpu.sem_alloc : memref<!tpu.dma_semaphore, #tpu.memory_space<semaphore_mem>>
      %dma_start3A = arith.constant 0 : i32
      %dma_start3A_21 = tpu.memref_slice %arg5[%arg0, %mul3A_20, %dma_start3A] : memref<2x10240x128xf32, #tpu.memory_space<hbm>> -> memref<1x640x128xf32, #tpu.memory_space<hbm>>
      %dma_start3A_22 = tpu.memref_squeeze %dma_start3A_21 : memref<1x640x128xf32, #tpu.memory_space<hbm>> -> memref<640x128xf32, #tpu.memory_space<hbm>>
      %dma_start3A_23 = arith.constant 0 : i32
      %dma_start3A_24 = tpu.memref_slice %arg10[%mul3A_18, %dma_start3A_23] : memref<10240x128xf32, #tpu.memory_space<vmem_shared>> -> memref<640x128xf32, #tpu.memory_space<vmem_shared>>
      tpu.enqueue_dma source(%dma_start3A_24 : memref<640x128xf32, #tpu.memory_space<vmem_shared>>) target(%dma_start3A_22 : memref<640x128xf32, #tpu.memory_space<hbm>>) target_semaphore(%run_scoped3A : memref<!tpu.dma_semaphore, #tpu.memory_space<semaphore_mem>>)
      %dma_wait3A = arith.constant 0 : i32
      %dma_wait3A_25 = tpu.memref_slice %arg5[%arg0, %mul3A_20, %dma_wait3A] : memref<2x10240x128xf32, #tpu.memory_space<hbm>> -> memref<1x640x128xf32, #tpu.memory_space<hbm>>
      %dma_wait3A_26 = tpu.memref_squeeze %dma_wait3A_25 : memref<1x640x128xf32, #tpu.memory_space<hbm>> -> memref<640x128xf32, #tpu.memory_space<hbm>>
      %dma_wait3A_27 = arith.constant 0 : i32
      %dma_wait3A_28 = tpu.memref_slice %arg10[%mul3A_18, %dma_wait3A_27] : memref<10240x128xf32, #tpu.memory_space<vmem_shared>> -> memref<640x128xf32, #tpu.memory_space<vmem_shared>>
      tpu.wait_dma2 semaphore(%run_scoped3A : memref<!tpu.dma_semaphore, #tpu.memory_space<semaphore_mem>>) src(%dma_wait3A_28 : memref<640x128xf32, #tpu.memory_space<vmem_shared>>) dst(%dma_wait3A_26 : memref<640x128xf32, #tpu.memory_space<hbm>>)
      tpu.yield
    }) : () -> ()
    return
  }
}

module attributes {stable_mosaic.version = 14 : i64} {
  func.func @_mlp_body(%arg0: i32, %arg1: memref<512x128xf32, #tpu.memory_space<vmem>>, %arg2: memref<2x512x128xf32, #tpu.memory_space<vmem>>, %arg3: memref<128x128xf32, #tpu.memory_space<vmem>>, %arg4: memref<1x128xf32, #tpu.memory_space<vmem>>, %arg5: memref<128x128xf32, #tpu.memory_space<vmem>>, %arg6: memref<1x128xf32, #tpu.memory_space<vmem>>, %arg7: memref<512x128xf32, #tpu.memory_space<vmem>>, %arg8: memref<1x128xf32, #tpu.memory_space<vmem>>) attributes {dimension_semantics = [#tpu.dimension_semantics<arbitrary>], iteration_bounds = array<i64: 20>, scalar_prefetch = 0 : i64, scratch_operands = 0 : i64, tpu.core_type = #tpu.core_type<tc>, window_params = [{transform_indices = @transform_0, window_bounds = array<i64: 512, 128>}, {transform_indices = @transform_1, window_bounds = array<i64: 2, 512, 128>}, {pipeline_mode = #tpu.pipeline_mode<synchronous>, transform_indices = @transform_2, window_bounds = array<i64: 128, 128>}, {pipeline_mode = #tpu.pipeline_mode<synchronous>, transform_indices = @transform_3, window_bounds = array<i64: 1, 128>}, {pipeline_mode = #tpu.pipeline_mode<synchronous>, transform_indices = @transform_4, window_bounds = array<i64: 128, 128>}, {pipeline_mode = #tpu.pipeline_mode<synchronous>, transform_indices = @transform_5, window_bounds = array<i64: 1, 128>}, {transform_indices = @transform_6, window_bounds = array<i64: 512, 128>}, {pipeline_mode = #tpu.pipeline_mode<synchronous>, transform_indices = @transform_7, window_bounds = array<i64: 1, 128>}]} {
    %get3A = arith.constant 0 : index
    %get3A_0 = arith.constant 0 : index
    %get3A_1 = vector.load %arg1[%get3A, %get3A_0] : memref<512x128xf32, #tpu.memory_space<vmem>>, vector<512x128xf32>
    %get3A_2 = arith.constant 0 : index
    %get3A_3 = arith.constant 0 : index
    %get3A_4 = arith.constant 0 : index
    %get3A_5 = vector.load %arg2[%get3A_2, %get3A_3, %get3A_4] : memref<2x512x128xf32, #tpu.memory_space<vmem>>, vector<1x512x128xf32>
    %get3A_6 = vector.shape_cast %get3A_5 : vector<1x512x128xf32> to vector<512x128xf32>
    %add3A = arith.addf %get3A_1, %get3A_6 : vector<512x128xf32>
    %get3A_7 = arith.constant 1 : index
    %get3A_8 = arith.constant 0 : index
    %get3A_9 = arith.constant 0 : index
    %get3A_10 = vector.load %arg2[%get3A_7, %get3A_8, %get3A_9] : memref<2x512x128xf32, #tpu.memory_space<vmem>>, vector<1x512x128xf32>
    %get3A_11 = vector.shape_cast %get3A_10 : vector<1x512x128xf32> to vector<512x128xf32>
    %add3A_12 = arith.addf %add3A, %get3A_11 : vector<512x128xf32>
    %get3A_13 = arith.constant 0 : index
    %get3A_14 = arith.constant 0 : index
    %get3A_15 = vector.load %arg3[%get3A_13, %get3A_14] : memref<128x128xf32, #tpu.memory_space<vmem>>, vector<128x128xf32>
    %dot_general3A = arith.constant dense<0.000000e+00> : vector<512x128xf32>
    %dot_general3A_16 = tpu.matmul %add3A_12, %get3A_15, %dot_general3A {dimension_numbers = #tpu.dot_dimension_numbers<[1], [0], [0], [1], [0, 0, 1, 1], [], []>, transpose_lhs_hint = false} : vector<512x128xf32>, vector<128x128xf32>, vector<512x128xf32> -> vector<512x128xf32>
    %get3A_17 = arith.constant 0 : index
    %get3A_18 = arith.constant 0 : index
    %get3A_19 = vector.load %arg4[%get3A_17, %get3A_18] : memref<1x128xf32, #tpu.memory_space<vmem>>, vector<1x128xf32>
    %add3A_20 = vector.broadcast %get3A_19 : vector<1x128xf32> to vector<512x128xf32>
    %add3A_21 = arith.addf %dot_general3A_16, %add3A_20 : vector<512x128xf32>
    %max3A = arith.constant 0.000000e+00 : f32
    %max3A_22 = vector.broadcast %max3A : f32 to vector<512x128xf32>
    %max3A_23 = arith.maximumf %add3A_21, %max3A_22 : vector<512x128xf32>
    %get3A_24 = arith.constant 0 : index
    %get3A_25 = arith.constant 0 : index
    %get3A_26 = vector.load %arg5[%get3A_24, %get3A_25] : memref<128x128xf32, #tpu.memory_space<vmem>>, vector<128x128xf32>
    %dot_general3A_27 = arith.constant dense<0.000000e+00> : vector<512x128xf32>
    %dot_general3A_28 = tpu.matmul %max3A_23, %get3A_26, %dot_general3A_27 {dimension_numbers = #tpu.dot_dimension_numbers<[1], [0], [0], [1], [0, 0, 1, 1], [], []>, transpose_lhs_hint = false} : vector<512x128xf32>, vector<128x128xf32>, vector<512x128xf32> -> vector<512x128xf32>
    %get3A_29 = arith.constant 0 : index
    %get3A_30 = arith.constant 0 : index
    %get3A_31 = vector.load %arg6[%get3A_29, %get3A_30] : memref<1x128xf32, #tpu.memory_space<vmem>>, vector<1x128xf32>
    %add3A_32 = vector.broadcast %get3A_31 : vector<1x128xf32> to vector<512x128xf32>
    %add3A_33 = arith.addf %dot_general3A_28, %add3A_32 : vector<512x128xf32>
    %swap3A = arith.constant 0 : index
    %swap3A_34 = arith.constant 0 : index
    %swap3A_35 = vector.load %arg7[%swap3A, %swap3A_34] : memref<512x128xf32, #tpu.memory_space<vmem>>, vector<512x128xf32>
    tpu.vector_store %arg7[%swap3A, %swap3A_34], %add3A_33 {strides = array<i32>} : memref<512x128xf32, #tpu.memory_space<vmem>>, vector<512x128xf32>,
    %eq3A = arith.constant 0 : i32
    %eq3A_36 = arith.cmpi eq, %arg0, %eq3A : i32
    %convert_element_type3A = arith.extui %eq3A_36 : i1 to i32
    %cond3A = arith.constant 0 : i32
    %cond3A_37 = arith.cmpi ne, %convert_element_type3A, %cond3A : i32
    scf.if %cond3A_37 {
      %broadcast_in_dim3A_54 = arith.constant 0.000000e+00 : f32
      %broadcast_in_dim3A_55 = vector.broadcast %broadcast_in_dim3A_54 : f32 to vector<1x128xf32>
      %swap3A_56 = arith.constant 0 : index
      %swap3A_57 = arith.constant 0 : index
      %swap3A_58 = vector.load %arg8[%swap3A_56, %swap3A_57] : memref<1x128xf32, #tpu.memory_space<vmem>>, vector<1x128xf32>
      tpu.vector_store %arg8[%swap3A_56, %swap3A_57], %broadcast_in_dim3A_55 {strides = array<i32>} : memref<1x128xf32, #tpu.memory_space<vmem>>, vector<1x128xf32>,
    } else {
    }
    %mul3A = arith.constant 512 : i32
    %mul3A_38 = arith.muli %arg0, %mul3A : i32
    %iota3A = tpu.iota {dimensions = array<i32: 0>} : vector<512x1xi32>
    %add3A_39 = vector.broadcast %mul3A_38 : i32 to vector<512x1xi32>
    %add3A_40 = arith.addi %add3A_39, %iota3A : vector<512x1xi32>
    %lt3A = arith.constant 10000 : i32
    %lt3A_41 = vector.broadcast %lt3A : i32 to vector<512x1xi32>
    %lt3A_42 = arith.cmpi slt, %add3A_40, %lt3A_41 : vector<512x1xi32>
    %jit3A = arith.constant 0.000000e+00 : f32
    %broadcast_in_dim3A = vector.shape_cast %lt3A_42 : vector<512x1xi1> to vector<512x1xi1>
    %broadcast_in_dim3A_43 = vector.broadcast %broadcast_in_dim3A : vector<512x1xi1> to vector<512x128xi1>
    %broadcast_in_dim3A_44 = vector.broadcast %jit3A : f32 to vector<512x128xf32>
    %select_n3A = arith.select %broadcast_in_dim3A_43, %add3A_33, %broadcast_in_dim3A_44 : vector<512x128xi1>, vector<512x128xf32>
    %get3A_45 = arith.constant 0 : index
    %get3A_46 = arith.constant 0 : index
    %get3A_47 = vector.load %arg8[%get3A_45, %get3A_46] : memref<1x128xf32, #tpu.memory_space<vmem>>, vector<1x128xf32>
    %reduce_sum3A = arith.constant dense<0.000000e+00> : vector<128xf32>
    %reduce_sum3A_48 = vector.multi_reduction <add>, %select_n3A, %reduce_sum3A [0] : vector<512x128xf32> to vector<128xf32>
    %broadcast_in_dim3A_49 = vector.shape_cast %reduce_sum3A_48 : vector<128xf32> to vector<1x128xf32>
    %add3A_50 = arith.addf %get3A_47, %broadcast_in_dim3A_49 : vector<1x128xf32>
    %swap3A_51 = arith.constant 0 : index
    %swap3A_52 = arith.constant 0 : index
    %swap3A_53 = vector.load %arg8[%swap3A_51, %swap3A_52] : memref<1x128xf32, #tpu.memory_space<vmem>>, vector<1x128xf32>
    tpu.vector_store %arg8[%swap3A_51, %swap3A_52], %add3A_50 {strides = array<i32>} : memref<1x128xf32, #tpu.memory_space<vmem>>, vector<1x128xf32>,
    return
  }
  func.func @transform_0(%arg0: i32) -> (i32, i32) {
    %c0_i32 = arith.constant 0 : i32
    %c0_i32_0 = arith.constant 0 : i32
    return %arg0, %c0_i32 : i32, i32
  }
  func.func @transform_1(%arg0: i32) -> (i32, i32, i32) {
    %c0_i32 = arith.constant 0 : i32
    %c0_i32_0 = arith.constant 0 : i32
    %c0_i32_1 = arith.constant 0 : i32
    return %c0_i32, %arg0, %c0_i32_0 : i32, i32, i32
  }
  func.func @transform_2(%arg0: i32) -> (i32, i32) {
    %c0_i32 = arith.constant 0 : i32
    %c0_i32_0 = arith.constant 0 : i32
    %c0_i32_1 = arith.constant 0 : i32
    return %c0_i32, %c0_i32_0 : i32, i32
  }
  func.func @transform_3(%arg0: i32) -> (i32, i32) {
    %c0_i32 = arith.constant 0 : i32
    %c0_i32_0 = arith.constant 0 : i32
    %c0_i32_1 = arith.constant 0 : i32
    return %c0_i32, %c0_i32_0 : i32, i32
  }
  func.func @transform_4(%arg0: i32) -> (i32, i32) {
    %c0_i32 = arith.constant 0 : i32
    %c0_i32_0 = arith.constant 0 : i32
    %c0_i32_1 = arith.constant 0 : i32
    return %c0_i32, %c0_i32_0 : i32, i32
  }
  func.func @transform_5(%arg0: i32) -> (i32, i32) {
    %c0_i32 = arith.constant 0 : i32
    %c0_i32_0 = arith.constant 0 : i32
    %c0_i32_1 = arith.constant 0 : i32
    return %c0_i32, %c0_i32_0 : i32, i32
  }
  func.func @transform_6(%arg0: i32) -> (i32, i32) {
    %c0_i32 = arith.constant 0 : i32
    %c0_i32_0 = arith.constant 0 : i32
    return %arg0, %c0_i32 : i32, i32
  }
  func.func @transform_7(%arg0: i32) -> (i32, i32) {
    %c0_i32 = arith.constant 0 : i32
    %c0_i32_0 = arith.constant 0 : i32
    %c0_i32_1 = arith.constant 0 : i32
    return %c0_i32, %c0_i32_0 : i32, i32
  }
}

module attributes {stable_mosaic.version = 14 : i64} {
  func.func @_var_body(%arg0: i32, %arg1: memref<512x128xf32, #tpu.memory_space<vmem>>, %arg2: memref<1x128xf32, #tpu.memory_space<vmem>>, %arg3: memref<1x128xf32, #tpu.memory_space<vmem>>) attributes {dimension_semantics = [#tpu.dimension_semantics<arbitrary>], iteration_bounds = array<i64: 20>, scalar_prefetch = 0 : i64, scratch_operands = 0 : i64, tpu.core_type = #tpu.core_type<tc>, window_params = [{transform_indices = @transform_0, window_bounds = array<i64: 512, 128>}, {pipeline_mode = #tpu.pipeline_mode<synchronous>, transform_indices = @transform_1, window_bounds = array<i64: 1, 128>}, {pipeline_mode = #tpu.pipeline_mode<synchronous>, transform_indices = @transform_2, window_bounds = array<i64: 1, 128>}]} {
    %eq3A = arith.constant 0 : i32
    %eq3A_0 = arith.cmpi eq, %arg0, %eq3A : i32
    %convert_element_type3A = arith.extui %eq3A_0 : i1 to i32
    %cond3A = arith.constant 0 : i32
    %cond3A_1 = arith.cmpi ne, %convert_element_type3A, %cond3A : i32
    scf.if %cond3A_1 {
      %broadcast_in_dim3A_25 = arith.constant 0.000000e+00 : f32
      %broadcast_in_dim3A_26 = vector.broadcast %broadcast_in_dim3A_25 : f32 to vector<1x128xf32>
      %swap3A_27 = arith.constant 0 : index
      %swap3A_28 = arith.constant 0 : index
      %swap3A_29 = vector.load %arg3[%swap3A_27, %swap3A_28] : memref<1x128xf32, #tpu.memory_space<vmem>>, vector<1x128xf32>
      tpu.vector_store %arg3[%swap3A_27, %swap3A_28], %broadcast_in_dim3A_26 {strides = array<i32>} : memref<1x128xf32, #tpu.memory_space<vmem>>, vector<1x128xf32>,
    } else {
    }
    %get3A = arith.constant 0 : index
    %get3A_2 = arith.constant 0 : index
    %get3A_3 = vector.load %arg2[%get3A, %get3A_2] : memref<1x128xf32, #tpu.memory_space<vmem>>, vector<1x128xf32>
    %div3A = arith.constant 1.000000e+04 : f32
    %div3A_4 = vector.broadcast %div3A : f32 to vector<1x128xf32>
    %div3A_5 = arith.divf %get3A_3, %div3A_4 : vector<1x128xf32>
    %mul3A = arith.constant 512 : i32
    %mul3A_6 = arith.muli %arg0, %mul3A : i32
    %iota3A = tpu.iota {dimensions = array<i32: 0>} : vector<512x1xi32>
    %add3A = vector.broadcast %mul3A_6 : i32 to vector<512x1xi32>
    %add3A_7 = arith.addi %add3A, %iota3A : vector<512x1xi32>
    %lt3A = arith.constant 10000 : i32
    %lt3A_8 = vector.broadcast %lt3A : i32 to vector<512x1xi32>
    %lt3A_9 = arith.cmpi slt, %add3A_7, %lt3A_8 : vector<512x1xi32>
    %get3A_10 = arith.constant 0 : index
    %get3A_11 = arith.constant 0 : index
    %get3A_12 = vector.load %arg1[%get3A_10, %get3A_11] : memref<512x128xf32, #tpu.memory_space<vmem>>, vector<512x128xf32>
    %sub3A = vector.broadcast %div3A_5 : vector<1x128xf32> to vector<512x128xf32>
    %sub3A_13 = arith.subf %get3A_12, %sub3A : vector<512x128xf32>
    %jit3A = arith.constant 0.000000e+00 : f32
    %broadcast_in_dim3A = vector.shape_cast %lt3A_9 : vector<512x1xi1> to vector<512x1xi1>
    %broadcast_in_dim3A_14 = vector.broadcast %broadcast_in_dim3A : vector<512x1xi1> to vector<512x128xi1>
    %broadcast_in_dim3A_15 = vector.broadcast %jit3A : f32 to vector<512x128xf32>
    %select_n3A = arith.select %broadcast_in_dim3A_14, %sub3A_13, %broadcast_in_dim3A_15 : vector<512x128xi1>, vector<512x128xf32>
    %get3A_16 = arith.constant 0 : index
    %get3A_17 = arith.constant 0 : index
    %get3A_18 = vector.load %arg3[%get3A_16, %get3A_17] : memref<1x128xf32, #tpu.memory_space<vmem>>, vector<1x128xf32>
    %mul3A_19 = arith.mulf %select_n3A, %select_n3A : vector<512x128xf32>
    %reduce_sum3A = arith.constant dense<0.000000e+00> : vector<128xf32>
    %reduce_sum3A_20 = vector.multi_reduction <add>, %mul3A_19, %reduce_sum3A [0] : vector<512x128xf32> to vector<128xf32>
    %broadcast_in_dim3A_21 = vector.shape_cast %reduce_sum3A_20 : vector<128xf32> to vector<1x128xf32>
    %add3A_22 = arith.addf %get3A_18, %broadcast_in_dim3A_21 : vector<1x128xf32>
    %swap3A = arith.constant 0 : index
    %swap3A_23 = arith.constant 0 : index
    %swap3A_24 = vector.load %arg3[%swap3A, %swap3A_23] : memref<1x128xf32, #tpu.memory_space<vmem>>, vector<1x128xf32>
    tpu.vector_store %arg3[%swap3A, %swap3A_23], %add3A_22 {strides = array<i32>} : memref<1x128xf32, #tpu.memory_space<vmem>>, vector<1x128xf32>,
    return
  }
  func.func @transform_0(%arg0: i32) -> (i32, i32) {
    %c0_i32 = arith.constant 0 : i32
    %c0_i32_0 = arith.constant 0 : i32
    return %arg0, %c0_i32 : i32, i32
  }
  func.func @transform_1(%arg0: i32) -> (i32, i32) {
    %c0_i32 = arith.constant 0 : i32
    %c0_i32_0 = arith.constant 0 : i32
    %c0_i32_1 = arith.constant 0 : i32
    return %c0_i32, %c0_i32_0 : i32, i32
  }
  func.func @transform_2(%arg0: i32) -> (i32, i32) {
    %c0_i32 = arith.constant 0 : i32
    %c0_i32_0 = arith.constant 0 : i32
    %c0_i32_1 = arith.constant 0 : i32
    return %c0_i32, %c0_i32_0 : i32, i32
  }
}

module attributes {stable_mosaic.version = 14 : i64} {
  func.func @_bn_body(%arg0: i32, %arg1: memref<512x128xf32, #tpu.memory_space<vmem>>, %arg2: memref<1x128xf32, #tpu.memory_space<vmem>>, %arg3: memref<1x128xf32, #tpu.memory_space<vmem>>, %arg4: memref<1x128xf32, #tpu.memory_space<vmem>>, %arg5: memref<1x128xf32, #tpu.memory_space<vmem>>, %arg6: memref<512x128xf32, #tpu.memory_space<vmem>>) attributes {dimension_semantics = [#tpu.dimension_semantics<arbitrary>], iteration_bounds = array<i64: 20>, scalar_prefetch = 0 : i64, scratch_operands = 0 : i64, tpu.core_type = #tpu.core_type<tc>, window_params = [{transform_indices = @transform_0, window_bounds = array<i64: 512, 128>}, {pipeline_mode = #tpu.pipeline_mode<synchronous>, transform_indices = @transform_1, window_bounds = array<i64: 1, 128>}, {pipeline_mode = #tpu.pipeline_mode<synchronous>, transform_indices = @transform_2, window_bounds = array<i64: 1, 128>}, {pipeline_mode = #tpu.pipeline_mode<synchronous>, transform_indices = @transform_3, window_bounds = array<i64: 1, 128>}, {pipeline_mode = #tpu.pipeline_mode<synchronous>, transform_indices = @transform_4, window_bounds = array<i64: 1, 128>}, {transform_indices = @transform_5, window_bounds = array<i64: 512, 128>}]} {
    %get3A = arith.constant 0 : index
    %get3A_0 = arith.constant 0 : index
    %get3A_1 = vector.load %arg2[%get3A, %get3A_0] : memref<1x128xf32, #tpu.memory_space<vmem>>, vector<1x128xf32>
    %div3A = arith.constant 1.000000e+04 : f32
    %div3A_2 = vector.broadcast %div3A : f32 to vector<1x128xf32>
    %div3A_3 = arith.divf %get3A_1, %div3A_2 : vector<1x128xf32>
    %get3A_4 = arith.constant 0 : index
    %get3A_5 = arith.constant 0 : index
    %get3A_6 = vector.load %arg3[%get3A_4, %get3A_5] : memref<1x128xf32, #tpu.memory_space<vmem>>, vector<1x128xf32>
    %div3A_7 = arith.constant 1.000000e+04 : f32
    %div3A_8 = vector.broadcast %div3A_7 : f32 to vector<1x128xf32>
    %div3A_9 = arith.divf %get3A_6, %div3A_8 : vector<1x128xf32>
    %get3A_10 = arith.constant 0 : index
    %get3A_11 = arith.constant 0 : index
    %get3A_12 = vector.load %arg1[%get3A_10, %get3A_11] : memref<512x128xf32, #tpu.memory_space<vmem>>, vector<512x128xf32>
    %sub3A = vector.broadcast %div3A_3 : vector<1x128xf32> to vector<512x128xf32>
    %sub3A_13 = arith.subf %get3A_12, %sub3A : vector<512x128xf32>
    %add3A = arith.constant 9.99999974E-6 : f32
    %add3A_14 = vector.broadcast %add3A : f32 to vector<1x128xf32>
    %add3A_15 = arith.addf %div3A_9, %add3A_14 : vector<1x128xf32>
    %sqrt3A = math.sqrt %add3A_15 : vector<1x128xf32>
    %div3A_16 = vector.broadcast %sqrt3A : vector<1x128xf32> to vector<512x128xf32>
    %div3A_17 = arith.divf %sub3A_13, %div3A_16 : vector<512x128xf32>
    %get3A_18 = arith.constant 0 : index
    %get3A_19 = arith.constant 0 : index
    %get3A_20 = vector.load %arg4[%get3A_18, %get3A_19] : memref<1x128xf32, #tpu.memory_space<vmem>>, vector<1x128xf32>
    %mul3A = vector.broadcast %get3A_20 : vector<1x128xf32> to vector<512x128xf32>
    %mul3A_21 = arith.mulf %div3A_17, %mul3A : vector<512x128xf32>
    %get3A_22 = arith.constant 0 : index
    %get3A_23 = arith.constant 0 : index
    %get3A_24 = vector.load %arg5[%get3A_22, %get3A_23] : memref<1x128xf32, #tpu.memory_space<vmem>>, vector<1x128xf32>
    %add3A_25 = vector.broadcast %get3A_24 : vector<1x128xf32> to vector<512x128xf32>
    %add3A_26 = arith.addf %mul3A_21, %add3A_25 : vector<512x128xf32>
    %max3A = arith.constant 0.000000e+00 : f32
    %max3A_27 = vector.broadcast %max3A : f32 to vector<512x128xf32>
    %max3A_28 = arith.maximumf %add3A_26, %max3A_27 : vector<512x128xf32>
    %swap3A = arith.constant 0 : index
    %swap3A_29 = arith.constant 0 : index
    %swap3A_30 = vector.load %arg6[%swap3A, %swap3A_29] : memref<512x128xf32, #tpu.memory_space<vmem>>, vector<512x128xf32>
    tpu.vector_store %arg6[%swap3A, %swap3A_29], %max3A_28 {strides = array<i32>} : memref<512x128xf32, #tpu.memory_space<vmem>>, vector<512x128xf32>,
    return
  }
  func.func @transform_0(%arg0: i32) -> (i32, i32) {
    %c0_i32 = arith.constant 0 : i32
    %c0_i32_0 = arith.constant 0 : i32
    return %arg0, %c0_i32 : i32, i32
  }
  func.func @transform_1(%arg0: i32) -> (i32, i32) {
    %c0_i32 = arith.constant 0 : i32
    %c0_i32_0 = arith.constant 0 : i32
    %c0_i32_1 = arith.constant 0 : i32
    return %c0_i32, %c0_i32_0 : i32, i32
  }
  func.func @transform_2(%arg0: i32) -> (i32, i32) {
    %c0_i32 = arith.constant 0 : i32
    %c0_i32_0 = arith.constant 0 : i32
    %c0_i32_1 = arith.constant 0 : i32
    return %c0_i32, %c0_i32_0 : i32, i32
  }
  func.func @transform_3(%arg0: i32) -> (i32, i32) {
    %c0_i32 = arith.constant 0 : i32
    %c0_i32_0 = arith.constant 0 : i32
    %c0_i32_1 = arith.constant 0 : i32
    return %c0_i32, %c0_i32_0 : i32, i32
  }
  func.func @transform_4(%arg0: i32) -> (i32, i32) {
    %c0_i32 = arith.constant 0 : i32
    %c0_i32_0 = arith.constant 0 : i32
    %c0_i32_1 = arith.constant 0 : i32
    return %c0_i32, %c0_i32_0 : i32, i32
  }
  func.func @transform_5(%arg0: i32) -> (i32, i32) {
    %c0_i32 = arith.constant 0 : i32
    %c0_i32_0 = arith.constant 0 : i32
    return %arg0, %c0_i32 : i32, i32
  }
}

module attributes {stable_mosaic.version = 14 : i64} {
  func.func @_pool_body(%arg0: i32, %arg1: memref<512x128xf32, #tpu.memory_space<vmem>>, %arg2: memref<1x1x512xi32, #tpu.memory_space<vmem>>, %arg3: memref<512x128xf32, #tpu.memory_space<vmem>>) attributes {dimension_semantics = [#tpu.dimension_semantics<arbitrary>], iteration_bounds = array<i64: 20>, scalar_prefetch = 0 : i64, scratch_operands = 0 : i64, tpu.core_type = #tpu.core_type<tc>, window_params = [{transform_indices = @transform_0, window_bounds = array<i64: 512, 128>}, {transform_indices = @transform_1, window_bounds = array<i64: 1, 1, 512>}, {pipeline_mode = #tpu.pipeline_mode<synchronous>, transform_indices = @transform_2, window_bounds = array<i64: 512, 128>}]} {
    %eq3A = arith.constant 0 : i32
    %eq3A_0 = arith.cmpi eq, %arg0, %eq3A : i32
    %convert_element_type3A = arith.extui %eq3A_0 : i1 to i32
    %cond3A = arith.constant 0 : i32
    %cond3A_1 = arith.cmpi ne, %convert_element_type3A, %cond3A : i32
    scf.if %cond3A_1 {
      %broadcast_in_dim3A = arith.constant 0.000000e+00 : f32
      %broadcast_in_dim3A_19 = vector.broadcast %broadcast_in_dim3A : f32 to vector<512x128xf32>
      %swap3A_20 = arith.constant 0 : index
      %swap3A_21 = arith.constant 0 : index
      %swap3A_22 = vector.load %arg3[%swap3A_20, %swap3A_21] : memref<512x128xf32, #tpu.memory_space<vmem>>, vector<512x128xf32>
      tpu.vector_store %arg3[%swap3A_20, %swap3A_21], %broadcast_in_dim3A_19 {strides = array<i32>} : memref<512x128xf32, #tpu.memory_space<vmem>>, vector<512x128xf32>,
    } else {
    }
    %get3A = arith.constant 0 : index
    %get3A_2 = arith.constant 0 : index
    %get3A_3 = arith.constant 0 : index
    %get3A_4 = vector.load %arg2[%get3A, %get3A_2, %get3A_3] : memref<1x1x512xi32, #tpu.memory_space<vmem>>, vector<1x1x512xi32>
    %get3A_5 = vector.shape_cast %get3A_4 : vector<1x1x512xi32> to vector<1x512xi32>
    %iota3A = tpu.iota {dimensions = array<i32: 0>} : vector<512x512xi32>
    %eq3A_6 = vector.broadcast %get3A_5 : vector<1x512xi32> to vector<512x512xi32>
    %eq3A_7 = arith.cmpi eq, %iota3A, %eq3A_6 : vector<512x512xi32>
    %get3A_8 = arith.constant 0 : index
    %get3A_9 = arith.constant 0 : index
    %get3A_10 = vector.load %arg3[%get3A_8, %get3A_9] : memref<512x128xf32, #tpu.memory_space<vmem>>, vector<512x128xf32>
    %convert_element_type3A_11 = arith.extui %eq3A_7 : vector<512x512xi1> to vector<512x512xi32>
    %convert_element_type3A_12 = arith.sitofp %convert_element_type3A_11 : vector<512x512xi32> to vector<512x512xf32>
    %get3A_13 = arith.constant 0 : index
    %get3A_14 = arith.constant 0 : index
    %get3A_15 = vector.load %arg1[%get3A_13, %get3A_14] : memref<512x128xf32, #tpu.memory_space<vmem>>, vector<512x128xf32>
    %dot_general3A = arith.constant dense<0.000000e+00> : vector<512x128xf32>
    %dot_general3A_16 = tpu.matmul %convert_element_type3A_12, %get3A_15, %dot_general3A {dimension_numbers = #tpu.dot_dimension_numbers<[1], [0], [0], [1], [0, 0, 1, 1], [], []>, precision = #tpu.contract_precision<fp32>, transpose_lhs_hint = false} : vector<512x512xf32>, vector<512x128xf32>, vector<512x128xf32> -> vector<512x128xf32>
    %add3A = arith.addf %get3A_10, %dot_general3A_16 : vector<512x128xf32>
    %swap3A = arith.constant 0 : index
    %swap3A_17 = arith.constant 0 : index
    %swap3A_18 = vector.load %arg3[%swap3A, %swap3A_17] : memref<512x128xf32, #tpu.memory_space<vmem>>, vector<512x128xf32>
    tpu.vector_store %arg3[%swap3A, %swap3A_17], %add3A {strides = array<i32>} : memref<512x128xf32, #tpu.memory_space<vmem>>, vector<512x128xf32>,
    return
  }
  func.func @transform_0(%arg0: i32) -> (i32, i32) {
    %c0_i32 = arith.constant 0 : i32
    %c0_i32_0 = arith.constant 0 : i32
    return %arg0, %c0_i32 : i32, i32
  }
  func.func @transform_1(%arg0: i32) -> (i32, i32, i32) {
    %c0_i32 = arith.constant 0 : i32
    %c0_i32_0 = arith.constant 0 : i32
    %c0_i32_1 = arith.constant 0 : i32
    return %arg0, %c0_i32, %c0_i32_0 : i32, i32, i32
  }
  func.func @transform_2(%arg0: i32) -> (i32, i32) {
    %c0_i32 = arith.constant 0 : i32
    %c0_i32_0 = arith.constant 0 : i32
    %c0_i32_1 = arith.constant 0 : i32
    return %c0_i32, %c0_i32_0 : i32, i32
  }
}

module attributes {stable_mosaic.version = 14 : i64} {
  func.func @_head_body(%arg0: memref<512x128xf32, #tpu.memory_space<vmem>>, %arg1: memref<512x128xf32, #tpu.memory_space<vmem>>, %arg2: memref<512x128xi32, #tpu.memory_space<vmem>>, %arg3: memref<128x128xf32, #tpu.memory_space<vmem>>, %arg4: memref<384x128xf32, #tpu.memory_space<vmem>>, %arg5: memref<1x128xf32, #tpu.memory_space<vmem>>, %arg6: memref<128x128xf32, #tpu.memory_space<vmem>>, %arg7: memref<1x128xf32, #tpu.memory_space<vmem>>, %arg8: memref<512x128xf32, #tpu.memory_space<vmem>>) attributes {dimension_semantics = [], scalar_prefetch = 0 : i64, scratch_operands = 0 : i64, tpu.core_type = #tpu.core_type<tc>} {
    %get3A = arith.constant 0 : index
    %get3A_0 = arith.constant 0 : index
    %get3A_1 = vector.load %arg2[%get3A, %get3A_0] : memref<512x128xi32, #tpu.memory_space<vmem>>, vector<512x128xi32>
    %iota3A = tpu.iota {dimensions = array<i32: 1>} : vector<512x128xi32>
    %eq3A = arith.cmpi eq, %get3A_1, %iota3A : vector<512x128xi32>
    %convert_element_type3A = arith.extui %eq3A : vector<512x128xi1> to vector<512x128xi32>
    %convert_element_type3A_2 = arith.sitofp %convert_element_type3A : vector<512x128xi32> to vector<512x128xf32>
    %get3A_3 = arith.constant 0 : index
    %get3A_4 = arith.constant 0 : index
    %get3A_5 = vector.load %arg3[%get3A_3, %get3A_4] : memref<128x128xf32, #tpu.memory_space<vmem>>, vector<128x128xf32>
    %dot_general3A = arith.constant dense<0.000000e+00> : vector<512x128xf32>
    %dot_general3A_6 = tpu.matmul %convert_element_type3A_2, %get3A_5, %dot_general3A {dimension_numbers = #tpu.dot_dimension_numbers<[1], [0], [0], [1], [0, 0, 1, 1], [], []>, precision = #tpu.contract_precision<fp32>, transpose_lhs_hint = false} : vector<512x128xf32>, vector<128x128xf32>, vector<512x128xf32> -> vector<512x128xf32>
    %get3A_7 = arith.constant 0 : index
    %get3A_8 = arith.constant 0 : index
    %get3A_9 = vector.load %arg0[%get3A_7, %get3A_8] : memref<512x128xf32, #tpu.memory_space<vmem>>, vector<512x128xf32>
    %get3A_10 = arith.constant 0 : index
    %get3A_11 = arith.constant 0 : index
    %get3A_12 = vector.load %arg4[%get3A_10, %get3A_11] : memref<384x128xf32, #tpu.memory_space<vmem>>, vector<128x128xf32>
    %dot_general3A_13 = arith.constant dense<0.000000e+00> : vector<512x128xf32>
    %dot_general3A_14 = tpu.matmul %get3A_9, %get3A_12, %dot_general3A_13 {dimension_numbers = #tpu.dot_dimension_numbers<[1], [0], [0], [1], [0, 0, 1, 1], [], []>, transpose_lhs_hint = false} : vector<512x128xf32>, vector<128x128xf32>, vector<512x128xf32> -> vector<512x128xf32>
    %get3A_15 = arith.constant 0 : index
    %get3A_16 = arith.constant 0 : index
    %get3A_17 = vector.load %arg1[%get3A_15, %get3A_16] : memref<512x128xf32, #tpu.memory_space<vmem>>, vector<512x128xf32>
    %get3A_18 = arith.constant 128 : index
    %get3A_19 = arith.constant 0 : index
    %get3A_20 = vector.load %arg4[%get3A_18, %get3A_19] : memref<384x128xf32, #tpu.memory_space<vmem>>, vector<128x128xf32>
    %dot_general3A_21 = arith.constant dense<0.000000e+00> : vector<512x128xf32>
    %dot_general3A_22 = tpu.matmul %get3A_17, %get3A_20, %dot_general3A_21 {dimension_numbers = #tpu.dot_dimension_numbers<[1], [0], [0], [1], [0, 0, 1, 1], [], []>, transpose_lhs_hint = false} : vector<512x128xf32>, vector<128x128xf32>, vector<512x128xf32> -> vector<512x128xf32>
    %add3A = arith.addf %dot_general3A_14, %dot_general3A_22 : vector<512x128xf32>
    %get3A_23 = arith.constant 256 : index
    %get3A_24 = arith.constant 0 : index
    %get3A_25 = vector.load %arg4[%get3A_23, %get3A_24] : memref<384x128xf32, #tpu.memory_space<vmem>>, vector<128x128xf32>
    %dot_general3A_26 = arith.constant dense<0.000000e+00> : vector<512x128xf32>
    %dot_general3A_27 = tpu.matmul %dot_general3A_6, %get3A_25, %dot_general3A_26 {dimension_numbers = #tpu.dot_dimension_numbers<[1], [0], [0], [1], [0, 0, 1, 1], [], []>, transpose_lhs_hint = false} : vector<512x128xf32>, vector<128x128xf32>, vector<512x128xf32> -> vector<512x128xf32>
    %add3A_28 = arith.addf %add3A, %dot_general3A_27 : vector<512x128xf32>
    %get3A_29 = arith.constant 0 : index
    %get3A_30 = arith.constant 0 : index
    %get3A_31 = vector.load %arg5[%get3A_29, %get3A_30] : memref<1x128xf32, #tpu.memory_space<vmem>>, vector<1x128xf32>
    %add3A_32 = vector.broadcast %get3A_31 : vector<1x128xf32> to vector<512x128xf32>
    %add3A_33 = arith.addf %add3A_28, %add3A_32 : vector<512x128xf32>
    %max3A = arith.constant 0.000000e+00 : f32
    %max3A_34 = vector.broadcast %max3A : f32 to vector<512x128xf32>
    %max3A_35 = arith.maximumf %add3A_33, %max3A_34 : vector<512x128xf32>
    %get3A_36 = arith.constant 0 : index
    %get3A_37 = arith.constant 0 : index
    %get3A_38 = vector.load %arg6[%get3A_36, %get3A_37] : memref<128x128xf32, #tpu.memory_space<vmem>>, vector<128x128xf32>
    %dot_general3A_39 = arith.constant dense<0.000000e+00> : vector<512x128xf32>
    %dot_general3A_40 = tpu.matmul %max3A_35, %get3A_38, %dot_general3A_39 {dimension_numbers = #tpu.dot_dimension_numbers<[1], [0], [0], [1], [0, 0, 1, 1], [], []>, transpose_lhs_hint = false} : vector<512x128xf32>, vector<128x128xf32>, vector<512x128xf32> -> vector<512x128xf32>
    %get3A_41 = arith.constant 0 : index
    %get3A_42 = arith.constant 0 : index
    %get3A_43 = vector.load %arg7[%get3A_41, %get3A_42] : memref<1x128xf32, #tpu.memory_space<vmem>>, vector<1x128xf32>
    %add3A_44 = vector.broadcast %get3A_43 : vector<1x128xf32> to vector<512x128xf32>
    %add3A_45 = arith.addf %dot_general3A_40, %add3A_44 : vector<512x128xf32>
    %swap3A = arith.constant 0 : index
    %swap3A_46 = arith.constant 0 : index
    %swap3A_47 = vector.load %arg8[%swap3A, %swap3A_46] : memref<512x128xf32, #tpu.memory_space<vmem>>, vector<512x128xf32>
    tpu.vector_store %arg8[%swap3A, %swap3A_46], %add3A_45 {strides = array<i32>} : memref<512x128xf32, #tpu.memory_space<vmem>>, vector<512x128xf32>,
    return
  }
}

</mosaic_0001>

<sc_bundles>
// kernel: kernel.29.cloned.1.call-start
scs
__scs_entry_jumppad:
0x0: {  	(pc) =	sbr.rel $0x88, $3  }
0x1: {  	(tag) =	ssettag $0x0;
	lr =	simm.s32 $0x1  }
0x2: {  	[smem:$0x3F83] =	sst lr;
	_ =	strace $0xD0000000  }
0x3: {  	_ = 	snop  }
0x4: {  	_ = 	snop  }
0x5: {  	_ = 	snop  }
0x6: {  	_ = 	snop  }
0x7: {  	_ = 	snop  }
__scs_overlays_trampoline_lowered:
0x8: {  	[smem:$0x3F92] =	sst s0  }
0x9: {  	[smem:$0x3F93] =	sst s1  }
0xa: {  	[smem:$0x3F94] =	sst s2  }
0xb: {  	[smem:$0x3F95] =	sst s3  }
0xc: {  	[smem:$0x3F96] =	sst s4  }
0xd: {  	[smem:$0x3F97] =	sst s5  }
0xe: {  	[smem:$0x3F98] =	sst s6  }
0xf: {  	[smem:$0x3F99] =	sst s7  }
0x10: {  	[smem:$0x3F9A] =	sst s8  }
0x11: {  	[smem:$0x3F9B] =	sst s9;
	s0 =	simm.s32 @!p0 $0x0  }
0x12: {  	s1 =	sld [smem:$0x3F81];
	s0 =	simm.s32 @p0 $0x1  }
0x13: {  	[smem:$0x3F9C] =	sst s0;
	s0 =	simm.s32 @!p1 $0x0  }
0x14: {  	s2 =	sld [smem:$0x3F80];
	s0 =	simm.s32 @p1 $0x1  }
0x15: {  	[smem:$0x3F9D] =	sst s0;
	s0 =	simm.s32 @!p2 $0x0  }
0x16: {  	s3 =	sld [smem:$0x3FDB];
	s0 =	simm.s32 @p2 $0x1  }
0x17: {  	s4 =	simm.s32 $0x1BF5;
	[smem:$0x3F9F] =	sst s0  }
0x18: {  	s0 =	sld [smem:$0x3F82];
	_ =	swait.ge [sflag:s4], $0x0  }
0x19: {  	s7 =	sld [smem:$0x3F83]  }
0x1a: {  	s8 =	sadd.s32 $0xFFFFE003, lr  }
0x1b: {  	s9 =	sadd.s32 $0xFFFFFEF7, lr;
	s5 =	simm.s32 $0xFFFFFFFF;
	p2 =	slt.u32 s8, $0xFFFFF086  }
0x1c: {  	p1 =	slt.u32 s9, $0xF7A;
	s5 =	simm.s32 @!p2 $0x0  }
0x1d: {  	s5 =	simm.s32 @p1 $0x1;
	p0 =	seq.s32 s7, s2  }
0x1e: {  	s7 =	smul.u32 @!p0 $0xF7A, s2;
	p2 =	seq.s32 @!p0 s5, $0x0  }
0x1f: {  	s9 =	smul.u32 $0xF7A, s1;
	s8 =	simm.s32 @!p0 $0x1BF5;
	p2 =	por !p2, p0  }
0x20: {  	[sflag:s8] =	ssyncset.s32 @!p0 $0xFFFFF086;
	s6 =	sadd.s32 @!p0 s3, s7;
	s7 =	simm.s32 @!p0 $0x108  }
0x21: {  	s3 =	sadd.s32 s3, s9;
	s6 =	sadd.s32 @!p0 $0x88, s6;
	s7 =	simm.s32 @p2 $0x1082  }
0x22: {  	[simem:s7], [sflag:s8] =	dma.local @!p0 [hbm:s6], $0xF7A  }
0x23: {  	s9 =	sor.u32 $0xD0000000, s2;
	s6 =	simm.s32 $0x108;
	_ =	swait.ge @!p0 [sflag:s8], $0x0  }
0x24: {  	s3 =	sadd.s32 $0x88, s3;
	s6 =	simm.s32 @!p1 $0x1082;
	[sflag:s4] =	ssyncset.s32 $0xFFFFF086  }
0x25: {  	[simem:s6], [sflag:s4] =	dma.local [hbm:s3], $0xF7A  }
0x26: {  	[smem:$0x3F83] =	sst s1;
	(tag) =	ssettag s2;
	_ =	strace s9  }
0x27: {  	s1 =	sld [smem:$0x3F93]  }
0x28: {  	s2 =	sld [smem:$0x3F94]  }
0x29: {  	s4 =	sld [smem:$0x3F96]  }
0x2a: {  	p0 =	seq.s32 s5, $0x0;
	s5 =	sld [smem:$0x3F97]  }
0x2b: {  	s6 =	sld [smem:$0x3F98]  }
0x2c: {  	s7 =	sld [smem:$0x3F99]  }
0x2d: {  	s3 =	simm.s32 $0x108;
	s8 =	sld [smem:$0x3F9A]  }
0x2e: {  	s3 =	simm.s32 @!p0 $0x1082;
	s9 =	sld [smem:$0x3F9B]  }
0x2f: {  	lr =	sadd.s32 s0, s3;
	s0 =	sld [smem:$0x3F92]  }
0x30: {  	s3 =	sld [smem:$0x3F95]  }
0x31: {  	[smem:$0x3F9E] =	sst s10  }
0x32: {  	s10 =	sld [smem:$0x3F9C];
	_ =	sdelay $0x3  }
0x33: {  	p0 =	seq.s32 s10, $0x1;
	s10 =	sld [smem:$0x3F9E];
	_ =	sdelay $0x3  }
0x34: {  	[smem:$0x3F9E] =	sst s10  }
0x35: {  	s10 =	sld [smem:$0x3F9D];
	_ =	sdelay $0x3  }
0x36: {  	p1 =	seq.s32 s10, $0x1;
	s10 =	sld [smem:$0x3F9E];
	_ =	sdelay $0x3  }
0x37: {  	[smem:$0x3F9E] =	sst s10  }
0x38: {  	s10 =	sld [smem:$0x3F9F]  }
0x39: {  	_ = 	snop;
	(pc) =	sbr.ind lr, $3  }
0x3a: {  	_ = 	snop  }
0x3b: {  	_ = 	snop  }
0x3c: {  	p2 =	seq.s32 s10, $0x1;
	s10 =	sld [smem:$0x3F9E]  }
0x3d: {  	_ =	shalt  }
0x3e: {  	_ =	shalt  }
0x3f: {  	_ =	shalt  }
0x40: {  	_ =	shalt  }
0x41: {  	_ =	shalt  }
0x42: {  	_ =	shalt  }
0x43: {  	_ =	shalt  }
0x44: {  	_ =	shalt  }
0x45: {  	_ =	shalt  }
0x46: {  	_ =	shalt  }
0x47: {  	_ =	shalt  }
0x48: {  	_ =	shalt  }
0x49: {  	_ =	shalt  }
0x4a: {  	_ =	shalt  }
0x4b: {  	_ =	shalt  }
0x4c: {  	_ =	shalt  }
0x4d: {  	_ =	shalt  }
0x4e: {  	_ =	shalt  }
0x4f: {  	_ =	shalt  }
0x50: {  	_ =	shalt  }
0x51: {  	_ =	shalt  }
0x52: {  	_ =	shalt  }
0x53: {  	_ =	shalt  }
0x54: {  	_ =	shalt  }
0x55: {  	_ =	shalt  }
0x56: {  	_ =	shalt  }
0x57: {  	_ =	shalt  }
0x58: {  	_ =	shalt  }
0x59: {  	_ =	shalt  }
0x5a: {  	_ =	shalt  }
0x5b: {  	_ =	shalt  }
0x5c: {  	_ =	shalt  }
0x5d: {  	_ =	shalt  }
0x5e: {  	_ =	shalt  }
0x5f: {  	_ =	shalt  }
0x60: {  	_ =	shalt  }
0x61: {  	_ =	shalt  }
0x62: {  	_ =	shalt  }
0x63: {  	_ =	shalt  }
0x64: {  	_ =	shalt  }
0x65: {  	_ =	shalt  }
0x66: {  	_ =	shalt  }
0x67: {  	_ =	shalt  }
0x68: {  	_ =	shalt  }
0x69: {  	_ =	shalt  }
0x6a: {  	_ =	shalt  }
0x6b: {  	_ =	shalt  }
0x6c: {  	_ =	shalt  }
0x6d: {  	_ =	shalt  }
0x6e: {  	_ =	shalt  }
0x6f: {  	_ =	shalt  }
0x70: {  	_ =	shalt  }
0x71: {  	_ =	shalt  }
0x72: {  	_ =	shalt  }
0x73: {  	_ =	shalt  }
0x74: {  	_ =	shalt  }
0x75: {  	_ =	shalt  }
0x76: {  	_ =	shalt  }
0x77: {  	_ =	shalt  }
0x78: {  	_ =	shalt  }
0x79: {  	_ =	shalt  }
0x7a: {  	_ =	shalt  }
0x7b: {  	_ =	shalt  }
0x7c: {  	_ =	shalt  }
0x7d: {  	_ =	shalt  }
0x7e: {  	_ =	shalt  }
0x7f: {  	_ =	shalt  }
0x80: {  	_ =	shalt  }
0x81: {  	_ =	shalt  }
0x82: {  	_ =	shalt  }
0x83: {  	_ =	shalt  }
0x84: {  	_ =	shalt  }
0x85: {  	_ =	shalt  }
0x86: {  	_ =	shalt  }
0x87: {  	_ =	shalt  }
.Lfunc_end0:
.L_simem_size_0:
called_computation_lowered:
.L_overlay_start_0:
0x88: {  	s2 =	sld [smem:$0x3FD9]  }
0x89: {  	s3 =	sld [smem:$0x3FFE];
	_ =	sdelay $0x1  }
0x8a: {  	s1 =	srdreg.scid  }
0x8b: {  	s0 =	sand.u32 $0x1, s1  }
0x8c: {  	s17 =	sshll.u32 s0, $0xA;
	s2 =	sadd.s32 s3, s2  }
0x8d: {  	s2 =	sadd.s32 s2, s17  }
0x8e: {  	[smem:$0x3FAA] =	sst s2  }
0x8f: {  	_ = 	snop  }
0x90: {  	(tm) =	ssettm $0x1  }
0x91: {  	s18 =	sld [smem:$0x3FFB];
	_ =	sdelay $0x3  }
0x92: {  	_ =	strace s18  }
0x93: {  	s2 =	sld [smem:$0x3FFC];
	_ =	sdelay $0x3  }
0x94: {  	_ =	strace s2  }
0x95: {  	s2 =	sld [smem:$0x3FFD];
	_ =	sdelay $0x3  }
0x96: {  	_ =	strace s2  }
0x97: {  	_ =	strace $0x8FFFFFFF  }
0x98: {  	s19 =	sld [smem:$0x3FDB];
	_ =	sdelay $0x1  }
0x99: {  	s20 =	simm.s32 $_scs_section_size  }
0x9a: {  	s4 =	simm.s32 $_size__tile_overlayer_lowered;
	s5 =	simm.s32 $_tile_overlayer_lowered  }
0x9b: {  	s6 =	simm.s32 $0x1BFF;
	s21 =	sshll.u32 s5, $0x1;
	s3 =	sadd.s32 s20, s19  }
0x9c: {  	s22 =	simm.s32 $0x0;
	s4 =	sshll.u32 s4, $0x1;
	s5 =	sadd.s32 s21, s3  }
0x9d: {  	[timem:s22], [sflag:s6] =	dma.local [hbm:s5], s4  }
0x9e: {  	_ =	swait.ge [sflag:s6], s4  }
0x9f: {  	s4 =	ssub.s32 $0x0, s4;
	[sflag:s6] =	ssyncset.done $0x0  }
0xa0: {  	[sflag:s6] =	ssyncadd.s32 s4;
	_ =	sdelay $0x1  }
0xa1: {  	s23 =	simm.s32 $0x1B8B  }
0xa2: {  	_ =	swait.ge [sflag:s23], $0x1  }
0xa3: {  	[sflag:s23] =	ssyncset.done $0x0  }
0xa4: {  	[sflag:s23] =	ssyncadd.s32 $0xFFFFFFFF  }
0xa5: {  	s4 =	sld [smem:$0x0]  }
0xa6: {  	s5 =	sand.u32 $0xFFFFFFFE, s1  }
0xa7: {  	p0 =	sne.s32 s1, s5  }
0xa8: {  	s5 =	sshll.u32 @p0 s5, $0xE  }
0xa9: {  	s5 =	sadd.s32 @p0 $0x11B8D, s5;
	s6 =	sshll.u32 @p0 s4, $0x11  }
0xaa: {  	s5 =	sor.u32 @p0 s6, s5  }
0xab: {  	[sflag:s5] =	ssyncadd.remote.s32 @p0 $0x1;
	_ =	sdelay $0x1  }
0xac: {  	s5 =	simm.s32 @p0 $0x1B8D  }
0xad: {  	_ =	swait.eq @p0 [sflag:s5], $0x1  }
0xae: {  	[sflag:s5] =	ssyncadd.s32 @p0 $0xFFFFFFFF  }
0xaf: {  	s6 =	sshll.u32 @!p0 s1, $0xE  }
0xb0: {  	s6 =	sor.u32 @!p0 $0x4000, s6;
	s5 =	simm.s32 @!p0 $0x1B8D  }
0xb1: {  	s4 =	sshll.u32 @!p0 s4, $0x11;
	s6 =	sadd.s32 @!p0 $0x11B8D, s6;
	_ =	swait.eq @!p0 [sflag:s5], $0x1  }
0xb2: {  	s4 =	sor.u32 @!p0 s4, s6;
	[sflag:s5] =	ssyncadd.s32 @!p0 $0xFFFFFFFF  }
0xb3: {  	s25 =	simm.s32 $0x1B8E;
	s24 =	sld [smem:$0x3FFE];
	[sflag:s4] =	ssyncadd.remote.s32 @!p0 $0x1  }
0xb4: {  	s26 =	simm.s32 $execute0_lowered;
	[smem:$0x3FD2] =	sst s25  }
0xb5: {  	s5 =	sshll.u32 s26, $0x1;
	_ =	strace $0x80000049;
	[dreg:$0x1] =	wrdreg $0xFFFFFFFF  }
0xb6: {  	s28 =	simm.s32 $_size_execute0_lowered;
	s3 =	sadd.s32 s3, s5;
	[dreg:$0x0] =	wrdreg $0x0  }
0xb7: {  	s5 =	sshll.u32 s28, $0x1;
	[dreg:$0x2] =	wrdreg s3  }
0xb8: {  	[dreg:$0x3] =	wrdreg s5  }
0xb9: {  	[dreg:$0x4] =	wrdreg $0xC0  }
0xba: {  	_ =	task [dreg:s22], $0x5FFFF  }
0xbb: {  	[dreg:$0x1] =	wrdreg $0xFFFFFFFF  }
0xbc: {  	[dreg:$0x0] =	wrdreg $0x60  }
0xbd: {  	[dreg:$0x2] =	wrdreg s24  }
0xbe: {  	[dreg:$0x3] =	wrdreg $0xB0000  }
0xbf: {  	[dreg:$0x4] =	wrdreg $0x9  }
0xc0: {  	_ =	task.clear_ibuf [dreg:s22], $0x5FFFF;
	_ =	strace $0x90000049  }
0xc1: {  	s29 =	simm.s32 $0x9;
	_ =	strace $0x8000004B  }
0xc2: {  	_ =	swait.ge [sflag:s29], $0x1  }
0xc3: {  	[sflag:s29] =	ssyncadd.s32 $0xFFFFFFFF  }
0xc4: {  	_ =	strace $0x9000004B  }
0xc5: {  	_ =	sfence  }
0xc6: {  	s30 =	sld [smem:$0x0];
	_ =	sdelay $0x2  }
0xc7: {  	s31 =	sshll.u32 s1, $0xD;
	s1 =	sshrl.u32 s1, $0x2  }
0xc8: {  	s4 =	sand.u32 $0x4000, s31;
	s1 =	sadd.s32 s1, s30  }
0xc9: {  	s0 =	sor.u32 s4, s0;
	s1 =	sshll.u32 s1, $0x11  }
0xca: {  	s0 =	sor.u32 s1, s0  }
0xcb: {  	s0 =	sadd.s32 $0x8F2B, s0  }
0xcc: {  	[sflag:s0] =	ssyncadd.remote.s32 $0x1  }
0xcd: {  	_ =	sfence.sel $0xFFFF  }
0xce: {  	[dreg:$0x0] =	wrdreg $0xFFFFFFFF;
	(pc) =	sbr.abs _section_cstart, $3  }
0xcf: {  	[dreg:$0x1] =	wrdreg $0xFFFFFFFF  }
0xd0: {  	_ =	task.clear_ibuf [dreg:s22], $0x2FFFF;
	_ =	strace $0x9FFFFFFF  }
0xd1: {  	(tm) =	ssettm $0x7FFFFFFF  }
tec
execute0_lowered:
.L_overlay_start_1:
0x0: {  	(tag) =	ssettag $0x1  }
0x1: {  	s5 =	rddreg [dreg:$0x0]  }
0x2: {  	s2 =	rddreg [dreg:$0x1];
	s3 =	srdreg.scid  }
0x3: {  	s0 =	rddreg [dreg:$0x2];
	s1 =	stileid.u32  }
0x4: {  	s19 =	simm.s32 $0x9000;
	s20 =	simm.s32 $0x2;
	s21 =	simm.s32 $0x2800  }
0x5: {  	s22 =	simm.s32 $0x80;
	s23 =	simm.s32 $0x5000;
	s8 =	smul.u32 $0x14000, s1  }
0x6: {  	s24 =	simm.s32 $0x1;
	s6 =	sand.u32 $0x1, s3;
	s29 =	smul.u32 $0x50000, s1  }
0x7: {  	s3 =	simm.s32 $0x0;
	s4 =	sshll.u32 s1, $0x1;
	s7 =	smul.u32 $0x140000, s6  }
0x8: {  	[smem:$0x7FF] =	sst s3;
	s4 =	sor.u32 s6, s4;
	s6 =	ssub.s32 $0x2, s6  }
0x9: {  	_ =	strace $0x8000004A;
	s9 =	smul.u32 $0x500, s4;
	s4 =	sadd.s32 $0xA8E00, s5  }
0xa: {  	s30 =	sshrl.u32 s6, $0x1;
	s31 =	sshrl.u32 s29, $0x2;
	s7 =	sadd.s32 s8, s7  }
0xb: {  	s11 =	ssub.s32 s6, s30;
	s9 =	sadd.s32 s9, s5;
	s7 =	sshrl.u32 s7, $0x3  }
0xc: {  	s10 =	sadd.s32 s7, s5;
	s5 =	sadd.s32 s31, s2;
	s6 =	sadd.s32 $0x94E00, s9  }
0xd: {  	s7 =	sadd.s32 $0x9EE00, s9;
	s9 =	smax.u32 s11, $0x1;
	s8 =	sadd.s32 $0xD0E00, s10  }
0xe: {  	s10 =	sadd.s32 $0x2000, s5;
	s11 =	sadd.s32 $0x4000, s5;
	s12 =	sadd.s32 $0x6000, s5  }
0xf: {  	s13 =	sadd.s32 $0x8000, s5;
	s14 =	sadd.s32 $0xA000, s5;
	s15 =	sadd.s32 $0xC000, s5  }
0x10: {  	v0 =	vimm.f32 $0.0e+00;
	s16 =	sadd.s32 $0xE000, s5;
	s17 =	sadd.s32 $0x10000, s5;
	s18 =	sadd.s32 $0x12000, s5  }
.LBB2_1:
0x11: {  	s25 =	simm.s32 $0x0;
	s26 =	simm.s32 $0x200  }
.LBB2_2:
0x12: {  	p0 =	sne.s32 s26, $0x7E00;
	[tilespmem:s25+$0x9070] =	vst v0  }
0x13: {  	[tilespmem:s25+$0x9000] =	vst v0  }
0x14: {  	[tilespmem:s25+$0x9010] =	vst v0  }
.Ltmp0:
0x15: {  	[tilespmem:s25+$0x9020] =	vst v0;
	(pc) =	sbr.rel @p0 .LBB2_2-.Ltmp0, $4  }
0x16: {  	[tilespmem:s25+$0x9030] =	vst v0  }
0x17: {  	[tilespmem:s25+$0x9040] =	vst v0  }
0x18: {  	[tilespmem:s25+$0x9050] =	vst v0  }
0x19: {  	[tilespmem:s25+$0x9060] =	vst v0;
	s25 =	sshra.s32 s26, $0x2;
	s26 =	sadd.s32 $0x200, s26  }
0x1a: {  	[tilespmem:s25+$0x9070] =	vst v0  }
0x1b: {  	[tilespmem:s25+$0x9000] =	vst v0  }
0x1c: {  	[tilespmem:s25+$0x9010] =	vst v0  }
0x1d: {  	[tilespmem:s25+$0x9020] =	vst v0  }
0x1e: {  	[tilespmem:s25+$0x9030] =	vst v0  }
0x1f: {  	[tilespmem:s25+$0x9040] =	vst v0  }
0x20: {  	[tilespmem:s25+$0x9050] =	vst v0  }
0x21: {  	[tilespmem:s25+$0x9060] =	vst v0  }
0x22: {  	[spmem:s5] =	stream.linear.scatter [tilespmem:s19], [sflag:$0x2], $0x2000, $0x38;
	[tilespmem:$0x1F000] =	vst v63  }
0x23: {  	_ =	swait.ge [sflag:s20], $0x2000  }
0x24: {  	[sflag:s20] =	ssyncset.done $0x0  }
0x25: {  	[sflag:s20] =	ssyncadd.s32 $0xFFFFE000  }
0x26: {  	[spmem:s10] =	stream.linear.scatter [tilespmem:s19], [sflag:$0x2], $0x2000, $0x38;
	[tilespmem:$0x1F000] =	vst v63  }
0x27: {  	_ =	swait.ge [sflag:s20], $0x2000  }
0x28: {  	[sflag:s20] =	ssyncset.done $0x0  }
0x29: {  	[sflag:s20] =	ssyncadd.s32 $0xFFFFE000  }
0x2a: {  	[spmem:s11] =	stream.linear.scatter [tilespmem:s19], [sflag:$0x2], $0x2000, $0x38;
	[tilespmem:$0x1F000] =	vst v63  }
0x2b: {  	_ =	swait.ge [sflag:s20], $0x2000  }
0x2c: {  	[sflag:s20] =	ssyncset.done $0x0  }
0x2d: {  	[sflag:s20] =	ssyncadd.s32 $0xFFFFE000  }
0x2e: {  	[spmem:s12] =	stream.linear.scatter [tilespmem:s19], [sflag:$0x2], $0x2000, $0x38;
	[tilespmem:$0x1F000] =	vst v63  }
0x2f: {  	_ =	swait.ge [sflag:s20], $0x2000  }
0x30: {  	[sflag:s20] =	ssyncset.done $0x0  }
0x31: {  	[sflag:s20] =	ssyncadd.s32 $0xFFFFE000  }
0x32: {  	[spmem:s13] =	stream.linear.scatter [tilespmem:s19], [sflag:$0x2], $0x2000, $0x38;
	[tilespmem:$0x1F000] =	vst v63  }
0x33: {  	_ =	swait.ge [sflag:s20], $0x2000  }
0x34: {  	[sflag:s20] =	ssyncset.done $0x0  }
0x35: {  	[sflag:s20] =	ssyncadd.s32 $0xFFFFE000  }
0x36: {  	[spmem:s14] =	stream.linear.scatter [tilespmem:s19], [sflag:$0x2], $0x2000, $0x38;
	[tilespmem:$0x1F000] =	vst v63  }
0x37: {  	_ =	swait.ge [sflag:s20], $0x2000  }
0x38: {  	[sflag:s20] =	ssyncset.done $0x0  }
0x39: {  	[sflag:s20] =	ssyncadd.s32 $0xFFFFE000  }
0x3a: {  	[spmem:s15] =	stream.linear.scatter [tilespmem:s19], [sflag:$0x2], $0x2000, $0x38;
	[tilespmem:$0x1F000] =	vst v63  }
0x3b: {  	_ =	swait.ge [sflag:s20], $0x2000  }
0x3c: {  	[sflag:s20] =	ssyncset.done $0x0  }
0x3d: {  	[sflag:s20] =	ssyncadd.s32 $0xFFFFE000  }
0x3e: {  	[spmem:s16] =	stream.linear.scatter [tilespmem:s19], [sflag:$0x2], $0x2000, $0x38;
	[tilespmem:$0x1F000] =	vst v63  }
0x3f: {  	_ =	swait.ge [sflag:s20], $0x2000  }
0x40: {  	[sflag:s20] =	ssyncset.done $0x0  }
0x41: {  	[sflag:s20] =	ssyncadd.s32 $0xFFFFE000  }
0x42: {  	[spmem:s17] =	stream.linear.scatter [tilespmem:s19], [sflag:$0x2], $0x2000, $0x38;
	[tilespmem:$0x1F000] =	vst v63  }
0x43: {  	_ =	swait.ge [sflag:s20], $0x2000  }
0x44: {  	[sflag:s20] =	ssyncset.done $0x0  }
0x45: {  	[sflag:s20] =	ssyncadd.s32 $0xFFFFE000  }
0x46: {  	[spmem:s18] =	stream.linear.scatter [tilespmem:s19], [sflag:$0x2], $0x2000, $0x38;
	[tilespmem:$0x1F000] =	vst v63  }
0x47: {  	_ =	swait.ge [sflag:s20], $0x2000  }
0x48: {  	[sflag:s20] =	ssyncset.done $0x0  }
0x49: {  	[sflag:s20] =	ssyncadd.s32 $0xFFFFE000  }
0x4a: {  	s29 =	simm.s32 $0x0;
	[bflag:$0x0] =	sbarrier.arrive $0xFFFF  }
0x4b: {  	[tilespmem:s29], [sflag:$0x2] =	stream.linear.gather [hbm4b:s6+s29], $0x2780, $0x38;
	[tilespmem:$0x1F000] =	vst v63  }
0x4c: {  	_ =	swait.ge [sflag:s20], $0x2780  }
0x4d: {  	[sflag:s20] =	ssyncset.done $0x0  }
0x4e: {  	[sflag:s20] =	ssyncadd.s32 $0xFFFFD880  }
0x4f: {  	[tilespmem:s21], [sflag:$0x2] =	stream.linear.gather [hbm4b:s7+s29], $0x2780, $0x38;
	[tilespmem:$0x1F000] =	vst v63  }
0x50: {  	_ =	swait.ge [sflag:s20], $0x2780  }
0x51: {  	[sflag:s20] =	ssyncset.done $0x0  }
0x52: {  	s30 =	simm.s32 $0x0;
	[sflag:s20] =	ssyncadd.s32 $0xFFFFD880  }
0x53: {  	[tilespmem:s23], [sflag:$0x1] =	stream.indirect.gather [hbm4b:s4+s22], $0x80, s30, s22, $0xb8;
	[tilespmem:$0x1F000] =	vst v63  }
0x54: {  	_ =	swait.ge [sflag:s24], $0x4000  }
0x55: {  	[sflag:s24] =	ssyncset.done $0x0  }
0x56: {  	s31 =	simm.s32 $0x2800;
	[sflag:s24] =	ssyncadd.s32 $0xFFFFC000  }
0x57: {  	[spmem:s2] =	stream.indirect.scatter.add.f32 [tilespmem:s23], [sflag:$0x2], $0x80, s31, s22, $0xb8;
	[tilespmem:$0x1F000] =	vst v63  }
0x58: {  	_ =	swait.ge [sflag:s20], $0x4000  }
0x59: {  	s25 =	simm.s32 $0x200;
	s26 =	simm.s32 $0x400;
	[sflag:s20] =	ssyncset.done $0x0  }
.LBB2_4:
0x5a: {  	s28 =	sshra.s32 s25, $0x2  }
0x5b: {  	[sflag:s20] =	ssyncadd.s32 $0xFFFFC000;
	s25 =	smov.u32 s26;
	s29 =	sadd.s32 $0x200, s26  }
0x5c: {  	[tilespmem:s23], [sflag:$0x1] =	stream.indirect.gather [hbm4b:s4+s22], $0x80, s28, s22, $0xb8;
	[tilespmem:$0x1F000] =	vst v63  }
0x5d: {  	p0 =	sne.s32 s26, $0x9C00;
	_ =	swait.ge [sflag:s24], $0x4000  }
.Ltmp1:
0x5e: {  	[sflag:s24] =	ssyncset.done $0x0;
	(pc) =	sbr.rel @p0 .LBB2_4-.Ltmp1, $4  }
0x5f: {  	s26 =	sadd.s32 $0x2800, s28;
	[sflag:s24] =	ssyncadd.s32 $0xFFFFC000  }
0x60: {  	[spmem:s2] =	stream.indirect.scatter.add.f32 [tilespmem:s23], [sflag:$0x2], $0x80, s26, s22, $0xb8;
	[tilespmem:$0x1F000] =	vst v63  }
0x61: {  	_ =	swait.ge [sflag:s20], $0x4000  }
0x62: {  	s26 =	smov.u32 s29;
	[sflag:s20] =	ssyncset.done $0x0  }
0x63: {  	s25 =	sshra.s32 s25, $0x2;
	[sflag:s20] =	ssyncadd.s32 $0xFFFFC000  }
0x64: {  	[tilespmem:s23], [sflag:$0x1] =	stream.indirect.gather [hbm4b:s4+s22], $0x80, s25, s22, $0xb8;
	[tilespmem:$0x1F000] =	vst v63  }
0x65: {  	_ =	swait.ge [sflag:s24], $0x4000  }
0x66: {  	[sflag:s24] =	ssyncset.done $0x0  }
0x67: {  	s25 =	sadd.s32 $0x2800, s25;
	[sflag:s24] =	ssyncadd.s32 $0xFFFFC000  }
0x68: {  	[spmem:s2] =	stream.indirect.scatter.add.f32 [tilespmem:s23], [sflag:$0x2], $0x80, s25, s22, $0xb8;
	[tilespmem:$0x1F000] =	vst v63  }
0x69: {  	_ =	swait.ge [sflag:s20], $0x4000  }
0x6a: {  	s31 =	sshll.u32 s1, $0x6;
	s3 =	sadd.s32 $0x1, s3;
	[sflag:s20] =	ssyncset.done $0x0  }
0x6b: {  	s26 =	sshrl.u32 s5, $0x3;
	p0 =	sne.s32 s3, s9;
	[sflag:s20] =	ssyncadd.s32 $0xFFFFC000  }
.Ltmp2:
0x6c: {  	s25 =	sor.u32 $0x1C02, s31;
	[bflag:$0x0] =	sbarrier.arrive $0xFFFF;
	(pc) =	sbr.rel @p0 .LBB2_1-.Ltmp2, $4  }
0x6d: {  	[hbm:s8], [sflag:s25] =	dma.local [spmem:s26], $0x2800  }
0x6e: {  	_ =	swait.ge [sflag:s20], $0x2800  }
0x6f: {  	[sflag:s20] =	ssyncset.done $0x0  }
0x70: {  	[sflag:s20] =	ssyncadd.s32 $0xFFFFD800  }
0x71: {  	_ =	sfence.sel $0x180000  }
0x72: {  	[bflag:$0x0] =	sbarrier.arrive $0xFFFF  }
0x73: {  	p0 =	sne.s32 s1, $0x0;
	_ =	strace $0x9000004A  }
0x74: {  	s0 =	sadd.s32 @!p0 $0x100000, s0;
	[bflag:$0x2] =	sbarrier.arrive $0xFFFF  }
0x75: {  	[sflag:s0] =	ssyncadd.tile.s32 @!p0 $0x1;
	_ =	shalt  }
.Lfunc_end2:
_tile_overlayer_lowered:
.L_overlay_start_2:
0x76: {  	(tag) =	ssettag $0x2  }
0x77: {  	s0 =	rddreg [dreg:$0x0];
	s2 =	stileid.u32  }
0x78: {  	s1 =	rddreg [dreg:$0x1];
	p0 =	sne.s32 s2, $0x0  }
0x79: {  	s3 =	rddreg [dreg:$0x2];
	[bflag:$0x3] =	sbarrier.arrive $0xFFFF;
	s2 =	simm.s32 @!p0 $0x1C02  }
0x7a: {  	[timem:s3], [sflag:s2] =	dma.local @!p0 [hbm:s0], s1  }
0x7b: {  	s0 =	simm.s32 @!p0 $0x2  }
0x7c: {  	_ =	swait.ge @!p0 [sflag:s0], s1  }
0x7d: {  	s1 =	ssub.s32 @!p0 $0x0, s1;
	[sflag:s0] =	ssyncset.done @!p0 $0x0  }
0x7e: {  	[sflag:s0] =	ssyncadd.s32 @!p0 s1  }
0x7f: {  	[bflag:$0x3] =	sbarrier.arrive $0xFFFF  }
0x80: {  	_ =	shalt  }

// kernel: kernel.32.cloned.1.call-start
scs
__scs_entry_jumppad:
0x0: {  	(pc) =	sbr.rel $0x88, $3  }
0x1: {  	(tag) =	ssettag $0x0;
	lr =	simm.s32 $0x1  }
0x2: {  	[smem:$0x3F83] =	sst lr;
	_ =	strace $0xD0000000  }
0x3: {  	_ = 	snop  }
0x4: {  	_ = 	snop  }
0x5: {  	_ = 	snop  }
0x6: {  	_ = 	snop  }
0x7: {  	_ = 	snop  }
__scs_overlays_trampoline_lowered:
0x8: {  	[smem:$0x3F92] =	sst s0  }
0x9: {  	[smem:$0x3F93] =	sst s1  }
0xa: {  	[smem:$0x3F94] =	sst s2  }
0xb: {  	[smem:$0x3F95] =	sst s3  }
0xc: {  	[smem:$0x3F96] =	sst s4  }
0xd: {  	[smem:$0x3F97] =	sst s5  }
0xe: {  	[smem:$0x3F98] =	sst s6  }
0xf: {  	[smem:$0x3F99] =	sst s7  }
0x10: {  	[smem:$0x3F9A] =	sst s8  }
0x11: {  	[smem:$0x3F9B] =	sst s9;
	s0 =	simm.s32 @!p0 $0x0  }
0x12: {  	s1 =	sld [smem:$0x3F81];
	s0 =	simm.s32 @p0 $0x1  }
0x13: {  	[smem:$0x3F9C] =	sst s0;
	s0 =	simm.s32 @!p1 $0x0  }
0x14: {  	s2 =	sld [smem:$0x3F80];
	s0 =	simm.s32 @p1 $0x1  }
0x15: {  	[smem:$0x3F9D] =	sst s0;
	s0 =	simm.s32 @!p2 $0x0  }
0x16: {  	s3 =	sld [smem:$0x3FDB];
	s0 =	simm.s32 @p2 $0x1  }
0x17: {  	s4 =	simm.s32 $0x1BF5;
	[smem:$0x3F9F] =	sst s0  }
0x18: {  	s0 =	sld [smem:$0x3F82];
	_ =	swait.ge [sflag:s4], $0x0  }
0x19: {  	s7 =	sld [smem:$0x3F83]  }
0x1a: {  	s8 =	sadd.s32 $0xFFFFE003, lr  }
0x1b: {  	s9 =	sadd.s32 $0xFFFFFEF7, lr;
	s5 =	simm.s32 $0xFFFFFFFF;
	p2 =	slt.u32 s8, $0xFFFFF086  }
0x1c: {  	p1 =	slt.u32 s9, $0xF7A;
	s5 =	simm.s32 @!p2 $0x0  }
0x1d: {  	s5 =	simm.s32 @p1 $0x1;
	p0 =	seq.s32 s7, s2  }
0x1e: {  	s7 =	smul.u32 @!p0 $0xF7A, s2;
	p2 =	seq.s32 @!p0 s5, $0x0  }
0x1f: {  	s9 =	smul.u32 $0xF7A, s1;
	s8 =	simm.s32 @!p0 $0x1BF5;
	p2 =	por !p2, p0  }
0x20: {  	[sflag:s8] =	ssyncset.s32 @!p0 $0xFFFFF086;
	s6 =	sadd.s32 @!p0 s3, s7;
	s7 =	simm.s32 @!p0 $0x108  }
0x21: {  	s3 =	sadd.s32 s3, s9;
	s6 =	sadd.s32 @!p0 $0x88, s6;
	s7 =	simm.s32 @p2 $0x1082  }
0x22: {  	[simem:s7], [sflag:s8] =	dma.local @!p0 [hbm:s6], $0xF7A  }
0x23: {  	s9 =	sor.u32 $0xD0000000, s2;
	s6 =	simm.s32 $0x108;
	_ =	swait.ge @!p0 [sflag:s8], $0x0  }
0x24: {  	s3 =	sadd.s32 $0x88, s3;
	s6 =	simm.s32 @!p1 $0x1082;
	[sflag:s4] =	ssyncset.s32 $0xFFFFF086  }
0x25: {  	[simem:s6], [sflag:s4] =	dma.local [hbm:s3], $0xF7A  }
0x26: {  	[smem:$0x3F83] =	sst s1;
	(tag) =	ssettag s2;
	_ =	strace s9  }
0x27: {  	s1 =	sld [smem:$0x3F93]  }
0x28: {  	s2 =	sld [smem:$0x3F94]  }
0x29: {  	s4 =	sld [smem:$0x3F96]  }
0x2a: {  	p0 =	seq.s32 s5, $0x0;
	s5 =	sld [smem:$0x3F97]  }
0x2b: {  	s6 =	sld [smem:$0x3F98]  }
0x2c: {  	s7 =	sld [smem:$0x3F99]  }
0x2d: {  	s3 =	simm.s32 $0x108;
	s8 =	sld [smem:$0x3F9A]  }
0x2e: {  	s3 =	simm.s32 @!p0 $0x1082;
	s9 =	sld [smem:$0x3F9B]  }
0x2f: {  	lr =	sadd.s32 s0, s3;
	s0 =	sld [smem:$0x3F92]  }
0x30: {  	s3 =	sld [smem:$0x3F95]  }
0x31: {  	[smem:$0x3F9E] =	sst s10  }
0x32: {  	s10 =	sld [smem:$0x3F9C];
	_ =	sdelay $0x3  }
0x33: {  	p0 =	seq.s32 s10, $0x1;
	s10 =	sld [smem:$0x3F9E];
	_ =	sdelay $0x3  }
0x34: {  	[smem:$0x3F9E] =	sst s10  }
0x35: {  	s10 =	sld [smem:$0x3F9D];
	_ =	sdelay $0x3  }
0x36: {  	p1 =	seq.s32 s10, $0x1;
	s10 =	sld [smem:$0x3F9E];
	_ =	sdelay $0x3  }
0x37: {  	[smem:$0x3F9E] =	sst s10  }
0x38: {  	s10 =	sld [smem:$0x3F9F]  }
0x39: {  	_ = 	snop;
	(pc) =	sbr.ind lr, $3  }
0x3a: {  	_ = 	snop  }
0x3b: {  	_ = 	snop  }
0x3c: {  	p2 =	seq.s32 s10, $0x1;
	s10 =	sld [smem:$0x3F9E]  }
0x3d: {  	_ =	shalt  }
0x3e: {  	_ =	shalt  }
0x3f: {  	_ =	shalt  }
0x40: {  	_ =	shalt  }
0x41: {  	_ =	shalt  }
0x42: {  	_ =	shalt  }
0x43: {  	_ =	shalt  }
0x44: {  	_ =	shalt  }
0x45: {  	_ =	shalt  }
0x46: {  	_ =	shalt  }
0x47: {  	_ =	shalt  }
0x48: {  	_ =	shalt  }
0x49: {  	_ =	shalt  }
0x4a: {  	_ =	shalt  }
0x4b: {  	_ =	shalt  }
0x4c: {  	_ =	shalt  }
0x4d: {  	_ =	shalt  }
0x4e: {  	_ =	shalt  }
0x4f: {  	_ =	shalt  }
0x50: {  	_ =	shalt  }
0x51: {  	_ =	shalt  }
0x52: {  	_ =	shalt  }
0x53: {  	_ =	shalt  }
0x54: {  	_ =	shalt  }
0x55: {  	_ =	shalt  }
0x56: {  	_ =	shalt  }
0x57: {  	_ =	shalt  }
0x58: {  	_ =	shalt  }
0x59: {  	_ =	shalt  }
0x5a: {  	_ =	shalt  }
0x5b: {  	_ =	shalt  }
0x5c: {  	_ =	shalt  }
0x5d: {  	_ =	shalt  }
0x5e: {  	_ =	shalt  }
0x5f: {  	_ =	shalt  }
0x60: {  	_ =	shalt  }
0x61: {  	_ =	shalt  }
0x62: {  	_ =	shalt  }
0x63: {  	_ =	shalt  }
0x64: {  	_ =	shalt  }
0x65: {  	_ =	shalt  }
0x66: {  	_ =	shalt  }
0x67: {  	_ =	shalt  }
0x68: {  	_ =	shalt  }
0x69: {  	_ =	shalt  }
0x6a: {  	_ =	shalt  }
0x6b: {  	_ =	shalt  }
0x6c: {  	_ =	shalt  }
0x6d: {  	_ =	shalt  }
0x6e: {  	_ =	shalt  }
0x6f: {  	_ =	shalt  }
0x70: {  	_ =	shalt  }
0x71: {  	_ =	shalt  }
0x72: {  	_ =	shalt  }
0x73: {  	_ =	shalt  }
0x74: {  	_ =	shalt  }
0x75: {  	_ =	shalt  }
0x76: {  	_ =	shalt  }
0x77: {  	_ =	shalt  }
0x78: {  	_ =	shalt  }
0x79: {  	_ =	shalt  }
0x7a: {  	_ =	shalt  }
0x7b: {  	_ =	shalt  }
0x7c: {  	_ =	shalt  }
0x7d: {  	_ =	shalt  }
0x7e: {  	_ =	shalt  }
0x7f: {  	_ =	shalt  }
0x80: {  	_ =	shalt  }
0x81: {  	_ =	shalt  }
0x82: {  	_ =	shalt  }
0x83: {  	_ =	shalt  }
0x84: {  	_ =	shalt  }
0x85: {  	_ =	shalt  }
0x86: {  	_ =	shalt  }
0x87: {  	_ =	shalt  }
.Lfunc_end0:
.L_simem_size_0:
called_computation.1_lowered:
.L_overlay_start_0:
0x88: {  	s2 =	sld [smem:$0x3FD9]  }
0x89: {  	s3 =	sld [smem:$0x3FFE];
	_ =	sdelay $0x1  }
0x8a: {  	s1 =	srdreg.scid  }
0x8b: {  	s0 =	sand.u32 $0x1, s1  }
0x8c: {  	s17 =	sshll.u32 s0, $0xA;
	s2 =	sadd.s32 s3, s2  }
0x8d: {  	s2 =	sadd.s32 s2, s17  }
0x8e: {  	[smem:$0x3FAA] =	sst s2  }
0x8f: {  	_ = 	snop  }
0x90: {  	(tm) =	ssettm $0x1  }
0x91: {  	s18 =	sld [smem:$0x3FFB];
	_ =	sdelay $0x3  }
0x92: {  	_ =	strace s18  }
0x93: {  	s2 =	sld [smem:$0x3FFC];
	_ =	sdelay $0x3  }
0x94: {  	_ =	strace s2  }
0x95: {  	s2 =	sld [smem:$0x3FFD];
	_ =	sdelay $0x3  }
0x96: {  	_ =	strace s2  }
0x97: {  	_ =	strace $0x8FFFFFFF  }
0x98: {  	s19 =	sld [smem:$0x3FDB];
	_ =	sdelay $0x1  }
0x99: {  	s20 =	simm.s32 $_scs_section_size  }
0x9a: {  	s4 =	simm.s32 $_size__tile_overlayer_lowered;
	s5 =	simm.s32 $_tile_overlayer_lowered  }
0x9b: {  	s6 =	simm.s32 $0x1BFF;
	s21 =	sshll.u32 s5, $0x1;
	s3 =	sadd.s32 s20, s19  }
0x9c: {  	s22 =	simm.s32 $0x0;
	s4 =	sshll.u32 s4, $0x1;
	s5 =	sadd.s32 s21, s3  }
0x9d: {  	[timem:s22], [sflag:s6] =	dma.local [hbm:s5], s4  }
0x9e: {  	_ =	swait.ge [sflag:s6], s4  }
0x9f: {  	s4 =	ssub.s32 $0x0, s4;
	[sflag:s6] =	ssyncset.done $0x0  }
0xa0: {  	[sflag:s6] =	ssyncadd.s32 s4;
	_ =	sdelay $0x1  }
0xa1: {  	s23 =	simm.s32 $0x1B8B  }
0xa2: {  	_ =	swait.ge [sflag:s23], $0x1  }
0xa3: {  	[sflag:s23] =	ssyncset.done $0x0  }
0xa4: {  	[sflag:s23] =	ssyncadd.s32 $0xFFFFFFFF  }
0xa5: {  	s4 =	sld [smem:$0x0]  }
0xa6: {  	s5 =	sand.u32 $0xFFFFFFFE, s1  }
0xa7: {  	p0 =	sne.s32 s1, s5  }
0xa8: {  	s5 =	sshll.u32 @p0 s5, $0xE  }
0xa9: {  	s5 =	sadd.s32 @p0 $0x11B8D, s5;
	s6 =	sshll.u32 @p0 s4, $0x11  }
0xaa: {  	s5 =	sor.u32 @p0 s6, s5  }
0xab: {  	[sflag:s5] =	ssyncadd.remote.s32 @p0 $0x1;
	_ =	sdelay $0x1  }
0xac: {  	s5 =	simm.s32 @p0 $0x1B8D  }
0xad: {  	_ =	swait.eq @p0 [sflag:s5], $0x1  }
0xae: {  	[sflag:s5] =	ssyncadd.s32 @p0 $0xFFFFFFFF  }
0xaf: {  	s6 =	sshll.u32 @!p0 s1, $0xE  }
0xb0: {  	s6 =	sor.u32 @!p0 $0x4000, s6;
	s5 =	simm.s32 @!p0 $0x1B8D  }
0xb1: {  	s4 =	sshll.u32 @!p0 s4, $0x11;
	s6 =	sadd.s32 @!p0 $0x11B8D, s6;
	_ =	swait.eq @!p0 [sflag:s5], $0x1  }
0xb2: {  	s4 =	sor.u32 @!p0 s4, s6;
	[sflag:s5] =	ssyncadd.s32 @!p0 $0xFFFFFFFF  }
0xb3: {  	s25 =	simm.s32 $0x1B8E;
	s24 =	sld [smem:$0x3FFE];
	[sflag:s4] =	ssyncadd.remote.s32 @!p0 $0x1  }
0xb4: {  	s26 =	simm.s32 $execute0_lowered;
	[smem:$0x3FD2] =	sst s25  }
0xb5: {  	s5 =	sshll.u32 s26, $0x1;
	_ =	strace $0x8000004F;
	[dreg:$0x1] =	wrdreg $0xFFFFFFFF  }
0xb6: {  	s28 =	simm.s32 $_size_execute0_lowered;
	s3 =	sadd.s32 s3, s5;
	[dreg:$0x0] =	wrdreg $0x0  }
0xb7: {  	s5 =	sshll.u32 s28, $0x1;
	[dreg:$0x2] =	wrdreg s3  }
0xb8: {  	[dreg:$0x3] =	wrdreg s5  }
0xb9: {  	[dreg:$0x4] =	wrdreg $0xC0  }
0xba: {  	_ =	task [dreg:s22], $0x5FFFF  }
0xbb: {  	[dreg:$0x1] =	wrdreg $0xFFFFFFFF  }
0xbc: {  	[dreg:$0x0] =	wrdreg $0x60  }
0xbd: {  	[dreg:$0x2] =	wrdreg s24  }
0xbe: {  	[dreg:$0x3] =	wrdreg $0xB0000  }
0xbf: {  	[dreg:$0x4] =	wrdreg $0x9  }
0xc0: {  	_ =	task.clear_ibuf [dreg:s22], $0x5FFFF;
	_ =	strace $0x9000004F  }
0xc1: {  	s29 =	simm.s32 $0x9;
	_ =	strace $0x80000051  }
0xc2: {  	_ =	swait.ge [sflag:s29], $0x1  }
0xc3: {  	[sflag:s29] =	ssyncadd.s32 $0xFFFFFFFF  }
0xc4: {  	_ =	strace $0x90000051  }
0xc5: {  	_ =	sfence  }
0xc6: {  	s30 =	sld [smem:$0x0];
	_ =	sdelay $0x2  }
0xc7: {  	s31 =	sshll.u32 s1, $0xD;
	s1 =	sshrl.u32 s1, $0x2  }
0xc8: {  	s4 =	sand.u32 $0x4000, s31;
	s1 =	sadd.s32 s1, s30  }
0xc9: {  	s0 =	sor.u32 s4, s0;
	s1 =	sshll.u32 s1, $0x11  }
0xca: {  	s0 =	sor.u32 s1, s0  }
0xcb: {  	s0 =	sadd.s32 $0x8F2B, s0  }
0xcc: {  	[sflag:s0] =	ssyncadd.remote.s32 $0x1  }
0xcd: {  	_ =	sfence.sel $0xFFFF  }
0xce: {  	[dreg:$0x0] =	wrdreg $0xFFFFFFFF;
	(pc) =	sbr.abs _section_cstart, $3  }
0xcf: {  	[dreg:$0x1] =	wrdreg $0xFFFFFFFF  }
0xd0: {  	_ =	task.clear_ibuf [dreg:s22], $0x2FFFF;
	_ =	strace $0x9FFFFFFF  }
0xd1: {  	(tm) =	ssettm $0x7FFFFFFF  }
tec
execute0_lowered:
.L_overlay_start_1:
0x0: {  	(tag) =	ssettag $0x1  }
0x1: {  	s5 =	rddreg [dreg:$0x0]  }
0x2: {  	s2 =	rddreg [dreg:$0x1];
	s3 =	srdreg.scid  }
0x3: {  	s0 =	rddreg [dreg:$0x2];
	s1 =	stileid.u32  }
0x4: {  	s19 =	simm.s32 $0x9000;
	s20 =	simm.s32 $0x2;
	s21 =	simm.s32 $0x2800  }
0x5: {  	s22 =	simm.s32 $0x80;
	s23 =	simm.s32 $0x5000;
	s8 =	smul.u32 $0x14000, s1  }
0x6: {  	s24 =	simm.s32 $0x1;
	s6 =	sand.u32 $0x1, s3;
	s29 =	smul.u32 $0x50000, s1  }
0x7: {  	s3 =	simm.s32 $0x0;
	s4 =	sshll.u32 s1, $0x1;
	s7 =	smul.u32 $0x140000, s6  }
0x8: {  	[smem:$0x7FF] =	sst s3;
	s4 =	sor.u32 s6, s4;
	s6 =	ssub.s32 $0x2, s6  }
0x9: {  	_ =	strace $0x80000050;
	s9 =	smul.u32 $0x500, s4;
	s4 =	sadd.s32 $0xA8E00, s5  }
0xa: {  	s30 =	sshrl.u32 s6, $0x1;
	s31 =	sshrl.u32 s29, $0x2;
	s7 =	sadd.s32 s8, s7  }
0xb: {  	s11 =	ssub.s32 s6, s30;
	s9 =	sadd.s32 s9, s5;
	s7 =	sshrl.u32 s7, $0x3  }
0xc: {  	s10 =	sadd.s32 s7, s5;
	s5 =	sadd.s32 s31, s2;
	s6 =	sadd.s32 $0x94E00, s9  }
0xd: {  	s7 =	sadd.s32 $0x9EE00, s9;
	s9 =	smax.u32 s11, $0x1;
	s8 =	sadd.s32 $0xD0E00, s10  }
0xe: {  	s10 =	sadd.s32 $0x2000, s5;
	s11 =	sadd.s32 $0x4000, s5;
	s12 =	sadd.s32 $0x6000, s5  }
0xf: {  	s13 =	sadd.s32 $0x8000, s5;
	s14 =	sadd.s32 $0xA000, s5;
	s15 =	sadd.s32 $0xC000, s5  }
0x10: {  	v0 =	vimm.f32 $0.0e+00;
	s16 =	sadd.s32 $0xE000, s5;
	s17 =	sadd.s32 $0x10000, s5;
	s18 =	sadd.s32 $0x12000, s5  }
.LBB2_1:
0x11: {  	s25 =	simm.s32 $0x0;
	s26 =	simm.s32 $0x200  }
.LBB2_2:
0x12: {  	p0 =	sne.s32 s26, $0x7E00;
	[tilespmem:s25+$0x9070] =	vst v0  }
0x13: {  	[tilespmem:s25+$0x9000] =	vst v0  }
0x14: {  	[tilespmem:s25+$0x9010] =	vst v0  }
.Ltmp0:
0x15: {  	[tilespmem:s25+$0x9020] =	vst v0;
	(pc) =	sbr.rel @p0 .LBB2_2-.Ltmp0, $4  }
0x16: {  	[tilespmem:s25+$0x9030] =	vst v0  }
0x17: {  	[tilespmem:s25+$0x9040] =	vst v0  }
0x18: {  	[tilespmem:s25+$0x9050] =	vst v0  }
0x19: {  	[tilespmem:s25+$0x9060] =	vst v0;
	s25 =	sshra.s32 s26, $0x2;
	s26 =	sadd.s32 $0x200, s26  }
0x1a: {  	[tilespmem:s25+$0x9070] =	vst v0  }
0x1b: {  	[tilespmem:s25+$0x9000] =	vst v0  }
0x1c: {  	[tilespmem:s25+$0x9010] =	vst v0  }
0x1d: {  	[tilespmem:s25+$0x9020] =	vst v0  }
0x1e: {  	[tilespmem:s25+$0x9030] =	vst v0  }
0x1f: {  	[tilespmem:s25+$0x9040] =	vst v0  }
0x20: {  	[tilespmem:s25+$0x9050] =	vst v0  }
0x21: {  	[tilespmem:s25+$0x9060] =	vst v0  }
0x22: {  	[spmem:s5] =	stream.linear.scatter [tilespmem:s19], [sflag:$0x2], $0x2000, $0x38;
	[tilespmem:$0x1F000] =	vst v63  }
0x23: {  	_ =	swait.ge [sflag:s20], $0x2000  }
0x24: {  	[sflag:s20] =	ssyncset.done $0x0  }
0x25: {  	[sflag:s20] =	ssyncadd.s32 $0xFFFFE000  }
0x26: {  	[spmem:s10] =	stream.linear.scatter [tilespmem:s19], [sflag:$0x2], $0x2000, $0x38;
	[tilespmem:$0x1F000] =	vst v63  }
0x27: {  	_ =	swait.ge [sflag:s20], $0x2000  }
0x28: {  	[sflag:s20] =	ssyncset.done $0x0  }
0x29: {  	[sflag:s20] =	ssyncadd.s32 $0xFFFFE000  }
0x2a: {  	[spmem:s11] =	stream.linear.scatter [tilespmem:s19], [sflag:$0x2], $0x2000, $0x38;
	[tilespmem:$0x1F000] =	vst v63  }
0x2b: {  	_ =	swait.ge [sflag:s20], $0x2000  }
0x2c: {  	[sflag:s20] =	ssyncset.done $0x0  }
0x2d: {  	[sflag:s20] =	ssyncadd.s32 $0xFFFFE000  }
0x2e: {  	[spmem:s12] =	stream.linear.scatter [tilespmem:s19], [sflag:$0x2], $0x2000, $0x38;
	[tilespmem:$0x1F000] =	vst v63  }
0x2f: {  	_ =	swait.ge [sflag:s20], $0x2000  }
0x30: {  	[sflag:s20] =	ssyncset.done $0x0  }
0x31: {  	[sflag:s20] =	ssyncadd.s32 $0xFFFFE000  }
0x32: {  	[spmem:s13] =	stream.linear.scatter [tilespmem:s19], [sflag:$0x2], $0x2000, $0x38;
	[tilespmem:$0x1F000] =	vst v63  }
0x33: {  	_ =	swait.ge [sflag:s20], $0x2000  }
0x34: {  	[sflag:s20] =	ssyncset.done $0x0  }
0x35: {  	[sflag:s20] =	ssyncadd.s32 $0xFFFFE000  }
0x36: {  	[spmem:s14] =	stream.linear.scatter [tilespmem:s19], [sflag:$0x2], $0x2000, $0x38;
	[tilespmem:$0x1F000] =	vst v63  }
0x37: {  	_ =	swait.ge [sflag:s20], $0x2000  }
0x38: {  	[sflag:s20] =	ssyncset.done $0x0  }
0x39: {  	[sflag:s20] =	ssyncadd.s32 $0xFFFFE000  }
0x3a: {  	[spmem:s15] =	stream.linear.scatter [tilespmem:s19], [sflag:$0x2], $0x2000, $0x38;
	[tilespmem:$0x1F000] =	vst v63  }
0x3b: {  	_ =	swait.ge [sflag:s20], $0x2000  }
0x3c: {  	[sflag:s20] =	ssyncset.done $0x0  }
0x3d: {  	[sflag:s20] =	ssyncadd.s32 $0xFFFFE000  }
0x3e: {  	[spmem:s16] =	stream.linear.scatter [tilespmem:s19], [sflag:$0x2], $0x2000, $0x38;
	[tilespmem:$0x1F000] =	vst v63  }
0x3f: {  	_ =	swait.ge [sflag:s20], $0x2000  }
0x40: {  	[sflag:s20] =	ssyncset.done $0x0  }
0x41: {  	[sflag:s20] =	ssyncadd.s32 $0xFFFFE000  }
0x42: {  	[spmem:s17] =	stream.linear.scatter [tilespmem:s19], [sflag:$0x2], $0x2000, $0x38;
	[tilespmem:$0x1F000] =	vst v63  }
0x43: {  	_ =	swait.ge [sflag:s20], $0x2000  }
0x44: {  	[sflag:s20] =	ssyncset.done $0x0  }
0x45: {  	[sflag:s20] =	ssyncadd.s32 $0xFFFFE000  }
0x46: {  	[spmem:s18] =	stream.linear.scatter [tilespmem:s19], [sflag:$0x2], $0x2000, $0x38;
	[tilespmem:$0x1F000] =	vst v63  }
0x47: {  	_ =	swait.ge [sflag:s20], $0x2000  }
0x48: {  	[sflag:s20] =	ssyncset.done $0x0  }
0x49: {  	[sflag:s20] =	ssyncadd.s32 $0xFFFFE000  }
0x4a: {  	s29 =	simm.s32 $0x0;
	[bflag:$0x0] =	sbarrier.arrive $0xFFFF  }
0x4b: {  	[tilespmem:s29], [sflag:$0x2] =	stream.linear.gather [hbm4b:s6+s29], $0x2780, $0x38;
	[tilespmem:$0x1F000] =	vst v63  }
0x4c: {  	_ =	swait.ge [sflag:s20], $0x2780  }
0x4d: {  	[sflag:s20] =	ssyncset.done $0x0  }
0x4e: {  	[sflag:s20] =	ssyncadd.s32 $0xFFFFD880  }
0x4f: {  	[tilespmem:s21], [sflag:$0x2] =	stream.linear.gather [hbm4b:s7+s29], $0x2780, $0x38;
	[tilespmem:$0x1F000] =	vst v63  }
0x50: {  	_ =	swait.ge [sflag:s20], $0x2780  }
0x51: {  	[sflag:s20] =	ssyncset.done $0x0  }
0x52: {  	s30 =	simm.s32 $0x0;
	[sflag:s20] =	ssyncadd.s32 $0xFFFFD880  }
0x53: {  	[tilespmem:s23], [sflag:$0x1] =	stream.indirect.gather [hbm4b:s4+s22], $0x80, s30, s22, $0xb8;
	[tilespmem:$0x1F000] =	vst v63  }
0x54: {  	_ =	swait.ge [sflag:s24], $0x4000  }
0x55: {  	[sflag:s24] =	ssyncset.done $0x0  }
0x56: {  	s31 =	simm.s32 $0x2800;
	[sflag:s24] =	ssyncadd.s32 $0xFFFFC000  }
0x57: {  	[spmem:s2] =	stream.indirect.scatter.add.f32 [tilespmem:s23], [sflag:$0x2], $0x80, s31, s22, $0xb8;
	[tilespmem:$0x1F000] =	vst v63  }
0x58: {  	_ =	swait.ge [sflag:s20], $0x4000  }
0x59: {  	s25 =	simm.s32 $0x200;
	s26 =	simm.s32 $0x400;
	[sflag:s20] =	ssyncset.done $0x0  }
.LBB2_4:
0x5a: {  	s28 =	sshra.s32 s25, $0x2  }
0x5b: {  	[sflag:s20] =	ssyncadd.s32 $0xFFFFC000;
	s25 =	smov.u32 s26;
	s29 =	sadd.s32 $0x200, s26  }
0x5c: {  	[tilespmem:s23], [sflag:$0x1] =	stream.indirect.gather [hbm4b:s4+s22], $0x80, s28, s22, $0xb8;
	[tilespmem:$0x1F000] =	vst v63  }
0x5d: {  	p0 =	sne.s32 s26, $0x9C00;
	_ =	swait.ge [sflag:s24], $0x4000  }
.Ltmp1:
0x5e: {  	[sflag:s24] =	ssyncset.done $0x0;
	(pc) =	sbr.rel @p0 .LBB2_4-.Ltmp1, $4  }
0x5f: {  	s26 =	sadd.s32 $0x2800, s28;
	[sflag:s24] =	ssyncadd.s32 $0xFFFFC000  }
0x60: {  	[spmem:s2] =	stream.indirect.scatter.add.f32 [tilespmem:s23], [sflag:$0x2], $0x80, s26, s22, $0xb8;
	[tilespmem:$0x1F000] =	vst v63  }
0x61: {  	_ =	swait.ge [sflag:s20], $0x4000  }
0x62: {  	s26 =	smov.u32 s29;
	[sflag:s20] =	ssyncset.done $0x0  }
0x63: {  	s25 =	sshra.s32 s25, $0x2;
	[sflag:s20] =	ssyncadd.s32 $0xFFFFC000  }
0x64: {  	[tilespmem:s23], [sflag:$0x1] =	stream.indirect.gather [hbm4b:s4+s22], $0x80, s25, s22, $0xb8;
	[tilespmem:$0x1F000] =	vst v63  }
0x65: {  	_ =	swait.ge [sflag:s24], $0x4000  }
0x66: {  	[sflag:s24] =	ssyncset.done $0x0  }
0x67: {  	s25 =	sadd.s32 $0x2800, s25;
	[sflag:s24] =	ssyncadd.s32 $0xFFFFC000  }
0x68: {  	[spmem:s2] =	stream.indirect.scatter.add.f32 [tilespmem:s23], [sflag:$0x2], $0x80, s25, s22, $0xb8;
	[tilespmem:$0x1F000] =	vst v63  }
0x69: {  	_ =	swait.ge [sflag:s20], $0x4000  }
0x6a: {  	s31 =	sshll.u32 s1, $0x6;
	s3 =	sadd.s32 $0x1, s3;
	[sflag:s20] =	ssyncset.done $0x0  }
0x6b: {  	s26 =	sshrl.u32 s5, $0x3;
	p0 =	sne.s32 s3, s9;
	[sflag:s20] =	ssyncadd.s32 $0xFFFFC000  }
.Ltmp2:
0x6c: {  	s25 =	sor.u32 $0x1C02, s31;
	[bflag:$0x0] =	sbarrier.arrive $0xFFFF;
	(pc) =	sbr.rel @p0 .LBB2_1-.Ltmp2, $4  }
0x6d: {  	[hbm:s8], [sflag:s25] =	dma.local [spmem:s26], $0x2800  }
0x6e: {  	_ =	swait.ge [sflag:s20], $0x2800  }
0x6f: {  	[sflag:s20] =	ssyncset.done $0x0  }
0x70: {  	[sflag:s20] =	ssyncadd.s32 $0xFFFFD800  }
0x71: {  	_ =	sfence.sel $0x180000  }
0x72: {  	[bflag:$0x0] =	sbarrier.arrive $0xFFFF  }
0x73: {  	p0 =	sne.s32 s1, $0x0;
	_ =	strace $0x90000050  }
0x74: {  	s0 =	sadd.s32 @!p0 $0x100000, s0;
	[bflag:$0x2] =	sbarrier.arrive $0xFFFF  }
0x75: {  	[sflag:s0] =	ssyncadd.tile.s32 @!p0 $0x1;
	_ =	shalt  }
.Lfunc_end2:
_tile_overlayer_lowered:
.L_overlay_start_2:
0x76: {  	(tag) =	ssettag $0x2  }
0x77: {  	s0 =	rddreg [dreg:$0x0];
	s2 =	stileid.u32  }
0x78: {  	s1 =	rddreg [dreg:$0x1];
	p0 =	sne.s32 s2, $0x0  }
0x79: {  	s3 =	rddreg [dreg:$0x2];
	[bflag:$0x3] =	sbarrier.arrive $0xFFFF;
	s2 =	simm.s32 @!p0 $0x1C02  }
0x7a: {  	[timem:s3], [sflag:s2] =	dma.local @!p0 [hbm:s0], s1  }
0x7b: {  	s0 =	simm.s32 @!p0 $0x2  }
0x7c: {  	_ =	swait.ge @!p0 [sflag:s0], s1  }
0x7d: {  	s1 =	ssub.s32 @!p0 $0x0, s1;
	[sflag:s0] =	ssyncset.done @!p0 $0x0  }
0x7e: {  	[sflag:s0] =	ssyncadd.s32 @!p0 s1  }
0x7f: {  	[bflag:$0x3] =	sbarrier.arrive $0xFFFF  }
0x80: {  	_ =	shalt  }

// kernel: kernel.35.cloned.1.call-start
scs
__scs_entry_jumppad:
0x0: {  	(pc) =	sbr.rel $0x88, $3  }
0x1: {  	(tag) =	ssettag $0x0;
	lr =	simm.s32 $0x1  }
0x2: {  	[smem:$0x3F83] =	sst lr;
	_ =	strace $0xD0000000  }
0x3: {  	_ = 	snop  }
0x4: {  	_ = 	snop  }
0x5: {  	_ = 	snop  }
0x6: {  	_ = 	snop  }
0x7: {  	_ = 	snop  }
__scs_overlays_trampoline_lowered:
0x8: {  	[smem:$0x3F92] =	sst s0  }
0x9: {  	[smem:$0x3F93] =	sst s1  }
0xa: {  	[smem:$0x3F94] =	sst s2  }
0xb: {  	[smem:$0x3F95] =	sst s3  }
0xc: {  	[smem:$0x3F96] =	sst s4  }
0xd: {  	[smem:$0x3F97] =	sst s5  }
0xe: {  	[smem:$0x3F98] =	sst s6  }
0xf: {  	[smem:$0x3F99] =	sst s7  }
0x10: {  	[smem:$0x3F9A] =	sst s8  }
0x11: {  	[smem:$0x3F9B] =	sst s9;
	s0 =	simm.s32 @!p0 $0x0  }
0x12: {  	s1 =	sld [smem:$0x3F81];
	s0 =	simm.s32 @p0 $0x1  }
0x13: {  	[smem:$0x3F9C] =	sst s0;
	s0 =	simm.s32 @!p1 $0x0  }
0x14: {  	s2 =	sld [smem:$0x3F80];
	s0 =	simm.s32 @p1 $0x1  }
0x15: {  	[smem:$0x3F9D] =	sst s0;
	s0 =	simm.s32 @!p2 $0x0  }
0x16: {  	s3 =	sld [smem:$0x3FDB];
	s0 =	simm.s32 @p2 $0x1  }
0x17: {  	s4 =	simm.s32 $0x1BF5;
	[smem:$0x3F9F] =	sst s0  }
0x18: {  	s0 =	sld [smem:$0x3F82];
	_ =	swait.ge [sflag:s4], $0x0  }
0x19: {  	s7 =	sld [smem:$0x3F83]  }
0x1a: {  	s8 =	sadd.s32 $0xFFFFE003, lr  }
0x1b: {  	s9 =	sadd.s32 $0xFFFFFEF7, lr;
	s5 =	simm.s32 $0xFFFFFFFF;
	p2 =	slt.u32 s8, $0xFFFFF086  }
0x1c: {  	p1 =	slt.u32 s9, $0xF7A;
	s5 =	simm.s32 @!p2 $0x0  }
0x1d: {  	s5 =	simm.s32 @p1 $0x1;
	p0 =	seq.s32 s7, s2  }
0x1e: {  	s7 =	smul.u32 @!p0 $0xF7A, s2;
	p2 =	seq.s32 @!p0 s5, $0x0  }
0x1f: {  	s9 =	smul.u32 $0xF7A, s1;
	s8 =	simm.s32 @!p0 $0x1BF5;
	p2 =	por !p2, p0  }
0x20: {  	[sflag:s8] =	ssyncset.s32 @!p0 $0xFFFFF086;
	s6 =	sadd.s32 @!p0 s3, s7;
	s7 =	simm.s32 @!p0 $0x108  }
0x21: {  	s3 =	sadd.s32 s3, s9;
	s6 =	sadd.s32 @!p0 $0x88, s6;
	s7 =	simm.s32 @p2 $0x1082  }
0x22: {  	[simem:s7], [sflag:s8] =	dma.local @!p0 [hbm:s6], $0xF7A  }
0x23: {  	s9 =	sor.u32 $0xD0000000, s2;
	s6 =	simm.s32 $0x108;
	_ =	swait.ge @!p0 [sflag:s8], $0x0  }
0x24: {  	s3 =	sadd.s32 $0x88, s3;
	s6 =	simm.s32 @!p1 $0x1082;
	[sflag:s4] =	ssyncset.s32 $0xFFFFF086  }
0x25: {  	[simem:s6], [sflag:s4] =	dma.local [hbm:s3], $0xF7A  }
0x26: {  	[smem:$0x3F83] =	sst s1;
	(tag) =	ssettag s2;
	_ =	strace s9  }
0x27: {  	s1 =	sld [smem:$0x3F93]  }
0x28: {  	s2 =	sld [smem:$0x3F94]  }
0x29: {  	s4 =	sld [smem:$0x3F96]  }
0x2a: {  	p0 =	seq.s32 s5, $0x0;
	s5 =	sld [smem:$0x3F97]  }
0x2b: {  	s6 =	sld [smem:$0x3F98]  }
0x2c: {  	s7 =	sld [smem:$0x3F99]  }
0x2d: {  	s3 =	simm.s32 $0x108;
	s8 =	sld [smem:$0x3F9A]  }
0x2e: {  	s3 =	simm.s32 @!p0 $0x1082;
	s9 =	sld [smem:$0x3F9B]  }
0x2f: {  	lr =	sadd.s32 s0, s3;
	s0 =	sld [smem:$0x3F92]  }
0x30: {  	s3 =	sld [smem:$0x3F95]  }
0x31: {  	[smem:$0x3F9E] =	sst s10  }
0x32: {  	s10 =	sld [smem:$0x3F9C];
	_ =	sdelay $0x3  }
0x33: {  	p0 =	seq.s32 s10, $0x1;
	s10 =	sld [smem:$0x3F9E];
	_ =	sdelay $0x3  }
0x34: {  	[smem:$0x3F9E] =	sst s10  }
0x35: {  	s10 =	sld [smem:$0x3F9D];
	_ =	sdelay $0x3  }
0x36: {  	p1 =	seq.s32 s10, $0x1;
	s10 =	sld [smem:$0x3F9E];
	_ =	sdelay $0x3  }
0x37: {  	[smem:$0x3F9E] =	sst s10  }
0x38: {  	s10 =	sld [smem:$0x3F9F]  }
0x39: {  	_ = 	snop;
	(pc) =	sbr.ind lr, $3  }
0x3a: {  	_ = 	snop  }
0x3b: {  	_ = 	snop  }
0x3c: {  	p2 =	seq.s32 s10, $0x1;
	s10 =	sld [smem:$0x3F9E]  }
0x3d: {  	_ =	shalt  }
0x3e: {  	_ =	shalt  }
0x3f: {  	_ =	shalt  }
0x40: {  	_ =	shalt  }
0x41: {  	_ =	shalt  }
0x42: {  	_ =	shalt  }
0x43: {  	_ =	shalt  }
0x44: {  	_ =	shalt  }
0x45: {  	_ =	shalt  }
0x46: {  	_ =	shalt  }
0x47: {  	_ =	shalt  }
0x48: {  	_ =	shalt  }
0x49: {  	_ =	shalt  }
0x4a: {  	_ =	shalt  }
0x4b: {  	_ =	shalt  }
0x4c: {  	_ =	shalt  }
0x4d: {  	_ =	shalt  }
0x4e: {  	_ =	shalt  }
0x4f: {  	_ =	shalt  }
0x50: {  	_ =	shalt  }
0x51: {  	_ =	shalt  }
0x52: {  	_ =	shalt  }
0x53: {  	_ =	shalt  }
0x54: {  	_ =	shalt  }
0x55: {  	_ =	shalt  }
0x56: {  	_ =	shalt  }
0x57: {  	_ =	shalt  }
0x58: {  	_ =	shalt  }
0x59: {  	_ =	shalt  }
0x5a: {  	_ =	shalt  }
0x5b: {  	_ =	shalt  }
0x5c: {  	_ =	shalt  }
0x5d: {  	_ =	shalt  }
0x5e: {  	_ =	shalt  }
0x5f: {  	_ =	shalt  }
0x60: {  	_ =	shalt  }
0x61: {  	_ =	shalt  }
0x62: {  	_ =	shalt  }
0x63: {  	_ =	shalt  }
0x64: {  	_ =	shalt  }
0x65: {  	_ =	shalt  }
0x66: {  	_ =	shalt  }
0x67: {  	_ =	shalt  }
0x68: {  	_ =	shalt  }
0x69: {  	_ =	shalt  }
0x6a: {  	_ =	shalt  }
0x6b: {  	_ =	shalt  }
0x6c: {  	_ =	shalt  }
0x6d: {  	_ =	shalt  }
0x6e: {  	_ =	shalt  }
0x6f: {  	_ =	shalt  }
0x70: {  	_ =	shalt  }
0x71: {  	_ =	shalt  }
0x72: {  	_ =	shalt  }
0x73: {  	_ =	shalt  }
0x74: {  	_ =	shalt  }
0x75: {  	_ =	shalt  }
0x76: {  	_ =	shalt  }
0x77: {  	_ =	shalt  }
0x78: {  	_ =	shalt  }
0x79: {  	_ =	shalt  }
0x7a: {  	_ =	shalt  }
0x7b: {  	_ =	shalt  }
0x7c: {  	_ =	shalt  }
0x7d: {  	_ =	shalt  }
0x7e: {  	_ =	shalt  }
0x7f: {  	_ =	shalt  }
0x80: {  	_ =	shalt  }
0x81: {  	_ =	shalt  }
0x82: {  	_ =	shalt  }
0x83: {  	_ =	shalt  }
0x84: {  	_ =	shalt  }
0x85: {  	_ =	shalt  }
0x86: {  	_ =	shalt  }
0x87: {  	_ =	shalt  }
.Lfunc_end0:
.L_simem_size_0:
called_computation.2_lowered:
.L_overlay_start_0:
0x88: {  	s2 =	sld [smem:$0x3FD9]  }
0x89: {  	s3 =	sld [smem:$0x3FFE];
	_ =	sdelay $0x1  }
0x8a: {  	s1 =	srdreg.scid  }
0x8b: {  	s0 =	sand.u32 $0x1, s1  }
0x8c: {  	s17 =	sshll.u32 s0, $0xA;
	s2 =	sadd.s32 s3, s2  }
0x8d: {  	s2 =	sadd.s32 s2, s17  }
0x8e: {  	[smem:$0x3FAA] =	sst s2  }
0x8f: {  	_ = 	snop  }
0x90: {  	(tm) =	ssettm $0x1  }
0x91: {  	s18 =	sld [smem:$0x3FFB];
	_ =	sdelay $0x3  }
0x92: {  	_ =	strace s18  }
0x93: {  	s2 =	sld [smem:$0x3FFC];
	_ =	sdelay $0x3  }
0x94: {  	_ =	strace s2  }
0x95: {  	s2 =	sld [smem:$0x3FFD];
	_ =	sdelay $0x3  }
0x96: {  	_ =	strace s2  }
0x97: {  	_ =	strace $0x8FFFFFFF  }
0x98: {  	s19 =	sld [smem:$0x3FDB];
	_ =	sdelay $0x1  }
0x99: {  	s20 =	simm.s32 $_scs_section_size  }
0x9a: {  	s4 =	simm.s32 $_size__tile_overlayer_lowered;
	s5 =	simm.s32 $_tile_overlayer_lowered  }
0x9b: {  	s6 =	simm.s32 $0x1BFF;
	s21 =	sshll.u32 s5, $0x1;
	s3 =	sadd.s32 s20, s19  }
0x9c: {  	s22 =	simm.s32 $0x0;
	s4 =	sshll.u32 s4, $0x1;
	s5 =	sadd.s32 s21, s3  }
0x9d: {  	[timem:s22], [sflag:s6] =	dma.local [hbm:s5], s4  }
0x9e: {  	_ =	swait.ge [sflag:s6], s4  }
0x9f: {  	s4 =	ssub.s32 $0x0, s4;
	[sflag:s6] =	ssyncset.done $0x0  }
0xa0: {  	[sflag:s6] =	ssyncadd.s32 s4;
	_ =	sdelay $0x1  }
0xa1: {  	s23 =	simm.s32 $0x1B8B  }
0xa2: {  	_ =	swait.ge [sflag:s23], $0x1  }
0xa3: {  	[sflag:s23] =	ssyncset.done $0x0  }
0xa4: {  	[sflag:s23] =	ssyncadd.s32 $0xFFFFFFFF  }
0xa5: {  	s4 =	sld [smem:$0x0]  }
0xa6: {  	s5 =	sand.u32 $0xFFFFFFFE, s1  }
0xa7: {  	p0 =	sne.s32 s1, s5  }
0xa8: {  	s5 =	sshll.u32 @p0 s5, $0xE  }
0xa9: {  	s5 =	sadd.s32 @p0 $0x11B8D, s5;
	s6 =	sshll.u32 @p0 s4, $0x11  }
0xaa: {  	s5 =	sor.u32 @p0 s6, s5  }
0xab: {  	[sflag:s5] =	ssyncadd.remote.s32 @p0 $0x1;
	_ =	sdelay $0x1  }
0xac: {  	s5 =	simm.s32 @p0 $0x1B8D  }
0xad: {  	_ =	swait.eq @p0 [sflag:s5], $0x1  }
0xae: {  	[sflag:s5] =	ssyncadd.s32 @p0 $0xFFFFFFFF  }
0xaf: {  	s6 =	sshll.u32 @!p0 s1, $0xE  }
0xb0: {  	s6 =	sor.u32 @!p0 $0x4000, s6;
	s5 =	simm.s32 @!p0 $0x1B8D  }
0xb1: {  	s4 =	sshll.u32 @!p0 s4, $0x11;
	s6 =	sadd.s32 @!p0 $0x11B8D, s6;
	_ =	swait.eq @!p0 [sflag:s5], $0x1  }
0xb2: {  	s4 =	sor.u32 @!p0 s4, s6;
	[sflag:s5] =	ssyncadd.s32 @!p0 $0xFFFFFFFF  }
0xb3: {  	s25 =	simm.s32 $0x1B8E;
	s24 =	sld [smem:$0x3FFE];
	[sflag:s4] =	ssyncadd.remote.s32 @!p0 $0x1  }
0xb4: {  	s26 =	simm.s32 $execute0_lowered;
	[smem:$0x3FD2] =	sst s25  }
0xb5: {  	s5 =	sshll.u32 s26, $0x1;
	_ =	strace $0x80000055;
	[dreg:$0x1] =	wrdreg $0xFFFFFFFF  }
0xb6: {  	s28 =	simm.s32 $_size_execute0_lowered;
	s3 =	sadd.s32 s3, s5;
	[dreg:$0x0] =	wrdreg $0x0  }
0xb7: {  	s5 =	sshll.u32 s28, $0x1;
	[dreg:$0x2] =	wrdreg s3  }
0xb8: {  	[dreg:$0x3] =	wrdreg s5  }
0xb9: {  	[dreg:$0x4] =	wrdreg $0xC0  }
0xba: {  	_ =	task [dreg:s22], $0x5FFFF  }
0xbb: {  	[dreg:$0x1] =	wrdreg $0xFFFFFFFF  }
0xbc: {  	[dreg:$0x0] =	wrdreg $0x60  }
0xbd: {  	[dreg:$0x2] =	wrdreg s24  }
0xbe: {  	[dreg:$0x3] =	wrdreg $0xB0000  }
0xbf: {  	[dreg:$0x4] =	wrdreg $0x9  }
0xc0: {  	_ =	task.clear_ibuf [dreg:s22], $0x5FFFF;
	_ =	strace $0x90000055  }
0xc1: {  	s29 =	simm.s32 $0x9;
	_ =	strace $0x80000057  }
0xc2: {  	_ =	swait.ge [sflag:s29], $0x1  }
0xc3: {  	[sflag:s29] =	ssyncadd.s32 $0xFFFFFFFF  }
0xc4: {  	_ =	strace $0x90000057  }
0xc5: {  	_ =	sfence  }
0xc6: {  	s30 =	sld [smem:$0x0];
	_ =	sdelay $0x2  }
0xc7: {  	s31 =	sshll.u32 s1, $0xD;
	s1 =	sshrl.u32 s1, $0x2  }
0xc8: {  	s4 =	sand.u32 $0x4000, s31;
	s1 =	sadd.s32 s1, s30  }
0xc9: {  	s0 =	sor.u32 s4, s0;
	s1 =	sshll.u32 s1, $0x11  }
0xca: {  	s0 =	sor.u32 s1, s0  }
0xcb: {  	s0 =	sadd.s32 $0x8F2B, s0  }
0xcc: {  	[sflag:s0] =	ssyncadd.remote.s32 $0x1  }
0xcd: {  	_ =	sfence.sel $0xFFFF  }
0xce: {  	[dreg:$0x0] =	wrdreg $0xFFFFFFFF;
	(pc) =	sbr.abs _section_cstart, $3  }
0xcf: {  	[dreg:$0x1] =	wrdreg $0xFFFFFFFF  }
0xd0: {  	_ =	task.clear_ibuf [dreg:s22], $0x2FFFF;
	_ =	strace $0x9FFFFFFF  }
0xd1: {  	(tm) =	ssettm $0x7FFFFFFF  }
tec
execute0_lowered:
.L_overlay_start_1:
0x0: {  	(tag) =	ssettag $0x1  }
0x1: {  	s5 =	rddreg [dreg:$0x0]  }
0x2: {  	s2 =	rddreg [dreg:$0x1];
	s3 =	srdreg.scid  }
0x3: {  	s0 =	rddreg [dreg:$0x2];
	s1 =	stileid.u32  }
0x4: {  	s19 =	simm.s32 $0x9000;
	s20 =	simm.s32 $0x2;
	s21 =	simm.s32 $0x2800  }
0x5: {  	s22 =	simm.s32 $0x80;
	s23 =	simm.s32 $0x5000;
	s8 =	smul.u32 $0x14000, s1  }
0x6: {  	s24 =	simm.s32 $0x1;
	s6 =	sand.u32 $0x1, s3;
	s29 =	smul.u32 $0x50000, s1  }
0x7: {  	s3 =	simm.s32 $0x0;
	s4 =	sshll.u32 s1, $0x1;
	s7 =	smul.u32 $0x140000, s6  }
0x8: {  	[smem:$0x7FF] =	sst s3;
	s4 =	sor.u32 s6, s4;
	s6 =	ssub.s32 $0x2, s6  }
0x9: {  	_ =	strace $0x80000056;
	s9 =	smul.u32 $0x500, s4;
	s4 =	sadd.s32 $0xA8E00, s5  }
0xa: {  	s30 =	sshrl.u32 s6, $0x1;
	s31 =	sshrl.u32 s29, $0x2;
	s7 =	sadd.s32 s8, s7  }
0xb: {  	s11 =	ssub.s32 s6, s30;
	s9 =	sadd.s32 s9, s5;
	s7 =	sshrl.u32 s7, $0x3  }
0xc: {  	s10 =	sadd.s32 s7, s5;
	s5 =	sadd.s32 s31, s2;
	s6 =	sadd.s32 $0x94E00, s9  }
0xd: {  	s7 =	sadd.s32 $0x9EE00, s9;
	s9 =	smax.u32 s11, $0x1;
	s8 =	sadd.s32 $0xD0E00, s10  }
0xe: {  	s10 =	sadd.s32 $0x2000, s5;
	s11 =	sadd.s32 $0x4000, s5;
	s12 =	sadd.s32 $0x6000, s5  }
0xf: {  	s13 =	sadd.s32 $0x8000, s5;
	s14 =	sadd.s32 $0xA000, s5;
	s15 =	sadd.s32 $0xC000, s5  }
0x10: {  	v0 =	vimm.f32 $0.0e+00;
	s16 =	sadd.s32 $0xE000, s5;
	s17 =	sadd.s32 $0x10000, s5;
	s18 =	sadd.s32 $0x12000, s5  }
.LBB2_1:
0x11: {  	s25 =	simm.s32 $0x0;
	s26 =	simm.s32 $0x200  }
.LBB2_2:
0x12: {  	p0 =	sne.s32 s26, $0x7E00;
	[tilespmem:s25+$0x9070] =	vst v0  }
0x13: {  	[tilespmem:s25+$0x9000] =	vst v0  }
0x14: {  	[tilespmem:s25+$0x9010] =	vst v0  }
.Ltmp0:
0x15: {  	[tilespmem:s25+$0x9020] =	vst v0;
	(pc) =	sbr.rel @p0 .LBB2_2-.Ltmp0, $4  }
0x16: {  	[tilespmem:s25+$0x9030] =	vst v0  }
0x17: {  	[tilespmem:s25+$0x9040] =	vst v0  }
0x18: {  	[tilespmem:s25+$0x9050] =	vst v0  }
0x19: {  	[tilespmem:s25+$0x9060] =	vst v0;
	s25 =	sshra.s32 s26, $0x2;
	s26 =	sadd.s32 $0x200, s26  }
0x1a: {  	[tilespmem:s25+$0x9070] =	vst v0  }
0x1b: {  	[tilespmem:s25+$0x9000] =	vst v0  }
0x1c: {  	[tilespmem:s25+$0x9010] =	vst v0  }
0x1d: {  	[tilespmem:s25+$0x9020] =	vst v0  }
0x1e: {  	[tilespmem:s25+$0x9030] =	vst v0  }
0x1f: {  	[tilespmem:s25+$0x9040] =	vst v0  }
0x20: {  	[tilespmem:s25+$0x9050] =	vst v0  }
0x21: {  	[tilespmem:s25+$0x9060] =	vst v0  }
0x22: {  	[spmem:s5] =	stream.linear.scatter [tilespmem:s19], [sflag:$0x2], $0x2000, $0x38;
	[tilespmem:$0x1F000] =	vst v63  }
0x23: {  	_ =	swait.ge [sflag:s20], $0x2000  }
0x24: {  	[sflag:s20] =	ssyncset.done $0x0  }
0x25: {  	[sflag:s20] =	ssyncadd.s32 $0xFFFFE000  }
0x26: {  	[spmem:s10] =	stream.linear.scatter [tilespmem:s19], [sflag:$0x2], $0x2000, $0x38;
	[tilespmem:$0x1F000] =	vst v63  }
0x27: {  	_ =	swait.ge [sflag:s20], $0x2000  }
0x28: {  	[sflag:s20] =	ssyncset.done $0x0  }
0x29: {  	[sflag:s20] =	ssyncadd.s32 $0xFFFFE000  }
0x2a: {  	[spmem:s11] =	stream.linear.scatter [tilespmem:s19], [sflag:$0x2], $0x2000, $0x38;
	[tilespmem:$0x1F000] =	vst v63  }
0x2b: {  	_ =	swait.ge [sflag:s20], $0x2000  }
0x2c: {  	[sflag:s20] =	ssyncset.done $0x0  }
0x2d: {  	[sflag:s20] =	ssyncadd.s32 $0xFFFFE000  }
0x2e: {  	[spmem:s12] =	stream.linear.scatter [tilespmem:s19], [sflag:$0x2], $0x2000, $0x38;
	[tilespmem:$0x1F000] =	vst v63  }
0x2f: {  	_ =	swait.ge [sflag:s20], $0x2000  }
0x30: {  	[sflag:s20] =	ssyncset.done $0x0  }
0x31: {  	[sflag:s20] =	ssyncadd.s32 $0xFFFFE000  }
0x32: {  	[spmem:s13] =	stream.linear.scatter [tilespmem:s19], [sflag:$0x2], $0x2000, $0x38;
	[tilespmem:$0x1F000] =	vst v63  }
0x33: {  	_ =	swait.ge [sflag:s20], $0x2000  }
0x34: {  	[sflag:s20] =	ssyncset.done $0x0  }
0x35: {  	[sflag:s20] =	ssyncadd.s32 $0xFFFFE000  }
0x36: {  	[spmem:s14] =	stream.linear.scatter [tilespmem:s19], [sflag:$0x2], $0x2000, $0x38;
	[tilespmem:$0x1F000] =	vst v63  }
0x37: {  	_ =	swait.ge [sflag:s20], $0x2000  }
0x38: {  	[sflag:s20] =	ssyncset.done $0x0  }
0x39: {  	[sflag:s20] =	ssyncadd.s32 $0xFFFFE000  }
0x3a: {  	[spmem:s15] =	stream.linear.scatter [tilespmem:s19], [sflag:$0x2], $0x2000, $0x38;
	[tilespmem:$0x1F000] =	vst v63  }
0x3b: {  	_ =	swait.ge [sflag:s20], $0x2000  }
0x3c: {  	[sflag:s20] =	ssyncset.done $0x0  }
0x3d: {  	[sflag:s20] =	ssyncadd.s32 $0xFFFFE000  }
0x3e: {  	[spmem:s16] =	stream.linear.scatter [tilespmem:s19], [sflag:$0x2], $0x2000, $0x38;
	[tilespmem:$0x1F000] =	vst v63  }
0x3f: {  	_ =	swait.ge [sflag:s20], $0x2000  }
0x40: {  	[sflag:s20] =	ssyncset.done $0x0  }
0x41: {  	[sflag:s20] =	ssyncadd.s32 $0xFFFFE000  }
0x42: {  	[spmem:s17] =	stream.linear.scatter [tilespmem:s19], [sflag:$0x2], $0x2000, $0x38;
	[tilespmem:$0x1F000] =	vst v63  }
0x43: {  	_ =	swait.ge [sflag:s20], $0x2000  }
0x44: {  	[sflag:s20] =	ssyncset.done $0x0  }
0x45: {  	[sflag:s20] =	ssyncadd.s32 $0xFFFFE000  }
0x46: {  	[spmem:s18] =	stream.linear.scatter [tilespmem:s19], [sflag:$0x2], $0x2000, $0x38;
	[tilespmem:$0x1F000] =	vst v63  }
0x47: {  	_ =	swait.ge [sflag:s20], $0x2000  }
0x48: {  	[sflag:s20] =	ssyncset.done $0x0  }
0x49: {  	[sflag:s20] =	ssyncadd.s32 $0xFFFFE000  }
0x4a: {  	s29 =	simm.s32 $0x0;
	[bflag:$0x0] =	sbarrier.arrive $0xFFFF  }
0x4b: {  	[tilespmem:s29], [sflag:$0x2] =	stream.linear.gather [hbm4b:s6+s29], $0x2780, $0x38;
	[tilespmem:$0x1F000] =	vst v63  }
0x4c: {  	_ =	swait.ge [sflag:s20], $0x2780  }
0x4d: {  	[sflag:s20] =	ssyncset.done $0x0  }
0x4e: {  	[sflag:s20] =	ssyncadd.s32 $0xFFFFD880  }
0x4f: {  	[tilespmem:s21], [sflag:$0x2] =	stream.linear.gather [hbm4b:s7+s29], $0x2780, $0x38;
	[tilespmem:$0x1F000] =	vst v63  }
0x50: {  	_ =	swait.ge [sflag:s20], $0x2780  }
0x51: {  	[sflag:s20] =	ssyncset.done $0x0  }
0x52: {  	s30 =	simm.s32 $0x0;
	[sflag:s20] =	ssyncadd.s32 $0xFFFFD880  }
0x53: {  	[tilespmem:s23], [sflag:$0x1] =	stream.indirect.gather [hbm4b:s4+s22], $0x80, s30, s22, $0xb8;
	[tilespmem:$0x1F000] =	vst v63  }
0x54: {  	_ =	swait.ge [sflag:s24], $0x4000  }
0x55: {  	[sflag:s24] =	ssyncset.done $0x0  }
0x56: {  	s31 =	simm.s32 $0x2800;
	[sflag:s24] =	ssyncadd.s32 $0xFFFFC000  }
0x57: {  	[spmem:s2] =	stream.indirect.scatter.add.f32 [tilespmem:s23], [sflag:$0x2], $0x80, s31, s22, $0xb8;
	[tilespmem:$0x1F000] =	vst v63  }
0x58: {  	_ =	swait.ge [sflag:s20], $0x4000  }
0x59: {  	s25 =	simm.s32 $0x200;
	s26 =	simm.s32 $0x400;
	[sflag:s20] =	ssyncset.done $0x0  }
.LBB2_4:
0x5a: {  	s28 =	sshra.s32 s25, $0x2  }
0x5b: {  	[sflag:s20] =	ssyncadd.s32 $0xFFFFC000;
	s25 =	smov.u32 s26;
	s29 =	sadd.s32 $0x200, s26  }
0x5c: {  	[tilespmem:s23], [sflag:$0x1] =	stream.indirect.gather [hbm4b:s4+s22], $0x80, s28, s22, $0xb8;
	[tilespmem:$0x1F000] =	vst v63  }
0x5d: {  	p0 =	sne.s32 s26, $0x9C00;
	_ =	swait.ge [sflag:s24], $0x4000  }
.Ltmp1:
0x5e: {  	[sflag:s24] =	ssyncset.done $0x0;
	(pc) =	sbr.rel @p0 .LBB2_4-.Ltmp1, $4  }
0x5f: {  	s26 =	sadd.s32 $0x2800, s28;
	[sflag:s24] =	ssyncadd.s32 $0xFFFFC000  }
0x60: {  	[spmem:s2] =	stream.indirect.scatter.add.f32 [tilespmem:s23], [sflag:$0x2], $0x80, s26, s22, $0xb8;
	[tilespmem:$0x1F000] =	vst v63  }
0x61: {  	_ =	swait.ge [sflag:s20], $0x4000  }
0x62: {  	s26 =	smov.u32 s29;
	[sflag:s20] =	ssyncset.done $0x0  }
0x63: {  	s25 =	sshra.s32 s25, $0x2;
	[sflag:s20] =	ssyncadd.s32 $0xFFFFC000  }
0x64: {  	[tilespmem:s23], [sflag:$0x1] =	stream.indirect.gather [hbm4b:s4+s22], $0x80, s25, s22, $0xb8;
	[tilespmem:$0x1F000] =	vst v63  }
0x65: {  	_ =	swait.ge [sflag:s24], $0x4000  }
0x66: {  	[sflag:s24] =	ssyncset.done $0x0  }
0x67: {  	s25 =	sadd.s32 $0x2800, s25;
	[sflag:s24] =	ssyncadd.s32 $0xFFFFC000  }
0x68: {  	[spmem:s2] =	stream.indirect.scatter.add.f32 [tilespmem:s23], [sflag:$0x2], $0x80, s25, s22, $0xb8;
	[tilespmem:$0x1F000] =	vst v63  }
0x69: {  	_ =	swait.ge [sflag:s20], $0x4000  }
0x6a: {  	s31 =	sshll.u32 s1, $0x6;
	s3 =	sadd.s32 $0x1, s3;
	[sflag:s20] =	ssyncset.done $0x0  }
0x6b: {  	s26 =	sshrl.u32 s5, $0x3;
	p0 =	sne.s32 s3, s9;
	[sflag:s20] =	ssyncadd.s32 $0xFFFFC000  }
.Ltmp2:
0x6c: {  	s25 =	sor.u32 $0x1C02, s31;
	[bflag:$0x0] =	sbarrier.arrive $0xFFFF;
	(pc) =	sbr.rel @p0 .LBB2_1-.Ltmp2, $4  }
0x6d: {  	[hbm:s8], [sflag:s25] =	dma.local [spmem:s26], $0x2800  }
0x6e: {  	_ =	swait.ge [sflag:s20], $0x2800  }
0x6f: {  	[sflag:s20] =	ssyncset.done $0x0  }
0x70: {  	[sflag:s20] =	ssyncadd.s32 $0xFFFFD800  }
0x71: {  	_ =	sfence.sel $0x180000  }
0x72: {  	[bflag:$0x0] =	sbarrier.arrive $0xFFFF  }
0x73: {  	p0 =	sne.s32 s1, $0x0;
	_ =	strace $0x90000056  }
0x74: {  	s0 =	sadd.s32 @!p0 $0x100000, s0;
	[bflag:$0x2] =	sbarrier.arrive $0xFFFF  }
0x75: {  	[sflag:s0] =	ssyncadd.tile.s32 @!p0 $0x1;
	_ =	shalt  }
.Lfunc_end2:
_tile_overlayer_lowered:
.L_overlay_start_2:
0x76: {  	(tag) =	ssettag $0x2  }
0x77: {  	s0 =	rddreg [dreg:$0x0];
	s2 =	stileid.u32  }
0x78: {  	s1 =	rddreg [dreg:$0x1];
	p0 =	sne.s32 s2, $0x0  }
0x79: {  	s3 =	rddreg [dreg:$0x2];
	[bflag:$0x3] =	sbarrier.arrive $0xFFFF;
	s2 =	simm.s32 @!p0 $0x1C02  }
0x7a: {  	[timem:s3], [sflag:s2] =	dma.local @!p0 [hbm:s0], s1  }
0x7b: {  	s0 =	simm.s32 @!p0 $0x2  }
0x7c: {  	_ =	swait.ge @!p0 [sflag:s0], s1  }
0x7d: {  	s1 =	ssub.s32 @!p0 $0x0, s1;
	[sflag:s0] =	ssyncset.done @!p0 $0x0  }
0x7e: {  	[sflag:s0] =	ssyncadd.s32 @!p0 s1  }
0x7f: {  	[bflag:$0x3] =	sbarrier.arrive $0xFFFF  }
0x80: {  	_ =	shalt  }

// kernel: kernel.38.cloned.1.call-start
scs
__scs_entry_jumppad:
0x0: {  	(pc) =	sbr.rel $0x88, $3  }
0x1: {  	(tag) =	ssettag $0x0;
	lr =	simm.s32 $0x1  }
0x2: {  	[smem:$0x3F83] =	sst lr;
	_ =	strace $0xD0000000  }
0x3: {  	_ = 	snop  }
0x4: {  	_ = 	snop  }
0x5: {  	_ = 	snop  }
0x6: {  	_ = 	snop  }
0x7: {  	_ = 	snop  }
__scs_overlays_trampoline_lowered:
0x8: {  	[smem:$0x3F92] =	sst s0  }
0x9: {  	[smem:$0x3F93] =	sst s1  }
0xa: {  	[smem:$0x3F94] =	sst s2  }
0xb: {  	[smem:$0x3F95] =	sst s3  }
0xc: {  	[smem:$0x3F96] =	sst s4  }
0xd: {  	[smem:$0x3F97] =	sst s5  }
0xe: {  	[smem:$0x3F98] =	sst s6  }
0xf: {  	[smem:$0x3F99] =	sst s7  }
0x10: {  	[smem:$0x3F9A] =	sst s8  }
0x11: {  	[smem:$0x3F9B] =	sst s9;
	s0 =	simm.s32 @!p0 $0x0  }
0x12: {  	s1 =	sld [smem:$0x3F81];
	s0 =	simm.s32 @p0 $0x1  }
0x13: {  	[smem:$0x3F9C] =	sst s0;
	s0 =	simm.s32 @!p1 $0x0  }
0x14: {  	s2 =	sld [smem:$0x3F80];
	s0 =	simm.s32 @p1 $0x1  }
0x15: {  	[smem:$0x3F9D] =	sst s0;
	s0 =	simm.s32 @!p2 $0x0  }
0x16: {  	s3 =	sld [smem:$0x3FDB];
	s0 =	simm.s32 @p2 $0x1  }
0x17: {  	s4 =	simm.s32 $0x1BF5;
	[smem:$0x3F9F] =	sst s0  }
0x18: {  	s0 =	sld [smem:$0x3F82];
	_ =	swait.ge [sflag:s4], $0x0  }
0x19: {  	s7 =	sld [smem:$0x3F83]  }
0x1a: {  	s8 =	sadd.s32 $0xFFFFE003, lr  }
0x1b: {  	s9 =	sadd.s32 $0xFFFFFEF7, lr;
	s5 =	simm.s32 $0xFFFFFFFF;
	p2 =	slt.u32 s8, $0xFFFFF086  }
0x1c: {  	p1 =	slt.u32 s9, $0xF7A;
	s5 =	simm.s32 @!p2 $0x0  }
0x1d: {  	s5 =	simm.s32 @p1 $0x1;
	p0 =	seq.s32 s7, s2  }
0x1e: {  	s7 =	smul.u32 @!p0 $0xF7A, s2;
	p2 =	seq.s32 @!p0 s5, $0x0  }
0x1f: {  	s9 =	smul.u32 $0xF7A, s1;
	s8 =	simm.s32 @!p0 $0x1BF5;
	p2 =	por !p2, p0  }
0x20: {  	[sflag:s8] =	ssyncset.s32 @!p0 $0xFFFFF086;
	s6 =	sadd.s32 @!p0 s3, s7;
	s7 =	simm.s32 @!p0 $0x108  }
0x21: {  	s3 =	sadd.s32 s3, s9;
	s6 =	sadd.s32 @!p0 $0x88, s6;
	s7 =	simm.s32 @p2 $0x1082  }
0x22: {  	[simem:s7], [sflag:s8] =	dma.local @!p0 [hbm:s6], $0xF7A  }
0x23: {  	s9 =	sor.u32 $0xD0000000, s2;
	s6 =	simm.s32 $0x108;
	_ =	swait.ge @!p0 [sflag:s8], $0x0  }
0x24: {  	s3 =	sadd.s32 $0x88, s3;
	s6 =	simm.s32 @!p1 $0x1082;
	[sflag:s4] =	ssyncset.s32 $0xFFFFF086  }
0x25: {  	[simem:s6], [sflag:s4] =	dma.local [hbm:s3], $0xF7A  }
0x26: {  	[smem:$0x3F83] =	sst s1;
	(tag) =	ssettag s2;
	_ =	strace s9  }
0x27: {  	s1 =	sld [smem:$0x3F93]  }
0x28: {  	s2 =	sld [smem:$0x3F94]  }
0x29: {  	s4 =	sld [smem:$0x3F96]  }
0x2a: {  	p0 =	seq.s32 s5, $0x0;
	s5 =	sld [smem:$0x3F97]  }
0x2b: {  	s6 =	sld [smem:$0x3F98]  }
0x2c: {  	s7 =	sld [smem:$0x3F99]  }
0x2d: {  	s3 =	simm.s32 $0x108;
	s8 =	sld [smem:$0x3F9A]  }
0x2e: {  	s3 =	simm.s32 @!p0 $0x1082;
	s9 =	sld [smem:$0x3F9B]  }
0x2f: {  	lr =	sadd.s32 s0, s3;
	s0 =	sld [smem:$0x3F92]  }
0x30: {  	s3 =	sld [smem:$0x3F95]  }
0x31: {  	[smem:$0x3F9E] =	sst s10  }
0x32: {  	s10 =	sld [smem:$0x3F9C];
	_ =	sdelay $0x3  }
0x33: {  	p0 =	seq.s32 s10, $0x1;
	s10 =	sld [smem:$0x3F9E];
	_ =	sdelay $0x3  }
0x34: {  	[smem:$0x3F9E] =	sst s10  }
0x35: {  	s10 =	sld [smem:$0x3F9D];
	_ =	sdelay $0x3  }
0x36: {  	p1 =	seq.s32 s10, $0x1;
	s10 =	sld [smem:$0x3F9E];
	_ =	sdelay $0x3  }
0x37: {  	[smem:$0x3F9E] =	sst s10  }
0x38: {  	s10 =	sld [smem:$0x3F9F]  }
0x39: {  	_ = 	snop;
	(pc) =	sbr.ind lr, $3  }
0x3a: {  	_ = 	snop  }
0x3b: {  	_ = 	snop  }
0x3c: {  	p2 =	seq.s32 s10, $0x1;
	s10 =	sld [smem:$0x3F9E]  }
0x3d: {  	_ =	shalt  }
0x3e: {  	_ =	shalt  }
0x3f: {  	_ =	shalt  }
0x40: {  	_ =	shalt  }
0x41: {  	_ =	shalt  }
0x42: {  	_ =	shalt  }
0x43: {  	_ =	shalt  }
0x44: {  	_ =	shalt  }
0x45: {  	_ =	shalt  }
0x46: {  	_ =	shalt  }
0x47: {  	_ =	shalt  }
0x48: {  	_ =	shalt  }
0x49: {  	_ =	shalt  }
0x4a: {  	_ =	shalt  }
0x4b: {  	_ =	shalt  }
0x4c: {  	_ =	shalt  }
0x4d: {  	_ =	shalt  }
0x4e: {  	_ =	shalt  }
0x4f: {  	_ =	shalt  }
0x50: {  	_ =	shalt  }
0x51: {  	_ =	shalt  }
0x52: {  	_ =	shalt  }
0x53: {  	_ =	shalt  }
0x54: {  	_ =	shalt  }
0x55: {  	_ =	shalt  }
0x56: {  	_ =	shalt  }
0x57: {  	_ =	shalt  }
0x58: {  	_ =	shalt  }
0x59: {  	_ =	shalt  }
0x5a: {  	_ =	shalt  }
0x5b: {  	_ =	shalt  }
0x5c: {  	_ =	shalt  }
0x5d: {  	_ =	shalt  }
0x5e: {  	_ =	shalt  }
0x5f: {  	_ =	shalt  }
0x60: {  	_ =	shalt  }
0x61: {  	_ =	shalt  }
0x62: {  	_ =	shalt  }
0x63: {  	_ =	shalt  }
0x64: {  	_ =	shalt  }
0x65: {  	_ =	shalt  }
0x66: {  	_ =	shalt  }
0x67: {  	_ =	shalt  }
0x68: {  	_ =	shalt  }
0x69: {  	_ =	shalt  }
0x6a: {  	_ =	shalt  }
0x6b: {  	_ =	shalt  }
0x6c: {  	_ =	shalt  }
0x6d: {  	_ =	shalt  }
0x6e: {  	_ =	shalt  }
0x6f: {  	_ =	shalt  }
0x70: {  	_ =	shalt  }
0x71: {  	_ =	shalt  }
0x72: {  	_ =	shalt  }
0x73: {  	_ =	shalt  }
0x74: {  	_ =	shalt  }
0x75: {  	_ =	shalt  }
0x76: {  	_ =	shalt  }
0x77: {  	_ =	shalt  }
0x78: {  	_ =	shalt  }
0x79: {  	_ =	shalt  }
0x7a: {  	_ =	shalt  }
0x7b: {  	_ =	shalt  }
0x7c: {  	_ =	shalt  }
0x7d: {  	_ =	shalt  }
0x7e: {  	_ =	shalt  }
0x7f: {  	_ =	shalt  }
0x80: {  	_ =	shalt  }
0x81: {  	_ =	shalt  }
0x82: {  	_ =	shalt  }
0x83: {  	_ =	shalt  }
0x84: {  	_ =	shalt  }
0x85: {  	_ =	shalt  }
0x86: {  	_ =	shalt  }
0x87: {  	_ =	shalt  }
.Lfunc_end0:
.L_simem_size_0:
called_computation.3_lowered:
.L_overlay_start_0:
0x88: {  	s2 =	sld [smem:$0x3FD9]  }
0x89: {  	s3 =	sld [smem:$0x3FFE];
	_ =	sdelay $0x1  }
0x8a: {  	s1 =	srdreg.scid  }
0x8b: {  	s0 =	sand.u32 $0x1, s1  }
0x8c: {  	s16 =	sshll.u32 s0, $0xA;
	s2 =	sadd.s32 s3, s2  }
0x8d: {  	s2 =	sadd.s32 s2, s16  }
0x8e: {  	[smem:$0x3FAA] =	sst s2  }
0x8f: {  	_ = 	snop  }
0x90: {  	(tm) =	ssettm $0x1  }
0x91: {  	s17 =	sld [smem:$0x3FFB];
	_ =	sdelay $0x3  }
0x92: {  	_ =	strace s17  }
0x93: {  	s2 =	sld [smem:$0x3FFC];
	_ =	sdelay $0x3  }
0x94: {  	_ =	strace s2  }
0x95: {  	s2 =	sld [smem:$0x3FFD];
	_ =	sdelay $0x3  }
0x96: {  	_ =	strace s2  }
0x97: {  	_ =	strace $0x8FFFFFFF  }
0x98: {  	s18 =	sld [smem:$0x3FDB];
	_ =	sdelay $0x1  }
0x99: {  	s19 =	simm.s32 $_scs_section_size  }
0x9a: {  	s4 =	simm.s32 $_size__tile_overlayer_lowered;
	s5 =	simm.s32 $_tile_overlayer_lowered  }
0x9b: {  	s22 =	simm.s32 $0x1BFF;
	s21 =	sshll.u32 s5, $0x1;
	s2 =	sadd.s32 s19, s18  }
0x9c: {  	s6 =	simm.s32 $0x0;
	s20 =	sshll.u32 s4, $0x1;
	s4 =	sadd.s32 s21, s2  }
0x9d: {  	[timem:s6], [sflag:s22] =	dma.local [hbm:s4], s20  }
0x9e: {  	_ =	swait.ge [sflag:s22], s20  }
0x9f: {  	s3 =	ssub.s32 $0x0, s20;
	[sflag:s22] =	ssyncset.done $0x0  }
0xa0: {  	[sflag:s22] =	ssyncadd.s32 s3;
	_ =	sdelay $0x1  }
0xa1: {  	s23 =	simm.s32 $0x1B8B  }
0xa2: {  	_ =	swait.ge [sflag:s23], $0x1  }
0xa3: {  	[sflag:s23] =	ssyncset.done $0x0  }
0xa4: {  	s25 =	simm.s32 $0x1B8E;
	s24 =	sld [smem:$0x3FFE];
	[sflag:s23] =	ssyncadd.s32 $0xFFFFFFFF  }
0xa5: {  	s26 =	simm.s32 $execute0_lowered;
	[smem:$0x3FD2] =	sst s25  }
0xa6: {  	s4 =	sshll.u32 s26, $0x1;
	_ =	strace $0x80000046;
	[dreg:$0x1] =	wrdreg $0xFFFFFFFF  }
0xa7: {  	s28 =	simm.s32 $_size_execute0_lowered;
	s2 =	sadd.s32 s2, s4;
	[dreg:$0x0] =	wrdreg $0x0  }
0xa8: {  	s4 =	sshll.u32 s28, $0x1;
	[dreg:$0x2] =	wrdreg s2  }
0xa9: {  	[dreg:$0x3] =	wrdreg s4  }
0xaa: {  	[dreg:$0x4] =	wrdreg $0xC0  }
0xab: {  	_ =	task [dreg:s6], $0x5FFFF  }
0xac: {  	[dreg:$0x1] =	wrdreg $0xFFFFFFFF  }
0xad: {  	[dreg:$0x0] =	wrdreg $0x60  }
0xae: {  	[dreg:$0x2] =	wrdreg s24  }
0xaf: {  	[dreg:$0x3] =	wrdreg $0xB0000  }
0xb0: {  	[dreg:$0x4] =	wrdreg $0xA  }
0xb1: {  	_ =	task.clear_ibuf [dreg:s6], $0x5FFFF;
	_ =	strace $0x90000046  }
0xb2: {  	s29 =	simm.s32 $0xA;
	_ =	strace $0x80000048  }
0xb3: {  	_ =	swait.ge [sflag:s29], $0x1  }
0xb4: {  	[sflag:s29] =	ssyncadd.s32 $0xFFFFFFFF  }
0xb5: {  	_ =	strace $0x90000048  }
0xb6: {  	_ =	sfence  }
0xb7: {  	s30 =	sld [smem:$0x0];
	_ =	sdelay $0x2  }
0xb8: {  	s31 =	sshll.u32 s1, $0xD;
	s1 =	sshrl.u32 s1, $0x2  }
0xb9: {  	s3 =	sand.u32 $0x4000, s31;
	s1 =	sadd.s32 s1, s30  }
0xba: {  	s0 =	sor.u32 s3, s0;
	s1 =	sshll.u32 s1, $0x11  }
0xbb: {  	s0 =	sor.u32 s1, s0  }
0xbc: {  	s0 =	sadd.s32 $0x8F2B, s0  }
0xbd: {  	[sflag:s0] =	ssyncadd.remote.s32 $0x1  }
0xbe: {  	_ =	sfence.sel $0xFFFF  }
0xbf: {  	[dreg:$0x0] =	wrdreg $0xFFFFFFFF;
	(pc) =	sbr.abs _section_cstart, $3  }
0xc0: {  	[dreg:$0x1] =	wrdreg $0xFFFFFFFF  }
0xc1: {  	_ =	task.clear_ibuf [dreg:s6], $0x2FFFF;
	_ =	strace $0x9FFFFFFF  }
0xc2: {  	(tm) =	ssettm $0x7FFFFFFF  }
0xc3: {  	_ =	shalt  }
tec
execute0_lowered:
.L_overlay_start_1:
0x0: {  	(tag) =	ssettag $0x1  }
0x1: {  	s5 =	rddreg [dreg:$0x0]  }
0x2: {  	s2 =	rddreg [dreg:$0x1];
	s3 =	srdreg.scid  }
0x3: {  	s0 =	rddreg [dreg:$0x2];
	s1 =	stileid.u32  }
0x4: {  	s19 =	simm.s32 $0x9000;
	s20 =	simm.s32 $0x2;
	s21 =	simm.s32 $0x2800  }
0x5: {  	s22 =	simm.s32 $0x80;
	s23 =	simm.s32 $0x5000;
	s8 =	smul.u32 $0x14000, s1  }
0x6: {  	s24 =	simm.s32 $0x1;
	s6 =	sand.u32 $0x1, s3;
	s29 =	smul.u32 $0x50000, s1  }
0x7: {  	s3 =	simm.s32 $0x0;
	s4 =	sshll.u32 s1, $0x1;
	s7 =	smul.u32 $0x140000, s6  }
0x8: {  	[smem:$0x7FF] =	sst s3;
	s4 =	sor.u32 s6, s4;
	s6 =	ssub.s32 $0x2, s6  }
0x9: {  	_ =	strace $0x80000047;
	s9 =	smul.u32 $0x500, s4;
	s4 =	sadd.s32 $0x1CE00, s5  }
0xa: {  	s30 =	sshrl.u32 s6, $0x1;
	s31 =	sshrl.u32 s29, $0x2;
	s7 =	sadd.s32 s8, s7  }
0xb: {  	s11 =	ssub.s32 s6, s30;
	s9 =	sadd.s32 s9, s5;
	s7 =	sshrl.u32 s7, $0x3  }
0xc: {  	s10 =	sadd.s32 s7, s5;
	s5 =	sadd.s32 s31, s2;
	s6 =	sadd.s32 $0x8E00, s9  }
0xd: {  	s7 =	sadd.s32 $0x12E00, s9;
	s9 =	smax.u32 s11, $0x1;
	s8 =	sadd.s32 $0x44E00, s10  }
0xe: {  	s10 =	sadd.s32 $0x2000, s5;
	s11 =	sadd.s32 $0x4000, s5;
	s12 =	sadd.s32 $0x6000, s5  }
0xf: {  	s13 =	sadd.s32 $0x8000, s5;
	s14 =	sadd.s32 $0xA000, s5;
	s15 =	sadd.s32 $0xC000, s5  }
0x10: {  	v0 =	vimm.f32 $0.0e+00;
	s16 =	sadd.s32 $0xE000, s5;
	s17 =	sadd.s32 $0x10000, s5;
	s18 =	sadd.s32 $0x12000, s5  }
.LBB2_1:
0x11: {  	s25 =	simm.s32 $0x0;
	s26 =	simm.s32 $0x200  }
.LBB2_2:
0x12: {  	p0 =	sne.s32 s26, $0x7E00;
	[tilespmem:s25+$0x9070] =	vst v0  }
0x13: {  	[tilespmem:s25+$0x9000] =	vst v0  }
0x14: {  	[tilespmem:s25+$0x9010] =	vst v0  }
.Ltmp0:
0x15: {  	[tilespmem:s25+$0x9020] =	vst v0;
	(pc) =	sbr.rel @p0 .LBB2_2-.Ltmp0, $4  }
0x16: {  	[tilespmem:s25+$0x9030] =	vst v0  }
0x17: {  	[tilespmem:s25+$0x9040] =	vst v0  }
0x18: {  	[tilespmem:s25+$0x9050] =	vst v0  }
0x19: {  	[tilespmem:s25+$0x9060] =	vst v0;
	s25 =	sshra.s32 s26, $0x2;
	s26 =	sadd.s32 $0x200, s26  }
0x1a: {  	[tilespmem:s25+$0x9070] =	vst v0  }
0x1b: {  	[tilespmem:s25+$0x9000] =	vst v0  }
0x1c: {  	[tilespmem:s25+$0x9010] =	vst v0  }
0x1d: {  	[tilespmem:s25+$0x9020] =	vst v0  }
0x1e: {  	[tilespmem:s25+$0x9030] =	vst v0  }
0x1f: {  	[tilespmem:s25+$0x9040] =	vst v0  }
0x20: {  	[tilespmem:s25+$0x9050] =	vst v0  }
0x21: {  	[tilespmem:s25+$0x9060] =	vst v0  }
0x22: {  	[spmem:s5] =	stream.linear.scatter [tilespmem:s19], [sflag:$0x2], $0x2000, $0x38;
	[tilespmem:$0x1F000] =	vst v63  }
0x23: {  	_ =	swait.ge [sflag:s20], $0x2000  }
0x24: {  	[sflag:s20] =	ssyncset.done $0x0  }
0x25: {  	[sflag:s20] =	ssyncadd.s32 $0xFFFFE000  }
0x26: {  	[spmem:s10] =	stream.linear.scatter [tilespmem:s19], [sflag:$0x2], $0x2000, $0x38;
	[tilespmem:$0x1F000] =	vst v63  }
0x27: {  	_ =	swait.ge [sflag:s20], $0x2000  }
0x28: {  	[sflag:s20] =	ssyncset.done $0x0  }
0x29: {  	[sflag:s20] =	ssyncadd.s32 $0xFFFFE000  }
0x2a: {  	[spmem:s11] =	stream.linear.scatter [tilespmem:s19], [sflag:$0x2], $0x2000, $0x38;
	[tilespmem:$0x1F000] =	vst v63  }
0x2b: {  	_ =	swait.ge [sflag:s20], $0x2000  }
0x2c: {  	[sflag:s20] =	ssyncset.done $0x0  }
0x2d: {  	[sflag:s20] =	ssyncadd.s32 $0xFFFFE000  }
0x2e: {  	[spmem:s12] =	stream.linear.scatter [tilespmem:s19], [sflag:$0x2], $0x2000, $0x38;
	[tilespmem:$0x1F000] =	vst v63  }
0x2f: {  	_ =	swait.ge [sflag:s20], $0x2000  }
0x30: {  	[sflag:s20] =	ssyncset.done $0x0  }
0x31: {  	[sflag:s20] =	ssyncadd.s32 $0xFFFFE000  }
0x32: {  	[spmem:s13] =	stream.linear.scatter [tilespmem:s19], [sflag:$0x2], $0x2000, $0x38;
	[tilespmem:$0x1F000] =	vst v63  }
0x33: {  	_ =	swait.ge [sflag:s20], $0x2000  }
0x34: {  	[sflag:s20] =	ssyncset.done $0x0  }
0x35: {  	[sflag:s20] =	ssyncadd.s32 $0xFFFFE000  }
0x36: {  	[spmem:s14] =	stream.linear.scatter [tilespmem:s19], [sflag:$0x2], $0x2000, $0x38;
	[tilespmem:$0x1F000] =	vst v63  }
0x37: {  	_ =	swait.ge [sflag:s20], $0x2000  }
0x38: {  	[sflag:s20] =	ssyncset.done $0x0  }
0x39: {  	[sflag:s20] =	ssyncadd.s32 $0xFFFFE000  }
0x3a: {  	[spmem:s15] =	stream.linear.scatter [tilespmem:s19], [sflag:$0x2], $0x2000, $0x38;
	[tilespmem:$0x1F000] =	vst v63  }
0x3b: {  	_ =	swait.ge [sflag:s20], $0x2000  }
0x3c: {  	[sflag:s20] =	ssyncset.done $0x0  }
0x3d: {  	[sflag:s20] =	ssyncadd.s32 $0xFFFFE000  }
0x3e: {  	[spmem:s16] =	stream.linear.scatter [tilespmem:s19], [sflag:$0x2], $0x2000, $0x38;
	[tilespmem:$0x1F000] =	vst v63  }
0x3f: {  	_ =	swait.ge [sflag:s20], $0x2000  }
0x40: {  	[sflag:s20] =	ssyncset.done $0x0  }
0x41: {  	[sflag:s20] =	ssyncadd.s32 $0xFFFFE000  }
0x42: {  	[spmem:s17] =	stream.linear.scatter [tilespmem:s19], [sflag:$0x2], $0x2000, $0x38;
	[tilespmem:$0x1F000] =	vst v63  }
0x43: {  	_ =	swait.ge [sflag:s20], $0x2000  }
0x44: {  	[sflag:s20] =	ssyncset.done $0x0  }
0x45: {  	[sflag:s20] =	ssyncadd.s32 $0xFFFFE000  }
0x46: {  	[spmem:s18] =	stream.linear.scatter [tilespmem:s19], [sflag:$0x2], $0x2000, $0x38;
	[tilespmem:$0x1F000] =	vst v63  }
0x47: {  	_ =	swait.ge [sflag:s20], $0x2000  }
0x48: {  	[sflag:s20] =	ssyncset.done $0x0  }
0x49: {  	[sflag:s20] =	ssyncadd.s32 $0xFFFFE000  }
0x4a: {  	s29 =	simm.s32 $0x0;
	[bflag:$0x0] =	sbarrier.arrive $0xFFFF  }
0x4b: {  	[tilespmem:s29], [sflag:$0x2] =	stream.linear.gather [hbm4b:s6+s29], $0x2780, $0x38;
	[tilespmem:$0x1F000] =	vst v63  }
0x4c: {  	_ =	swait.ge [sflag:s20], $0x2780  }
0x4d: {  	[sflag:s20] =	ssyncset.done $0x0  }
0x4e: {  	[sflag:s20] =	ssyncadd.s32 $0xFFFFD880  }
0x4f: {  	[tilespmem:s21], [sflag:$0x2] =	stream.linear.gather [hbm4b:s7+s29], $0x2780, $0x38;
	[tilespmem:$0x1F000] =	vst v63  }
0x50: {  	_ =	swait.ge [sflag:s20], $0x2780  }
0x51: {  	[sflag:s20] =	ssyncset.done $0x0  }
0x52: {  	s30 =	simm.s32 $0x0;
	[sflag:s20] =	ssyncadd.s32 $0xFFFFD880  }
0x53: {  	[tilespmem:s23], [sflag:$0x1] =	stream.indirect.gather [hbm4b:s4+s22], $0x80, s30, s22, $0xb8;
	[tilespmem:$0x1F000] =	vst v63  }
0x54: {  	_ =	swait.ge [sflag:s24], $0x4000  }
0x55: {  	[sflag:s24] =	ssyncset.done $0x0  }
0x56: {  	s31 =	simm.s32 $0x2800;
	[sflag:s24] =	ssyncadd.s32 $0xFFFFC000  }
0x57: {  	[spmem:s2] =	stream.indirect.scatter.add.f32 [tilespmem:s23], [sflag:$0x2], $0x80, s31, s22, $0xb8;
	[tilespmem:$0x1F000] =	vst v63  }
0x58: {  	_ =	swait.ge [sflag:s20], $0x4000  }
0x59: {  	s25 =	simm.s32 $0x200;
	s26 =	simm.s32 $0x400;
	[sflag:s20] =	ssyncset.done $0x0  }
.LBB2_4:
0x5a: {  	s28 =	sshra.s32 s25, $0x2  }
0x5b: {  	[sflag:s20] =	ssyncadd.s32 $0xFFFFC000;
	s25 =	smov.u32 s26;
	s29 =	sadd.s32 $0x200, s26  }
0x5c: {  	[tilespmem:s23], [sflag:$0x1] =	stream.indirect.gather [hbm4b:s4+s22], $0x80, s28, s22, $0xb8;
	[tilespmem:$0x1F000] =	vst v63  }
0x5d: {  	p0 =	sne.s32 s26, $0x9C00;
	_ =	swait.ge [sflag:s24], $0x4000  }
.Ltmp1:
0x5e: {  	[sflag:s24] =	ssyncset.done $0x0;
	(pc) =	sbr.rel @p0 .LBB2_4-.Ltmp1, $4  }
0x5f: {  	s26 =	sadd.s32 $0x2800, s28;
	[sflag:s24] =	ssyncadd.s32 $0xFFFFC000  }
0x60: {  	[spmem:s2] =	stream.indirect.scatter.add.f32 [tilespmem:s23], [sflag:$0x2], $0x80, s26, s22, $0xb8;
	[tilespmem:$0x1F000] =	vst v63  }
0x61: {  	_ =	swait.ge [sflag:s20], $0x4000  }
0x62: {  	s26 =	smov.u32 s29;
	[sflag:s20] =	ssyncset.done $0x0  }
0x63: {  	s25 =	sshra.s32 s25, $0x2;
	[sflag:s20] =	ssyncadd.s32 $0xFFFFC000  }
0x64: {  	[tilespmem:s23], [sflag:$0x1] =	stream.indirect.gather [hbm4b:s4+s22], $0x80, s25, s22, $0xb8;
	[tilespmem:$0x1F000] =	vst v63  }
0x65: {  	_ =	swait.ge [sflag:s24], $0x4000  }
0x66: {  	[sflag:s24] =	ssyncset.done $0x0  }
0x67: {  	s25 =	sadd.s32 $0x2800, s25;
	[sflag:s24] =	ssyncadd.s32 $0xFFFFC000  }
0x68: {  	[spmem:s2] =	stream.indirect.scatter.add.f32 [tilespmem:s23], [sflag:$0x2], $0x80, s25, s22, $0xb8;
	[tilespmem:$0x1F000] =	vst v63  }
0x69: {  	_ =	swait.ge [sflag:s20], $0x4000  }
0x6a: {  	s31 =	sshll.u32 s1, $0x6;
	s3 =	sadd.s32 $0x1, s3;
	[sflag:s20] =	ssyncset.done $0x0  }
0x6b: {  	s26 =	sshrl.u32 s5, $0x3;
	p0 =	sne.s32 s3, s9;
	[sflag:s20] =	ssyncadd.s32 $0xFFFFC000  }
.Ltmp2:
0x6c: {  	s25 =	sor.u32 $0x1C02, s31;
	[bflag:$0x0] =	sbarrier.arrive $0xFFFF;
	(pc) =	sbr.rel @p0 .LBB2_1-.Ltmp2, $4  }
0x6d: {  	[hbm:s8], [sflag:s25] =	dma.local [spmem:s26], $0x2800  }
0x6e: {  	_ =	swait.ge [sflag:s20], $0x2800  }
0x6f: {  	[sflag:s20] =	ssyncset.done $0x0  }
0x70: {  	[sflag:s20] =	ssyncadd.s32 $0xFFFFD800  }
0x71: {  	_ =	sfence.sel $0x180000  }
0x72: {  	[bflag:$0x0] =	sbarrier.arrive $0xFFFF  }
0x73: {  	p0 =	sne.s32 s1, $0x0;
	_ =	strace $0x90000047  }
0x74: {  	s0 =	sadd.s32 @!p0 $0x100000, s0;
	[bflag:$0x2] =	sbarrier.arrive $0xFFFF  }
0x75: {  	[sflag:s0] =	ssyncadd.tile.s32 @!p0 $0x1;
	_ =	shalt  }
.Lfunc_end2:
_tile_overlayer_lowered:
.L_overlay_start_2:
0x76: {  	(tag) =	ssettag $0x2  }
0x77: {  	s0 =	rddreg [dreg:$0x0];
	s2 =	stileid.u32  }
0x78: {  	s1 =	rddreg [dreg:$0x1];
	p0 =	sne.s32 s2, $0x0  }
0x79: {  	s3 =	rddreg [dreg:$0x2];
	[bflag:$0x3] =	sbarrier.arrive $0xFFFF;
	s2 =	simm.s32 @!p0 $0x1C02  }
0x7a: {  	[timem:s3], [sflag:s2] =	dma.local @!p0 [hbm:s0], s1  }
0x7b: {  	s0 =	simm.s32 @!p0 $0x2  }
0x7c: {  	_ =	swait.ge @!p0 [sflag:s0], s1  }
0x7d: {  	s1 =	ssub.s32 @!p0 $0x0, s1;
	[sflag:s0] =	ssyncset.done @!p0 $0x0  }
0x7e: {  	[sflag:s0] =	ssyncadd.s32 @!p0 s1  }
0x7f: {  	[bflag:$0x3] =	sbarrier.arrive $0xFFFF  }
0x80: {  	_ =	shalt  }

// kernel: kernel.41.cloned.1.call-start
scs
__scs_entry_jumppad:
0x0: {  	(pc) =	sbr.rel $0x88, $3  }
0x1: {  	(tag) =	ssettag $0x0;
	lr =	simm.s32 $0x1  }
0x2: {  	[smem:$0x3F83] =	sst lr;
	_ =	strace $0xD0000000  }
0x3: {  	_ = 	snop  }
0x4: {  	_ = 	snop  }
0x5: {  	_ = 	snop  }
0x6: {  	_ = 	snop  }
0x7: {  	_ = 	snop  }
__scs_overlays_trampoline_lowered:
0x8: {  	[smem:$0x3F92] =	sst s0  }
0x9: {  	[smem:$0x3F93] =	sst s1  }
0xa: {  	[smem:$0x3F94] =	sst s2  }
0xb: {  	[smem:$0x3F95] =	sst s3  }
0xc: {  	[smem:$0x3F96] =	sst s4  }
0xd: {  	[smem:$0x3F97] =	sst s5  }
0xe: {  	[smem:$0x3F98] =	sst s6  }
0xf: {  	[smem:$0x3F99] =	sst s7  }
0x10: {  	[smem:$0x3F9A] =	sst s8  }
0x11: {  	[smem:$0x3F9B] =	sst s9;
	s0 =	simm.s32 @!p0 $0x0  }
0x12: {  	s1 =	sld [smem:$0x3F81];
	s0 =	simm.s32 @p0 $0x1  }
0x13: {  	[smem:$0x3F9C] =	sst s0;
	s0 =	simm.s32 @!p1 $0x0  }
0x14: {  	s2 =	sld [smem:$0x3F80];
	s0 =	simm.s32 @p1 $0x1  }
0x15: {  	[smem:$0x3F9D] =	sst s0;
	s0 =	simm.s32 @!p2 $0x0  }
0x16: {  	s3 =	sld [smem:$0x3FDB];
	s0 =	simm.s32 @p2 $0x1  }
0x17: {  	s4 =	simm.s32 $0x1BF5;
	[smem:$0x3F9F] =	sst s0  }
0x18: {  	s0 =	sld [smem:$0x3F82];
	_ =	swait.ge [sflag:s4], $0x0  }
0x19: {  	s7 =	sld [smem:$0x3F83]  }
0x1a: {  	s8 =	sadd.s32 $0xFFFFE003, lr  }
0x1b: {  	s9 =	sadd.s32 $0xFFFFFEF7, lr;
	s5 =	simm.s32 $0xFFFFFFFF;
	p2 =	slt.u32 s8, $0xFFFFF086  }
0x1c: {  	p1 =	slt.u32 s9, $0xF7A;
	s5 =	simm.s32 @!p2 $0x0  }
0x1d: {  	s5 =	simm.s32 @p1 $0x1;
	p0 =	seq.s32 s7, s2  }
0x1e: {  	s7 =	smul.u32 @!p0 $0xF7A, s2;
	p2 =	seq.s32 @!p0 s5, $0x0  }
0x1f: {  	s9 =	smul.u32 $0xF7A, s1;
	s8 =	simm.s32 @!p0 $0x1BF5;
	p2 =	por !p2, p0  }
0x20: {  	[sflag:s8] =	ssyncset.s32 @!p0 $0xFFFFF086;
	s6 =	sadd.s32 @!p0 s3, s7;
	s7 =	simm.s32 @!p0 $0x108  }
0x21: {  	s3 =	sadd.s32 s3, s9;
	s6 =	sadd.s32 @!p0 $0x88, s6;
	s7 =	simm.s32 @p2 $0x1082  }
0x22: {  	[simem:s7], [sflag:s8] =	dma.local @!p0 [hbm:s6], $0xF7A  }
0x23: {  	s9 =	sor.u32 $0xD0000000, s2;
	s6 =	simm.s32 $0x108;
	_ =	swait.ge @!p0 [sflag:s8], $0x0  }
0x24: {  	s3 =	sadd.s32 $0x88, s3;
	s6 =	simm.s32 @!p1 $0x1082;
	[sflag:s4] =	ssyncset.s32 $0xFFFFF086  }
0x25: {  	[simem:s6], [sflag:s4] =	dma.local [hbm:s3], $0xF7A  }
0x26: {  	[smem:$0x3F83] =	sst s1;
	(tag) =	ssettag s2;
	_ =	strace s9  }
0x27: {  	s1 =	sld [smem:$0x3F93]  }
0x28: {  	s2 =	sld [smem:$0x3F94]  }
0x29: {  	s4 =	sld [smem:$0x3F96]  }
0x2a: {  	p0 =	seq.s32 s5, $0x0;
	s5 =	sld [smem:$0x3F97]  }
0x2b: {  	s6 =	sld [smem:$0x3F98]  }
0x2c: {  	s7 =	sld [smem:$0x3F99]  }
0x2d: {  	s3 =	simm.s32 $0x108;
	s8 =	sld [smem:$0x3F9A]  }
0x2e: {  	s3 =	simm.s32 @!p0 $0x1082;
	s9 =	sld [smem:$0x3F9B]  }
0x2f: {  	lr =	sadd.s32 s0, s3;
	s0 =	sld [smem:$0x3F92]  }
0x30: {  	s3 =	sld [smem:$0x3F95]  }
0x31: {  	[smem:$0x3F9E] =	sst s10  }
0x32: {  	s10 =	sld [smem:$0x3F9C];
	_ =	sdelay $0x3  }
0x33: {  	p0 =	seq.s32 s10, $0x1;
	s10 =	sld [smem:$0x3F9E];
	_ =	sdelay $0x3  }
0x34: {  	[smem:$0x3F9E] =	sst s10  }
0x35: {  	s10 =	sld [smem:$0x3F9D];
	_ =	sdelay $0x3  }
0x36: {  	p1 =	seq.s32 s10, $0x1;
	s10 =	sld [smem:$0x3F9E];
	_ =	sdelay $0x3  }
0x37: {  	[smem:$0x3F9E] =	sst s10  }
0x38: {  	s10 =	sld [smem:$0x3F9F]  }
0x39: {  	_ = 	snop;
	(pc) =	sbr.ind lr, $3  }
0x3a: {  	_ = 	snop  }
0x3b: {  	_ = 	snop  }
0x3c: {  	p2 =	seq.s32 s10, $0x1;
	s10 =	sld [smem:$0x3F9E]  }
0x3d: {  	_ =	shalt  }
0x3e: {  	_ =	shalt  }
0x3f: {  	_ =	shalt  }
0x40: {  	_ =	shalt  }
0x41: {  	_ =	shalt  }
0x42: {  	_ =	shalt  }
0x43: {  	_ =	shalt  }
0x44: {  	_ =	shalt  }
0x45: {  	_ =	shalt  }
0x46: {  	_ =	shalt  }
0x47: {  	_ =	shalt  }
0x48: {  	_ =	shalt  }
0x49: {  	_ =	shalt  }
0x4a: {  	_ =	shalt  }
0x4b: {  	_ =	shalt  }
0x4c: {  	_ =	shalt  }
0x4d: {  	_ =	shalt  }
0x4e: {  	_ =	shalt  }
0x4f: {  	_ =	shalt  }
0x50: {  	_ =	shalt  }
0x51: {  	_ =	shalt  }
0x52: {  	_ =	shalt  }
0x53: {  	_ =	shalt  }
0x54: {  	_ =	shalt  }
0x55: {  	_ =	shalt  }
0x56: {  	_ =	shalt  }
0x57: {  	_ =	shalt  }
0x58: {  	_ =	shalt  }
0x59: {  	_ =	shalt  }
0x5a: {  	_ =	shalt  }
0x5b: {  	_ =	shalt  }
0x5c: {  	_ =	shalt  }
0x5d: {  	_ =	shalt  }
0x5e: {  	_ =	shalt  }
0x5f: {  	_ =	shalt  }
0x60: {  	_ =	shalt  }
0x61: {  	_ =	shalt  }
0x62: {  	_ =	shalt  }
0x63: {  	_ =	shalt  }
0x64: {  	_ =	shalt  }
0x65: {  	_ =	shalt  }
0x66: {  	_ =	shalt  }
0x67: {  	_ =	shalt  }
0x68: {  	_ =	shalt  }
0x69: {  	_ =	shalt  }
0x6a: {  	_ =	shalt  }
0x6b: {  	_ =	shalt  }
0x6c: {  	_ =	shalt  }
0x6d: {  	_ =	shalt  }
0x6e: {  	_ =	shalt  }
0x6f: {  	_ =	shalt  }
0x70: {  	_ =	shalt  }
0x71: {  	_ =	shalt  }
0x72: {  	_ =	shalt  }
0x73: {  	_ =	shalt  }
0x74: {  	_ =	shalt  }
0x75: {  	_ =	shalt  }
0x76: {  	_ =	shalt  }
0x77: {  	_ =	shalt  }
0x78: {  	_ =	shalt  }
0x79: {  	_ =	shalt  }
0x7a: {  	_ =	shalt  }
0x7b: {  	_ =	shalt  }
0x7c: {  	_ =	shalt  }
0x7d: {  	_ =	shalt  }
0x7e: {  	_ =	shalt  }
0x7f: {  	_ =	shalt  }
0x80: {  	_ =	shalt  }
0x81: {  	_ =	shalt  }
0x82: {  	_ =	shalt  }
0x83: {  	_ =	shalt  }
0x84: {  	_ =	shalt  }
0x85: {  	_ =	shalt  }
0x86: {  	_ =	shalt  }
0x87: {  	_ =	shalt  }
.Lfunc_end0:
.L_simem_size_0:
called_computation.4_lowered:
.L_overlay_start_0:
0x88: {  	s2 =	sld [smem:$0x3FD9]  }
0x89: {  	s3 =	sld [smem:$0x3FFE];
	_ =	sdelay $0x1  }
0x8a: {  	s1 =	srdreg.scid  }
0x8b: {  	s0 =	sand.u32 $0x1, s1  }
0x8c: {  	s17 =	sshll.u32 s0, $0xA;
	s2 =	sadd.s32 s3, s2  }
0x8d: {  	s2 =	sadd.s32 s2, s17  }
0x8e: {  	[smem:$0x3FAA] =	sst s2  }
0x8f: {  	_ = 	snop  }
0x90: {  	(tm) =	ssettm $0x1  }
0x91: {  	s18 =	sld [smem:$0x3FFB];
	_ =	sdelay $0x3  }
0x92: {  	_ =	strace s18  }
0x93: {  	s2 =	sld [smem:$0x3FFC];
	_ =	sdelay $0x3  }
0x94: {  	_ =	strace s2  }
0x95: {  	s2 =	sld [smem:$0x3FFD];
	_ =	sdelay $0x3  }
0x96: {  	_ =	strace s2  }
0x97: {  	_ =	strace $0x8FFFFFFF  }
0x98: {  	s19 =	sld [smem:$0x3FDB];
	_ =	sdelay $0x1  }
0x99: {  	s20 =	simm.s32 $_scs_section_size  }
0x9a: {  	s4 =	simm.s32 $_size__tile_overlayer_lowered;
	s5 =	simm.s32 $_tile_overlayer_lowered  }
0x9b: {  	s6 =	simm.s32 $0x1BFF;
	s21 =	sshll.u32 s5, $0x1;
	s3 =	sadd.s32 s20, s19  }
0x9c: {  	s22 =	simm.s32 $0x0;
	s4 =	sshll.u32 s4, $0x1;
	s5 =	sadd.s32 s21, s3  }
0x9d: {  	[timem:s22], [sflag:s6] =	dma.local [hbm:s5], s4  }
0x9e: {  	_ =	swait.ge [sflag:s6], s4  }
0x9f: {  	s4 =	ssub.s32 $0x0, s4;
	[sflag:s6] =	ssyncset.done $0x0  }
0xa0: {  	[sflag:s6] =	ssyncadd.s32 s4;
	_ =	sdelay $0x1  }
0xa1: {  	s23 =	simm.s32 $0x1B8B  }
0xa2: {  	_ =	swait.ge [sflag:s23], $0x1  }
0xa3: {  	[sflag:s23] =	ssyncset.done $0x0  }
0xa4: {  	[sflag:s23] =	ssyncadd.s32 $0xFFFFFFFF  }
0xa5: {  	s4 =	sld [smem:$0x0]  }
0xa6: {  	s5 =	sand.u32 $0xFFFFFFFE, s1  }
0xa7: {  	p0 =	sne.s32 s1, s5  }
0xa8: {  	s5 =	sshll.u32 @p0 s5, $0xE  }
0xa9: {  	s5 =	sadd.s32 @p0 $0x11B8D, s5;
	s6 =	sshll.u32 @p0 s4, $0x11  }
0xaa: {  	s5 =	sor.u32 @p0 s6, s5  }
0xab: {  	[sflag:s5] =	ssyncadd.remote.s32 @p0 $0x1;
	_ =	sdelay $0x1  }
0xac: {  	s5 =	simm.s32 @p0 $0x1B8D  }
0xad: {  	_ =	swait.eq @p0 [sflag:s5], $0x1  }
0xae: {  	[sflag:s5] =	ssyncadd.s32 @p0 $0xFFFFFFFF  }
0xaf: {  	s6 =	sshll.u32 @!p0 s1, $0xE  }
0xb0: {  	s6 =	sor.u32 @!p0 $0x4000, s6;
	s5 =	simm.s32 @!p0 $0x1B8D  }
0xb1: {  	s4 =	sshll.u32 @!p0 s4, $0x11;
	s6 =	sadd.s32 @!p0 $0x11B8D, s6;
	_ =	swait.eq @!p0 [sflag:s5], $0x1  }
0xb2: {  	s4 =	sor.u32 @!p0 s4, s6;
	[sflag:s5] =	ssyncadd.s32 @!p0 $0xFFFFFFFF  }
0xb3: {  	s25 =	simm.s32 $0x1B8E;
	s24 =	sld [smem:$0x3FFE];
	[sflag:s4] =	ssyncadd.remote.s32 @!p0 $0x1  }
0xb4: {  	s26 =	simm.s32 $execute0_lowered;
	[smem:$0x3FD2] =	sst s25  }
0xb5: {  	s5 =	sshll.u32 s26, $0x1;
	_ =	strace $0x8000004C;
	[dreg:$0x1] =	wrdreg $0xFFFFFFFF  }
0xb6: {  	s28 =	simm.s32 $_size_execute0_lowered;
	s3 =	sadd.s32 s3, s5;
	[dreg:$0x0] =	wrdreg $0x0  }
0xb7: {  	s5 =	sshll.u32 s28, $0x1;
	[dreg:$0x2] =	wrdreg s3  }
0xb8: {  	[dreg:$0x3] =	wrdreg s5  }
0xb9: {  	[dreg:$0x4] =	wrdreg $0xC0  }
0xba: {  	_ =	task [dreg:s22], $0x5FFFF  }
0xbb: {  	[dreg:$0x1] =	wrdreg $0xFFFFFFFF  }
0xbc: {  	[dreg:$0x0] =	wrdreg $0x60  }
0xbd: {  	[dreg:$0x2] =	wrdreg s24  }
0xbe: {  	[dreg:$0x3] =	wrdreg $0xB0000  }
0xbf: {  	[dreg:$0x4] =	wrdreg $0xA  }
0xc0: {  	_ =	task.clear_ibuf [dreg:s22], $0x5FFFF;
	_ =	strace $0x9000004C  }
0xc1: {  	s29 =	simm.s32 $0xA;
	_ =	strace $0x8000004E  }
0xc2: {  	_ =	swait.ge [sflag:s29], $0x1  }
0xc3: {  	[sflag:s29] =	ssyncadd.s32 $0xFFFFFFFF  }
0xc4: {  	_ =	strace $0x9000004E  }
0xc5: {  	_ =	sfence  }
0xc6: {  	s30 =	sld [smem:$0x0];
	_ =	sdelay $0x2  }
0xc7: {  	s31 =	sshll.u32 s1, $0xD;
	s1 =	sshrl.u32 s1, $0x2  }
0xc8: {  	s4 =	sand.u32 $0x4000, s31;
	s1 =	sadd.s32 s1, s30  }
0xc9: {  	s0 =	sor.u32 s4, s0;
	s1 =	sshll.u32 s1, $0x11  }
0xca: {  	s0 =	sor.u32 s1, s0  }
0xcb: {  	s0 =	sadd.s32 $0x8F2B, s0  }
0xcc: {  	[sflag:s0] =	ssyncadd.remote.s32 $0x1  }
0xcd: {  	_ =	sfence.sel $0xFFFF  }
0xce: {  	[dreg:$0x0] =	wrdreg $0xFFFFFFFF;
	(pc) =	sbr.abs _section_cstart, $3  }
0xcf: {  	[dreg:$0x1] =	wrdreg $0xFFFFFFFF  }
0xd0: {  	_ =	task.clear_ibuf [dreg:s22], $0x2FFFF;
	_ =	strace $0x9FFFFFFF  }
0xd1: {  	(tm) =	ssettm $0x7FFFFFFF  }
tec
execute0_lowered:
.L_overlay_start_1:
0x0: {  	(tag) =	ssettag $0x1  }
0x1: {  	s5 =	rddreg [dreg:$0x0]  }
0x2: {  	s2 =	rddreg [dreg:$0x1];
	s3 =	srdreg.scid  }
0x3: {  	s0 =	rddreg [dreg:$0x2];
	s1 =	stileid.u32  }
0x4: {  	s19 =	simm.s32 $0x9000;
	s20 =	simm.s32 $0x2;
	s21 =	simm.s32 $0x2800  }
0x5: {  	s22 =	simm.s32 $0x80;
	s23 =	simm.s32 $0x5000;
	s8 =	smul.u32 $0x14000, s1  }
0x6: {  	s24 =	simm.s32 $0x1;
	s6 =	sand.u32 $0x1, s3;
	s29 =	smul.u32 $0x50000, s1  }
0x7: {  	s3 =	simm.s32 $0x0;
	s4 =	sshll.u32 s1, $0x1;
	s7 =	smul.u32 $0x140000, s6  }
0x8: {  	[smem:$0x7FF] =	sst s3;
	s4 =	sor.u32 s6, s4;
	s6 =	ssub.s32 $0x2, s6  }
0x9: {  	_ =	strace $0x8000004D;
	s9 =	smul.u32 $0x500, s4;
	s4 =	sadd.s32 $0x1CE00, s5  }
0xa: {  	s30 =	sshrl.u32 s6, $0x1;
	s31 =	sshrl.u32 s29, $0x2;
	s7 =	sadd.s32 s8, s7  }
0xb: {  	s11 =	ssub.s32 s6, s30;
	s9 =	sadd.s32 s9, s5;
	s7 =	sshrl.u32 s7, $0x3  }
0xc: {  	s10 =	sadd.s32 s7, s5;
	s5 =	sadd.s32 s31, s2;
	s6 =	sadd.s32 $0x8E00, s9  }
0xd: {  	s7 =	sadd.s32 $0x12E00, s9;
	s9 =	smax.u32 s11, $0x1;
	s8 =	sadd.s32 $0x44E00, s10  }
0xe: {  	s10 =	sadd.s32 $0x2000, s5;
	s11 =	sadd.s32 $0x4000, s5;
	s12 =	sadd.s32 $0x6000, s5  }
0xf: {  	s13 =	sadd.s32 $0x8000, s5;
	s14 =	sadd.s32 $0xA000, s5;
	s15 =	sadd.s32 $0xC000, s5  }
0x10: {  	v0 =	vimm.f32 $0.0e+00;
	s16 =	sadd.s32 $0xE000, s5;
	s17 =	sadd.s32 $0x10000, s5;
	s18 =	sadd.s32 $0x12000, s5  }
.LBB2_1:
0x11: {  	s25 =	simm.s32 $0x0;
	s26 =	simm.s32 $0x200  }
.LBB2_2:
0x12: {  	p0 =	sne.s32 s26, $0x7E00;
	[tilespmem:s25+$0x9070] =	vst v0  }
0x13: {  	[tilespmem:s25+$0x9000] =	vst v0  }
0x14: {  	[tilespmem:s25+$0x9010] =	vst v0  }
.Ltmp0:
0x15: {  	[tilespmem:s25+$0x9020] =	vst v0;
	(pc) =	sbr.rel @p0 .LBB2_2-.Ltmp0, $4  }
0x16: {  	[tilespmem:s25+$0x9030] =	vst v0  }
0x17: {  	[tilespmem:s25+$0x9040] =	vst v0  }
0x18: {  	[tilespmem:s25+$0x9050] =	vst v0  }
0x19: {  	[tilespmem:s25+$0x9060] =	vst v0;
	s25 =	sshra.s32 s26, $0x2;
	s26 =	sadd.s32 $0x200, s26  }
0x1a: {  	[tilespmem:s25+$0x9070] =	vst v0  }
0x1b: {  	[tilespmem:s25+$0x9000] =	vst v0  }
0x1c: {  	[tilespmem:s25+$0x9010] =	vst v0  }
0x1d: {  	[tilespmem:s25+$0x9020] =	vst v0  }
0x1e: {  	[tilespmem:s25+$0x9030] =	vst v0  }
0x1f: {  	[tilespmem:s25+$0x9040] =	vst v0  }
0x20: {  	[tilespmem:s25+$0x9050] =	vst v0  }
0x21: {  	[tilespmem:s25+$0x9060] =	vst v0  }
0x22: {  	[spmem:s5] =	stream.linear.scatter [tilespmem:s19], [sflag:$0x2], $0x2000, $0x38;
	[tilespmem:$0x1F000] =	vst v63  }
0x23: {  	_ =	swait.ge [sflag:s20], $0x2000  }
0x24: {  	[sflag:s20] =	ssyncset.done $0x0  }
0x25: {  	[sflag:s20] =	ssyncadd.s32 $0xFFFFE000  }
0x26: {  	[spmem:s10] =	stream.linear.scatter [tilespmem:s19], [sflag:$0x2], $0x2000, $0x38;
	[tilespmem:$0x1F000] =	vst v63  }
0x27: {  	_ =	swait.ge [sflag:s20], $0x2000  }
0x28: {  	[sflag:s20] =	ssyncset.done $0x0  }
0x29: {  	[sflag:s20] =	ssyncadd.s32 $0xFFFFE000  }
0x2a: {  	[spmem:s11] =	stream.linear.scatter [tilespmem:s19], [sflag:$0x2], $0x2000, $0x38;
	[tilespmem:$0x1F000] =	vst v63  }
0x2b: {  	_ =	swait.ge [sflag:s20], $0x2000  }
0x2c: {  	[sflag:s20] =	ssyncset.done $0x0  }
0x2d: {  	[sflag:s20] =	ssyncadd.s32 $0xFFFFE000  }
0x2e: {  	[spmem:s12] =	stream.linear.scatter [tilespmem:s19], [sflag:$0x2], $0x2000, $0x38;
	[tilespmem:$0x1F000] =	vst v63  }
0x2f: {  	_ =	swait.ge [sflag:s20], $0x2000  }
0x30: {  	[sflag:s20] =	ssyncset.done $0x0  }
0x31: {  	[sflag:s20] =	ssyncadd.s32 $0xFFFFE000  }
0x32: {  	[spmem:s13] =	stream.linear.scatter [tilespmem:s19], [sflag:$0x2], $0x2000, $0x38;
	[tilespmem:$0x1F000] =	vst v63  }
0x33: {  	_ =	swait.ge [sflag:s20], $0x2000  }
0x34: {  	[sflag:s20] =	ssyncset.done $0x0  }
0x35: {  	[sflag:s20] =	ssyncadd.s32 $0xFFFFE000  }
0x36: {  	[spmem:s14] =	stream.linear.scatter [tilespmem:s19], [sflag:$0x2], $0x2000, $0x38;
	[tilespmem:$0x1F000] =	vst v63  }
0x37: {  	_ =	swait.ge [sflag:s20], $0x2000  }
0x38: {  	[sflag:s20] =	ssyncset.done $0x0  }
0x39: {  	[sflag:s20] =	ssyncadd.s32 $0xFFFFE000  }
0x3a: {  	[spmem:s15] =	stream.linear.scatter [tilespmem:s19], [sflag:$0x2], $0x2000, $0x38;
	[tilespmem:$0x1F000] =	vst v63  }
0x3b: {  	_ =	swait.ge [sflag:s20], $0x2000  }
0x3c: {  	[sflag:s20] =	ssyncset.done $0x0  }
0x3d: {  	[sflag:s20] =	ssyncadd.s32 $0xFFFFE000  }
0x3e: {  	[spmem:s16] =	stream.linear.scatter [tilespmem:s19], [sflag:$0x2], $0x2000, $0x38;
	[tilespmem:$0x1F000] =	vst v63  }
0x3f: {  	_ =	swait.ge [sflag:s20], $0x2000  }
0x40: {  	[sflag:s20] =	ssyncset.done $0x0  }
0x41: {  	[sflag:s20] =	ssyncadd.s32 $0xFFFFE000  }
0x42: {  	[spmem:s17] =	stream.linear.scatter [tilespmem:s19], [sflag:$0x2], $0x2000, $0x38;
	[tilespmem:$0x1F000] =	vst v63  }
0x43: {  	_ =	swait.ge [sflag:s20], $0x2000  }
0x44: {  	[sflag:s20] =	ssyncset.done $0x0  }
0x45: {  	[sflag:s20] =	ssyncadd.s32 $0xFFFFE000  }
0x46: {  	[spmem:s18] =	stream.linear.scatter [tilespmem:s19], [sflag:$0x2], $0x2000, $0x38;
	[tilespmem:$0x1F000] =	vst v63  }
0x47: {  	_ =	swait.ge [sflag:s20], $0x2000  }
0x48: {  	[sflag:s20] =	ssyncset.done $0x0  }
0x49: {  	[sflag:s20] =	ssyncadd.s32 $0xFFFFE000  }
0x4a: {  	s29 =	simm.s32 $0x0;
	[bflag:$0x0] =	sbarrier.arrive $0xFFFF  }
0x4b: {  	[tilespmem:s29], [sflag:$0x2] =	stream.linear.gather [hbm4b:s6+s29], $0x2780, $0x38;
	[tilespmem:$0x1F000] =	vst v63  }
0x4c: {  	_ =	swait.ge [sflag:s20], $0x2780  }
0x4d: {  	[sflag:s20] =	ssyncset.done $0x0  }
0x4e: {  	[sflag:s20] =	ssyncadd.s32 $0xFFFFD880  }
0x4f: {  	[tilespmem:s21], [sflag:$0x2] =	stream.linear.gather [hbm4b:s7+s29], $0x2780, $0x38;
	[tilespmem:$0x1F000] =	vst v63  }
0x50: {  	_ =	swait.ge [sflag:s20], $0x2780  }
0x51: {  	[sflag:s20] =	ssyncset.done $0x0  }
0x52: {  	s30 =	simm.s32 $0x0;
	[sflag:s20] =	ssyncadd.s32 $0xFFFFD880  }
0x53: {  	[tilespmem:s23], [sflag:$0x1] =	stream.indirect.gather [hbm4b:s4+s22], $0x80, s30, s22, $0xb8;
	[tilespmem:$0x1F000] =	vst v63  }
0x54: {  	_ =	swait.ge [sflag:s24], $0x4000  }
0x55: {  	[sflag:s24] =	ssyncset.done $0x0  }
0x56: {  	s31 =	simm.s32 $0x2800;
	[sflag:s24] =	ssyncadd.s32 $0xFFFFC000  }
0x57: {  	[spmem:s2] =	stream.indirect.scatter.add.f32 [tilespmem:s23], [sflag:$0x2], $0x80, s31, s22, $0xb8;
	[tilespmem:$0x1F000] =	vst v63  }
0x58: {  	_ =	swait.ge [sflag:s20], $0x4000  }
0x59: {  	s25 =	simm.s32 $0x200;
	s26 =	simm.s32 $0x400;
	[sflag:s20] =	ssyncset.done $0x0  }
.LBB2_4:
0x5a: {  	s28 =	sshra.s32 s25, $0x2  }
0x5b: {  	[sflag:s20] =	ssyncadd.s32 $0xFFFFC000;
	s25 =	smov.u32 s26;
	s29 =	sadd.s32 $0x200, s26  }
0x5c: {  	[tilespmem:s23], [sflag:$0x1] =	stream.indirect.gather [hbm4b:s4+s22], $0x80, s28, s22, $0xb8;
	[tilespmem:$0x1F000] =	vst v63  }
0x5d: {  	p0 =	sne.s32 s26, $0x9C00;
	_ =	swait.ge [sflag:s24], $0x4000  }
.Ltmp1:
0x5e: {  	[sflag:s24] =	ssyncset.done $0x0;
	(pc) =	sbr.rel @p0 .LBB2_4-.Ltmp1, $4  }
0x5f: {  	s26 =	sadd.s32 $0x2800, s28;
	[sflag:s24] =	ssyncadd.s32 $0xFFFFC000  }
0x60: {  	[spmem:s2] =	stream.indirect.scatter.add.f32 [tilespmem:s23], [sflag:$0x2], $0x80, s26, s22, $0xb8;
	[tilespmem:$0x1F000] =	vst v63  }
0x61: {  	_ =	swait.ge [sflag:s20], $0x4000  }
0x62: {  	s26 =	smov.u32 s29;
	[sflag:s20] =	ssyncset.done $0x0  }
0x63: {  	s25 =	sshra.s32 s25, $0x2;
	[sflag:s20] =	ssyncadd.s32 $0xFFFFC000  }
0x64: {  	[tilespmem:s23], [sflag:$0x1] =	stream.indirect.gather [hbm4b:s4+s22], $0x80, s25, s22, $0xb8;
	[tilespmem:$0x1F000] =	vst v63  }
0x65: {  	_ =	swait.ge [sflag:s24], $0x4000  }
0x66: {  	[sflag:s24] =	ssyncset.done $0x0  }
0x67: {  	s25 =	sadd.s32 $0x2800, s25;
	[sflag:s24] =	ssyncadd.s32 $0xFFFFC000  }
0x68: {  	[spmem:s2] =	stream.indirect.scatter.add.f32 [tilespmem:s23], [sflag:$0x2], $0x80, s25, s22, $0xb8;
	[tilespmem:$0x1F000] =	vst v63  }
0x69: {  	_ =	swait.ge [sflag:s20], $0x4000  }
0x6a: {  	s31 =	sshll.u32 s1, $0x6;
	s3 =	sadd.s32 $0x1, s3;
	[sflag:s20] =	ssyncset.done $0x0  }
0x6b: {  	s26 =	sshrl.u32 s5, $0x3;
	p0 =	sne.s32 s3, s9;
	[sflag:s20] =	ssyncadd.s32 $0xFFFFC000  }
.Ltmp2:
0x6c: {  	s25 =	sor.u32 $0x1C02, s31;
	[bflag:$0x0] =	sbarrier.arrive $0xFFFF;
	(pc) =	sbr.rel @p0 .LBB2_1-.Ltmp2, $4  }
0x6d: {  	[hbm:s8], [sflag:s25] =	dma.local [spmem:s26], $0x2800  }
0x6e: {  	_ =	swait.ge [sflag:s20], $0x2800  }
0x6f: {  	[sflag:s20] =	ssyncset.done $0x0  }
0x70: {  	[sflag:s20] =	ssyncadd.s32 $0xFFFFD800  }
0x71: {  	_ =	sfence.sel $0x180000  }
0x72: {  	[bflag:$0x0] =	sbarrier.arrive $0xFFFF  }
0x73: {  	p0 =	sne.s32 s1, $0x0;
	_ =	strace $0x9000004D  }
0x74: {  	s0 =	sadd.s32 @!p0 $0x100000, s0;
	[bflag:$0x2] =	sbarrier.arrive $0xFFFF  }
0x75: {  	[sflag:s0] =	ssyncadd.tile.s32 @!p0 $0x1;
	_ =	shalt  }
.Lfunc_end2:
_tile_overlayer_lowered:
.L_overlay_start_2:
0x76: {  	(tag) =	ssettag $0x2  }
0x77: {  	s0 =	rddreg [dreg:$0x0];
	s2 =	stileid.u32  }
0x78: {  	s1 =	rddreg [dreg:$0x1];
	p0 =	sne.s32 s2, $0x0  }
0x79: {  	s3 =	rddreg [dreg:$0x2];
	[bflag:$0x3] =	sbarrier.arrive $0xFFFF;
	s2 =	simm.s32 @!p0 $0x1C02  }
0x7a: {  	[timem:s3], [sflag:s2] =	dma.local @!p0 [hbm:s0], s1  }
0x7b: {  	s0 =	simm.s32 @!p0 $0x2  }
0x7c: {  	_ =	swait.ge @!p0 [sflag:s0], s1  }
0x7d: {  	s1 =	ssub.s32 @!p0 $0x0, s1;
	[sflag:s0] =	ssyncset.done @!p0 $0x0  }
0x7e: {  	[sflag:s0] =	ssyncadd.s32 @!p0 s1  }
0x7f: {  	[bflag:$0x3] =	sbarrier.arrive $0xFFFF  }
0x80: {  	_ =	shalt  }

// kernel: kernel.44.cloned.1.call-start
scs
__scs_entry_jumppad:
0x0: {  	(pc) =	sbr.rel $0x88, $3  }
0x1: {  	(tag) =	ssettag $0x0;
	lr =	simm.s32 $0x1  }
0x2: {  	[smem:$0x3F83] =	sst lr;
	_ =	strace $0xD0000000  }
0x3: {  	_ = 	snop  }
0x4: {  	_ = 	snop  }
0x5: {  	_ = 	snop  }
0x6: {  	_ = 	snop  }
0x7: {  	_ = 	snop  }
__scs_overlays_trampoline_lowered:
0x8: {  	[smem:$0x3F92] =	sst s0  }
0x9: {  	[smem:$0x3F93] =	sst s1  }
0xa: {  	[smem:$0x3F94] =	sst s2  }
0xb: {  	[smem:$0x3F95] =	sst s3  }
0xc: {  	[smem:$0x3F96] =	sst s4  }
0xd: {  	[smem:$0x3F97] =	sst s5  }
0xe: {  	[smem:$0x3F98] =	sst s6  }
0xf: {  	[smem:$0x3F99] =	sst s7  }
0x10: {  	[smem:$0x3F9A] =	sst s8  }
0x11: {  	[smem:$0x3F9B] =	sst s9;
	s0 =	simm.s32 @!p0 $0x0  }
0x12: {  	s1 =	sld [smem:$0x3F81];
	s0 =	simm.s32 @p0 $0x1  }
0x13: {  	[smem:$0x3F9C] =	sst s0;
	s0 =	simm.s32 @!p1 $0x0  }
0x14: {  	s2 =	sld [smem:$0x3F80];
	s0 =	simm.s32 @p1 $0x1  }
0x15: {  	[smem:$0x3F9D] =	sst s0;
	s0 =	simm.s32 @!p2 $0x0  }
0x16: {  	s3 =	sld [smem:$0x3FDB];
	s0 =	simm.s32 @p2 $0x1  }
0x17: {  	s4 =	simm.s32 $0x1BF5;
	[smem:$0x3F9F] =	sst s0  }
0x18: {  	s0 =	sld [smem:$0x3F82];
	_ =	swait.ge [sflag:s4], $0x0  }
0x19: {  	s7 =	sld [smem:$0x3F83]  }
0x1a: {  	s8 =	sadd.s32 $0xFFFFE003, lr  }
0x1b: {  	s9 =	sadd.s32 $0xFFFFFEF7, lr;
	s5 =	simm.s32 $0xFFFFFFFF;
	p2 =	slt.u32 s8, $0xFFFFF086  }
0x1c: {  	p1 =	slt.u32 s9, $0xF7A;
	s5 =	simm.s32 @!p2 $0x0  }
0x1d: {  	s5 =	simm.s32 @p1 $0x1;
	p0 =	seq.s32 s7, s2  }
0x1e: {  	s7 =	smul.u32 @!p0 $0xF7A, s2;
	p2 =	seq.s32 @!p0 s5, $0x0  }
0x1f: {  	s9 =	smul.u32 $0xF7A, s1;
	s8 =	simm.s32 @!p0 $0x1BF5;
	p2 =	por !p2, p0  }
0x20: {  	[sflag:s8] =	ssyncset.s32 @!p0 $0xFFFFF086;
	s6 =	sadd.s32 @!p0 s3, s7;
	s7 =	simm.s32 @!p0 $0x108  }
0x21: {  	s3 =	sadd.s32 s3, s9;
	s6 =	sadd.s32 @!p0 $0x88, s6;
	s7 =	simm.s32 @p2 $0x1082  }
0x22: {  	[simem:s7], [sflag:s8] =	dma.local @!p0 [hbm:s6], $0xF7A  }
0x23: {  	s9 =	sor.u32 $0xD0000000, s2;
	s6 =	simm.s32 $0x108;
	_ =	swait.ge @!p0 [sflag:s8], $0x0  }
0x24: {  	s3 =	sadd.s32 $0x88, s3;
	s6 =	simm.s32 @!p1 $0x1082;
	[sflag:s4] =	ssyncset.s32 $0xFFFFF086  }
0x25: {  	[simem:s6], [sflag:s4] =	dma.local [hbm:s3], $0xF7A  }
0x26: {  	[smem:$0x3F83] =	sst s1;
	(tag) =	ssettag s2;
	_ =	strace s9  }
0x27: {  	s1 =	sld [smem:$0x3F93]  }
0x28: {  	s2 =	sld [smem:$0x3F94]  }
0x29: {  	s4 =	sld [smem:$0x3F96]  }
0x2a: {  	p0 =	seq.s32 s5, $0x0;
	s5 =	sld [smem:$0x3F97]  }
0x2b: {  	s6 =	sld [smem:$0x3F98]  }
0x2c: {  	s7 =	sld [smem:$0x3F99]  }
0x2d: {  	s3 =	simm.s32 $0x108;
	s8 =	sld [smem:$0x3F9A]  }
0x2e: {  	s3 =	simm.s32 @!p0 $0x1082;
	s9 =	sld [smem:$0x3F9B]  }
0x2f: {  	lr =	sadd.s32 s0, s3;
	s0 =	sld [smem:$0x3F92]  }
0x30: {  	s3 =	sld [smem:$0x3F95]  }
0x31: {  	[smem:$0x3F9E] =	sst s10  }
0x32: {  	s10 =	sld [smem:$0x3F9C];
	_ =	sdelay $0x3  }
0x33: {  	p0 =	seq.s32 s10, $0x1;
	s10 =	sld [smem:$0x3F9E];
	_ =	sdelay $0x3  }
0x34: {  	[smem:$0x3F9E] =	sst s10  }
0x35: {  	s10 =	sld [smem:$0x3F9D];
	_ =	sdelay $0x3  }
0x36: {  	p1 =	seq.s32 s10, $0x1;
	s10 =	sld [smem:$0x3F9E];
	_ =	sdelay $0x3  }
0x37: {  	[smem:$0x3F9E] =	sst s10  }
0x38: {  	s10 =	sld [smem:$0x3F9F]  }
0x39: {  	_ = 	snop;
	(pc) =	sbr.ind lr, $3  }
0x3a: {  	_ = 	snop  }
0x3b: {  	_ = 	snop  }
0x3c: {  	p2 =	seq.s32 s10, $0x1;
	s10 =	sld [smem:$0x3F9E]  }
0x3d: {  	_ =	shalt  }
0x3e: {  	_ =	shalt  }
0x3f: {  	_ =	shalt  }
0x40: {  	_ =	shalt  }
0x41: {  	_ =	shalt  }
0x42: {  	_ =	shalt  }
0x43: {  	_ =	shalt  }
0x44: {  	_ =	shalt  }
0x45: {  	_ =	shalt  }
0x46: {  	_ =	shalt  }
0x47: {  	_ =	shalt  }
0x48: {  	_ =	shalt  }
0x49: {  	_ =	shalt  }
0x4a: {  	_ =	shalt  }
0x4b: {  	_ =	shalt  }
0x4c: {  	_ =	shalt  }
0x4d: {  	_ =	shalt  }
0x4e: {  	_ =	shalt  }
0x4f: {  	_ =	shalt  }
0x50: {  	_ =	shalt  }
0x51: {  	_ =	shalt  }
0x52: {  	_ =	shalt  }
0x53: {  	_ =	shalt  }
0x54: {  	_ =	shalt  }
0x55: {  	_ =	shalt  }
0x56: {  	_ =	shalt  }
0x57: {  	_ =	shalt  }
0x58: {  	_ =	shalt  }
0x59: {  	_ =	shalt  }
0x5a: {  	_ =	shalt  }
0x5b: {  	_ =	shalt  }
0x5c: {  	_ =	shalt  }
0x5d: {  	_ =	shalt  }
0x5e: {  	_ =	shalt  }
0x5f: {  	_ =	shalt  }
0x60: {  	_ =	shalt  }
0x61: {  	_ =	shalt  }
0x62: {  	_ =	shalt  }
0x63: {  	_ =	shalt  }
0x64: {  	_ =	shalt  }
0x65: {  	_ =	shalt  }
0x66: {  	_ =	shalt  }
0x67: {  	_ =	shalt  }
0x68: {  	_ =	shalt  }
0x69: {  	_ =	shalt  }
0x6a: {  	_ =	shalt  }
0x6b: {  	_ =	shalt  }
0x6c: {  	_ =	shalt  }
0x6d: {  	_ =	shalt  }
0x6e: {  	_ =	shalt  }
0x6f: {  	_ =	shalt  }
0x70: {  	_ =	shalt  }
0x71: {  	_ =	shalt  }
0x72: {  	_ =	shalt  }
0x73: {  	_ =	shalt  }
0x74: {  	_ =	shalt  }
0x75: {  	_ =	shalt  }
0x76: {  	_ =	shalt  }
0x77: {  	_ =	shalt  }
0x78: {  	_ =	shalt  }
0x79: {  	_ =	shalt  }
0x7a: {  	_ =	shalt  }
0x7b: {  	_ =	shalt  }
0x7c: {  	_ =	shalt  }
0x7d: {  	_ =	shalt  }
0x7e: {  	_ =	shalt  }
0x7f: {  	_ =	shalt  }
0x80: {  	_ =	shalt  }
0x81: {  	_ =	shalt  }
0x82: {  	_ =	shalt  }
0x83: {  	_ =	shalt  }
0x84: {  	_ =	shalt  }
0x85: {  	_ =	shalt  }
0x86: {  	_ =	shalt  }
0x87: {  	_ =	shalt  }
.Lfunc_end0:
.L_simem_size_0:
called_computation.5_lowered:
.L_overlay_start_0:
0x88: {  	s2 =	sld [smem:$0x3FD9]  }
0x89: {  	s3 =	sld [smem:$0x3FFE];
	_ =	sdelay $0x1  }
0x8a: {  	s1 =	srdreg.scid  }
0x8b: {  	s0 =	sand.u32 $0x1, s1  }
0x8c: {  	s17 =	sshll.u32 s0, $0xA;
	s2 =	sadd.s32 s3, s2  }
0x8d: {  	s2 =	sadd.s32 s2, s17  }
0x8e: {  	[smem:$0x3FAA] =	sst s2  }
0x8f: {  	_ = 	snop  }
0x90: {  	(tm) =	ssettm $0x1  }
0x91: {  	s18 =	sld [smem:$0x3FFB];
	_ =	sdelay $0x3  }
0x92: {  	_ =	strace s18  }
0x93: {  	s2 =	sld [smem:$0x3FFC];
	_ =	sdelay $0x3  }
0x94: {  	_ =	strace s2  }
0x95: {  	s2 =	sld [smem:$0x3FFD];
	_ =	sdelay $0x3  }
0x96: {  	_ =	strace s2  }
0x97: {  	_ =	strace $0x8FFFFFFF  }
0x98: {  	s19 =	sld [smem:$0x3FDB];
	_ =	sdelay $0x1  }
0x99: {  	s20 =	simm.s32 $_scs_section_size  }
0x9a: {  	s4 =	simm.s32 $_size__tile_overlayer_lowered;
	s5 =	simm.s32 $_tile_overlayer_lowered  }
0x9b: {  	s6 =	simm.s32 $0x1BFF;
	s21 =	sshll.u32 s5, $0x1;
	s3 =	sadd.s32 s20, s19  }
0x9c: {  	s22 =	simm.s32 $0x0;
	s4 =	sshll.u32 s4, $0x1;
	s5 =	sadd.s32 s21, s3  }
0x9d: {  	[timem:s22], [sflag:s6] =	dma.local [hbm:s5], s4  }
0x9e: {  	_ =	swait.ge [sflag:s6], s4  }
0x9f: {  	s4 =	ssub.s32 $0x0, s4;
	[sflag:s6] =	ssyncset.done $0x0  }
0xa0: {  	[sflag:s6] =	ssyncadd.s32 s4;
	_ =	sdelay $0x1  }
0xa1: {  	s23 =	simm.s32 $0x1B8B  }
0xa2: {  	_ =	swait.ge [sflag:s23], $0x1  }
0xa3: {  	[sflag:s23] =	ssyncset.done $0x0  }
0xa4: {  	[sflag:s23] =	ssyncadd.s32 $0xFFFFFFFF  }
0xa5: {  	s4 =	sld [smem:$0x0]  }
0xa6: {  	s5 =	sand.u32 $0xFFFFFFFE, s1  }
0xa7: {  	p0 =	sne.s32 s1, s5  }
0xa8: {  	s5 =	sshll.u32 @p0 s5, $0xE  }
0xa9: {  	s5 =	sadd.s32 @p0 $0x11B8D, s5;
	s6 =	sshll.u32 @p0 s4, $0x11  }
0xaa: {  	s5 =	sor.u32 @p0 s6, s5  }
0xab: {  	[sflag:s5] =	ssyncadd.remote.s32 @p0 $0x1;
	_ =	sdelay $0x1  }
0xac: {  	s5 =	simm.s32 @p0 $0x1B8D  }
0xad: {  	_ =	swait.eq @p0 [sflag:s5], $0x1  }
0xae: {  	[sflag:s5] =	ssyncadd.s32 @p0 $0xFFFFFFFF  }
0xaf: {  	s6 =	sshll.u32 @!p0 s1, $0xE  }
0xb0: {  	s6 =	sor.u32 @!p0 $0x4000, s6;
	s5 =	simm.s32 @!p0 $0x1B8D  }
0xb1: {  	s4 =	sshll.u32 @!p0 s4, $0x11;
	s6 =	sadd.s32 @!p0 $0x11B8D, s6;
	_ =	swait.eq @!p0 [sflag:s5], $0x1  }
0xb2: {  	s4 =	sor.u32 @!p0 s4, s6;
	[sflag:s5] =	ssyncadd.s32 @!p0 $0xFFFFFFFF  }
0xb3: {  	s25 =	simm.s32 $0x1B8E;
	s24 =	sld [smem:$0x3FFE];
	[sflag:s4] =	ssyncadd.remote.s32 @!p0 $0x1  }
0xb4: {  	s26 =	simm.s32 $execute0_lowered;
	[smem:$0x3FD2] =	sst s25  }
0xb5: {  	s5 =	sshll.u32 s26, $0x1;
	_ =	strace $0x80000052;
	[dreg:$0x1] =	wrdreg $0xFFFFFFFF  }
0xb6: {  	s28 =	simm.s32 $_size_execute0_lowered;
	s3 =	sadd.s32 s3, s5;
	[dreg:$0x0] =	wrdreg $0x0  }
0xb7: {  	s5 =	sshll.u32 s28, $0x1;
	[dreg:$0x2] =	wrdreg s3  }
0xb8: {  	[dreg:$0x3] =	wrdreg s5  }
0xb9: {  	[dreg:$0x4] =	wrdreg $0xC0  }
0xba: {  	_ =	task [dreg:s22], $0x5FFFF  }
0xbb: {  	[dreg:$0x1] =	wrdreg $0xFFFFFFFF  }
0xbc: {  	[dreg:$0x0] =	wrdreg $0x60  }
0xbd: {  	[dreg:$0x2] =	wrdreg s24  }
0xbe: {  	[dreg:$0x3] =	wrdreg $0xB0000  }
0xbf: {  	[dreg:$0x4] =	wrdreg $0xA  }
0xc0: {  	_ =	task.clear_ibuf [dreg:s22], $0x5FFFF;
	_ =	strace $0x90000052  }
0xc1: {  	s29 =	simm.s32 $0xA;
	_ =	strace $0x80000054  }
0xc2: {  	_ =	swait.ge [sflag:s29], $0x1  }
0xc3: {  	[sflag:s29] =	ssyncadd.s32 $0xFFFFFFFF  }
0xc4: {  	_ =	strace $0x90000054  }
0xc5: {  	_ =	sfence  }
0xc6: {  	s30 =	sld [smem:$0x0];
	_ =	sdelay $0x2  }
0xc7: {  	s31 =	sshll.u32 s1, $0xD;
	s1 =	sshrl.u32 s1, $0x2  }
0xc8: {  	s4 =	sand.u32 $0x4000, s31;
	s1 =	sadd.s32 s1, s30  }
0xc9: {  	s0 =	sor.u32 s4, s0;
	s1 =	sshll.u32 s1, $0x11  }
0xca: {  	s0 =	sor.u32 s1, s0  }
0xcb: {  	s0 =	sadd.s32 $0x8F2B, s0  }
0xcc: {  	[sflag:s0] =	ssyncadd.remote.s32 $0x1  }
0xcd: {  	_ =	sfence.sel $0xFFFF  }
0xce: {  	[dreg:$0x0] =	wrdreg $0xFFFFFFFF;
	(pc) =	sbr.abs _section_cstart, $3  }
0xcf: {  	[dreg:$0x1] =	wrdreg $0xFFFFFFFF  }
0xd0: {  	_ =	task.clear_ibuf [dreg:s22], $0x2FFFF;
	_ =	strace $0x9FFFFFFF  }
0xd1: {  	(tm) =	ssettm $0x7FFFFFFF  }
tec
execute0_lowered:
.L_overlay_start_1:
0x0: {  	(tag) =	ssettag $0x1  }
0x1: {  	s5 =	rddreg [dreg:$0x0]  }
0x2: {  	s2 =	rddreg [dreg:$0x1];
	s3 =	srdreg.scid  }
0x3: {  	s0 =	rddreg [dreg:$0x2];
	s1 =	stileid.u32  }
0x4: {  	s19 =	simm.s32 $0x9000;
	s20 =	simm.s32 $0x2;
	s21 =	simm.s32 $0x2800  }
0x5: {  	s22 =	simm.s32 $0x80;
	s23 =	simm.s32 $0x5000;
	s8 =	smul.u32 $0x14000, s1  }
0x6: {  	s24 =	simm.s32 $0x1;
	s6 =	sand.u32 $0x1, s3;
	s29 =	smul.u32 $0x50000, s1  }
0x7: {  	s3 =	simm.s32 $0x0;
	s4 =	sshll.u32 s1, $0x1;
	s7 =	smul.u32 $0x140000, s6  }
0x8: {  	[smem:$0x7FF] =	sst s3;
	s4 =	sor.u32 s6, s4;
	s6 =	ssub.s32 $0x2, s6  }
0x9: {  	_ =	strace $0x80000053;
	s9 =	smul.u32 $0x500, s4;
	s4 =	sadd.s32 $0x1CE00, s5  }
0xa: {  	s30 =	sshrl.u32 s6, $0x1;
	s31 =	sshrl.u32 s29, $0x2;
	s7 =	sadd.s32 s8, s7  }
0xb: {  	s11 =	ssub.s32 s6, s30;
	s9 =	sadd.s32 s9, s5;
	s7 =	sshrl.u32 s7, $0x3  }
0xc: {  	s10 =	sadd.s32 s7, s5;
	s5 =	sadd.s32 s31, s2;
	s6 =	sadd.s32 $0x8E00, s9  }
0xd: {  	s7 =	sadd.s32 $0x12E00, s9;
	s9 =	smax.u32 s11, $0x1;
	s8 =	sadd.s32 $0x44E00, s10  }
0xe: {  	s10 =	sadd.s32 $0x2000, s5;
	s11 =	sadd.s32 $0x4000, s5;
	s12 =	sadd.s32 $0x6000, s5  }
0xf: {  	s13 =	sadd.s32 $0x8000, s5;
	s14 =	sadd.s32 $0xA000, s5;
	s15 =	sadd.s32 $0xC000, s5  }
0x10: {  	v0 =	vimm.f32 $0.0e+00;
	s16 =	sadd.s32 $0xE000, s5;
	s17 =	sadd.s32 $0x10000, s5;
	s18 =	sadd.s32 $0x12000, s5  }
.LBB2_1:
0x11: {  	s25 =	simm.s32 $0x0;
	s26 =	simm.s32 $0x200  }
.LBB2_2:
0x12: {  	p0 =	sne.s32 s26, $0x7E00;
	[tilespmem:s25+$0x9070] =	vst v0  }
0x13: {  	[tilespmem:s25+$0x9000] =	vst v0  }
0x14: {  	[tilespmem:s25+$0x9010] =	vst v0  }
.Ltmp0:
0x15: {  	[tilespmem:s25+$0x9020] =	vst v0;
	(pc) =	sbr.rel @p0 .LBB2_2-.Ltmp0, $4  }
0x16: {  	[tilespmem:s25+$0x9030] =	vst v0  }
0x17: {  	[tilespmem:s25+$0x9040] =	vst v0  }
0x18: {  	[tilespmem:s25+$0x9050] =	vst v0  }
0x19: {  	[tilespmem:s25+$0x9060] =	vst v0;
	s25 =	sshra.s32 s26, $0x2;
	s26 =	sadd.s32 $0x200, s26  }
0x1a: {  	[tilespmem:s25+$0x9070] =	vst v0  }
0x1b: {  	[tilespmem:s25+$0x9000] =	vst v0  }
0x1c: {  	[tilespmem:s25+$0x9010] =	vst v0  }
0x1d: {  	[tilespmem:s25+$0x9020] =	vst v0  }
0x1e: {  	[tilespmem:s25+$0x9030] =	vst v0  }
0x1f: {  	[tilespmem:s25+$0x9040] =	vst v0  }
0x20: {  	[tilespmem:s25+$0x9050] =	vst v0  }
0x21: {  	[tilespmem:s25+$0x9060] =	vst v0  }
0x22: {  	[spmem:s5] =	stream.linear.scatter [tilespmem:s19], [sflag:$0x2], $0x2000, $0x38;
	[tilespmem:$0x1F000] =	vst v63  }
0x23: {  	_ =	swait.ge [sflag:s20], $0x2000  }
0x24: {  	[sflag:s20] =	ssyncset.done $0x0  }
0x25: {  	[sflag:s20] =	ssyncadd.s32 $0xFFFFE000  }
0x26: {  	[spmem:s10] =	stream.linear.scatter [tilespmem:s19], [sflag:$0x2], $0x2000, $0x38;
	[tilespmem:$0x1F000] =	vst v63  }
0x27: {  	_ =	swait.ge [sflag:s20], $0x2000  }
0x28: {  	[sflag:s20] =	ssyncset.done $0x0  }
0x29: {  	[sflag:s20] =	ssyncadd.s32 $0xFFFFE000  }
0x2a: {  	[spmem:s11] =	stream.linear.scatter [tilespmem:s19], [sflag:$0x2], $0x2000, $0x38;
	[tilespmem:$0x1F000] =	vst v63  }
0x2b: {  	_ =	swait.ge [sflag:s20], $0x2000  }
0x2c: {  	[sflag:s20] =	ssyncset.done $0x0  }
0x2d: {  	[sflag:s20] =	ssyncadd.s32 $0xFFFFE000  }
0x2e: {  	[spmem:s12] =	stream.linear.scatter [tilespmem:s19], [sflag:$0x2], $0x2000, $0x38;
	[tilespmem:$0x1F000] =	vst v63  }
0x2f: {  	_ =	swait.ge [sflag:s20], $0x2000  }
0x30: {  	[sflag:s20] =	ssyncset.done $0x0  }
0x31: {  	[sflag:s20] =	ssyncadd.s32 $0xFFFFE000  }
0x32: {  	[spmem:s13] =	stream.linear.scatter [tilespmem:s19], [sflag:$0x2], $0x2000, $0x38;
	[tilespmem:$0x1F000] =	vst v63  }
0x33: {  	_ =	swait.ge [sflag:s20], $0x2000  }
0x34: {  	[sflag:s20] =	ssyncset.done $0x0  }
0x35: {  	[sflag:s20] =	ssyncadd.s32 $0xFFFFE000  }
0x36: {  	[spmem:s14] =	stream.linear.scatter [tilespmem:s19], [sflag:$0x2], $0x2000, $0x38;
	[tilespmem:$0x1F000] =	vst v63  }
0x37: {  	_ =	swait.ge [sflag:s20], $0x2000  }
0x38: {  	[sflag:s20] =	ssyncset.done $0x0  }
0x39: {  	[sflag:s20] =	ssyncadd.s32 $0xFFFFE000  }
0x3a: {  	[spmem:s15] =	stream.linear.scatter [tilespmem:s19], [sflag:$0x2], $0x2000, $0x38;
	[tilespmem:$0x1F000] =	vst v63  }
0x3b: {  	_ =	swait.ge [sflag:s20], $0x2000  }
0x3c: {  	[sflag:s20] =	ssyncset.done $0x0  }
0x3d: {  	[sflag:s20] =	ssyncadd.s32 $0xFFFFE000  }
0x3e: {  	[spmem:s16] =	stream.linear.scatter [tilespmem:s19], [sflag:$0x2], $0x2000, $0x38;
	[tilespmem:$0x1F000] =	vst v63  }
0x3f: {  	_ =	swait.ge [sflag:s20], $0x2000  }
0x40: {  	[sflag:s20] =	ssyncset.done $0x0  }
0x41: {  	[sflag:s20] =	ssyncadd.s32 $0xFFFFE000  }
0x42: {  	[spmem:s17] =	stream.linear.scatter [tilespmem:s19], [sflag:$0x2], $0x2000, $0x38;
	[tilespmem:$0x1F000] =	vst v63  }
0x43: {  	_ =	swait.ge [sflag:s20], $0x2000  }
0x44: {  	[sflag:s20] =	ssyncset.done $0x0  }
0x45: {  	[sflag:s20] =	ssyncadd.s32 $0xFFFFE000  }
0x46: {  	[spmem:s18] =	stream.linear.scatter [tilespmem:s19], [sflag:$0x2], $0x2000, $0x38;
	[tilespmem:$0x1F000] =	vst v63  }
0x47: {  	_ =	swait.ge [sflag:s20], $0x2000  }
0x48: {  	[sflag:s20] =	ssyncset.done $0x0  }
0x49: {  	[sflag:s20] =	ssyncadd.s32 $0xFFFFE000  }
0x4a: {  	s29 =	simm.s32 $0x0;
	[bflag:$0x0] =	sbarrier.arrive $0xFFFF  }
0x4b: {  	[tilespmem:s29], [sflag:$0x2] =	stream.linear.gather [hbm4b:s6+s29], $0x2780, $0x38;
	[tilespmem:$0x1F000] =	vst v63  }
0x4c: {  	_ =	swait.ge [sflag:s20], $0x2780  }
0x4d: {  	[sflag:s20] =	ssyncset.done $0x0  }
0x4e: {  	[sflag:s20] =	ssyncadd.s32 $0xFFFFD880  }
0x4f: {  	[tilespmem:s21], [sflag:$0x2] =	stream.linear.gather [hbm4b:s7+s29], $0x2780, $0x38;
	[tilespmem:$0x1F000] =	vst v63  }
0x50: {  	_ =	swait.ge [sflag:s20], $0x2780  }
0x51: {  	[sflag:s20] =	ssyncset.done $0x0  }
0x52: {  	s30 =	simm.s32 $0x0;
	[sflag:s20] =	ssyncadd.s32 $0xFFFFD880  }
0x53: {  	[tilespmem:s23], [sflag:$0x1] =	stream.indirect.gather [hbm4b:s4+s22], $0x80, s30, s22, $0xb8;
	[tilespmem:$0x1F000] =	vst v63  }
0x54: {  	_ =	swait.ge [sflag:s24], $0x4000  }
0x55: {  	[sflag:s24] =	ssyncset.done $0x0  }
0x56: {  	s31 =	simm.s32 $0x2800;
	[sflag:s24] =	ssyncadd.s32 $0xFFFFC000  }
0x57: {  	[spmem:s2] =	stream.indirect.scatter.add.f32 [tilespmem:s23], [sflag:$0x2], $0x80, s31, s22, $0xb8;
	[tilespmem:$0x1F000] =	vst v63  }
0x58: {  	_ =	swait.ge [sflag:s20], $0x4000  }
0x59: {  	s25 =	simm.s32 $0x200;
	s26 =	simm.s32 $0x400;
	[sflag:s20] =	ssyncset.done $0x0  }
.LBB2_4:
0x5a: {  	s28 =	sshra.s32 s25, $0x2  }
0x5b: {  	[sflag:s20] =	ssyncadd.s32 $0xFFFFC000;
	s25 =	smov.u32 s26;
	s29 =	sadd.s32 $0x200, s26  }
0x5c: {  	[tilespmem:s23], [sflag:$0x1] =	stream.indirect.gather [hbm4b:s4+s22], $0x80, s28, s22, $0xb8;
	[tilespmem:$0x1F000] =	vst v63  }
0x5d: {  	p0 =	sne.s32 s26, $0x9C00;
	_ =	swait.ge [sflag:s24], $0x4000  }
.Ltmp1:
0x5e: {  	[sflag:s24] =	ssyncset.done $0x0;
	(pc) =	sbr.rel @p0 .LBB2_4-.Ltmp1, $4  }
0x5f: {  	s26 =	sadd.s32 $0x2800, s28;
	[sflag:s24] =	ssyncadd.s32 $0xFFFFC000  }
0x60: {  	[spmem:s2] =	stream.indirect.scatter.add.f32 [tilespmem:s23], [sflag:$0x2], $0x80, s26, s22, $0xb8;
	[tilespmem:$0x1F000] =	vst v63  }
0x61: {  	_ =	swait.ge [sflag:s20], $0x4000  }
0x62: {  	s26 =	smov.u32 s29;
	[sflag:s20] =	ssyncset.done $0x0  }
0x63: {  	s25 =	sshra.s32 s25, $0x2;
	[sflag:s20] =	ssyncadd.s32 $0xFFFFC000  }
0x64: {  	[tilespmem:s23], [sflag:$0x1] =	stream.indirect.gather [hbm4b:s4+s22], $0x80, s25, s22, $0xb8;
	[tilespmem:$0x1F000] =	vst v63  }
0x65: {  	_ =	swait.ge [sflag:s24], $0x4000  }
0x66: {  	[sflag:s24] =	ssyncset.done $0x0  }
0x67: {  	s25 =	sadd.s32 $0x2800, s25;
	[sflag:s24] =	ssyncadd.s32 $0xFFFFC000  }
0x68: {  	[spmem:s2] =	stream.indirect.scatter.add.f32 [tilespmem:s23], [sflag:$0x2], $0x80, s25, s22, $0xb8;
	[tilespmem:$0x1F000] =	vst v63  }
0x69: {  	_ =	swait.ge [sflag:s20], $0x4000  }
0x6a: {  	s31 =	sshll.u32 s1, $0x6;
	s3 =	sadd.s32 $0x1, s3;
	[sflag:s20] =	ssyncset.done $0x0  }
0x6b: {  	s26 =	sshrl.u32 s5, $0x3;
	p0 =	sne.s32 s3, s9;
	[sflag:s20] =	ssyncadd.s32 $0xFFFFC000  }
.Ltmp2:
0x6c: {  	s25 =	sor.u32 $0x1C02, s31;
	[bflag:$0x0] =	sbarrier.arrive $0xFFFF;
	(pc) =	sbr.rel @p0 .LBB2_1-.Ltmp2, $4  }
0x6d: {  	[hbm:s8], [sflag:s25] =	dma.local [spmem:s26], $0x2800  }
0x6e: {  	_ =	swait.ge [sflag:s20], $0x2800  }
0x6f: {  	[sflag:s20] =	ssyncset.done $0x0  }
0x70: {  	[sflag:s20] =	ssyncadd.s32 $0xFFFFD800  }
0x71: {  	_ =	sfence.sel $0x180000  }
0x72: {  	[bflag:$0x0] =	sbarrier.arrive $0xFFFF  }
0x73: {  	p0 =	sne.s32 s1, $0x0;
	_ =	strace $0x90000053  }
0x74: {  	s0 =	sadd.s32 @!p0 $0x100000, s0;
	[bflag:$0x2] =	sbarrier.arrive $0xFFFF  }
0x75: {  	[sflag:s0] =	ssyncadd.tile.s32 @!p0 $0x1;
	_ =	shalt  }
.Lfunc_end2:
_tile_overlayer_lowered:
.L_overlay_start_2:
0x76: {  	(tag) =	ssettag $0x2  }
0x77: {  	s0 =	rddreg [dreg:$0x0];
	s2 =	stileid.u32  }
0x78: {  	s1 =	rddreg [dreg:$0x1];
	p0 =	sne.s32 s2, $0x0  }
0x79: {  	s3 =	rddreg [dreg:$0x2];
	[bflag:$0x3] =	sbarrier.arrive $0xFFFF;
	s2 =	simm.s32 @!p0 $0x1C02  }
0x7a: {  	[timem:s3], [sflag:s2] =	dma.local @!p0 [hbm:s0], s1  }
0x7b: {  	s0 =	simm.s32 @!p0 $0x2  }
0x7c: {  	_ =	swait.ge @!p0 [sflag:s0], s1  }
0x7d: {  	s1 =	ssub.s32 @!p0 $0x0, s1;
	[sflag:s0] =	ssyncset.done @!p0 $0x0  }
0x7e: {  	[sflag:s0] =	ssyncadd.s32 @!p0 s1  }
0x7f: {  	[bflag:$0x3] =	sbarrier.arrive $0xFFFF  }
0x80: {  	_ =	shalt  }

</sc_bundles>
